<compile_context>
chip_gen: v7x
topology: tpu7x:2x2x1
jax: 0.10.2.dev20260603
libtpu: 0.0.44.dev20260713+nightly
codegen_flags: <defaults>
</compile_context>

<pallas_src>
import functools

import jax
import jax.numpy as jnp
from jax import lax
from jax.experimental import pallas as pl
from jax.experimental.pallas import tpu as pltpu
from jax.experimental.pallas import tpu_sc as plsc

_SCORE_THRESH = 0.25
_NMS_THRESH = 0.45
_DETECTIONS = 300
_N = 5000
_L = 16
_NPAD = 5008
_NCHUNK = _NPAD // _L
_KPAD = 304

_mesh = plsc.VectorSubcoreMesh(core_axis_name="c", subcore_axis_name="s")


def _iou_vs_chunk(bx1, by1, bx2, by2, barea, x1, y1, x2, y2, area):
    ltx = jnp.maximum(bx1, x1)
    lty = jnp.maximum(by1, y1)
    rbx = jnp.minimum(bx2, x2)
    rby = jnp.minimum(by2, y2)
    w = jnp.maximum(rbx - ltx, jnp.float32(0.0))
    h = jnp.maximum(rby - lty, jnp.float32(0.0))
    inter = w * h
    return inter / (barea + area - inter + jnp.float32(1e-7))


@functools.partial(
    pl.kernel,
    out_type=jax.ShapeDtypeStruct((8, _KPAD), jnp.float32),
    mesh=_mesh,
    scratch_types=[
        pltpu.VMEM((5, _NPAD), jnp.float32),
        pltpu.VMEM((_NPAD,), jnp.int32),
        pltpu.VMEM((_L,), jnp.float32),
        pltpu.VMEM((8, _KPAD), jnp.float32),
        pltpu.SMEM((1,), jnp.int32),
    ],
    compiler_params=pltpu.CompilerParams(needs_layout_passes=False),
)
def _nms_sc(b_hbm, ord_hbm, out_hbm, tab_v, ord_v, sup_v, kept_v, nk_s):
    cid = lax.axis_index("c")
    sid = lax.axis_index("s")

    @pl.when((cid == 0) & (sid == 0))
    def _():
        zero16 = jnp.zeros((_L,), jnp.float32)
        for r in range(8):
            def _z(j, _, r=r):
                kept_v[r, pl.ds(j * _L, _L)] = zero16
                return 0
            lax.fori_loop(0, _KPAD // _L, _z, 0)

        rid = lax.iota(jnp.int32, _L)
        rowc = [jnp.full((_L,), r, jnp.int32) for r in range(6)]
        nk_s[0] = jnp.int32(0)
        pltpu.sync_copy(b_hbm, tab_v)
        pltpu.sync_copy(ord_hbm, ord_v)

        def chunk(c, carry):
            @pl.when(nk_s[0] < _DETECTIONS)
            def _():
                nk0 = nk_s[0]
                base = c * _L
                ovec = ord_v[pl.ds(base, _L)]

                x1 = plsc.load_gather(tab_v, [rowc[0], ovec])
                y1 = plsc.load_gather(tab_v, [rowc[1], ovec])
                x2 = plsc.load_gather(tab_v, [rowc[2], ovec])
                y2 = plsc.load_gather(tab_v, [rowc[3], ovec])
                s = plsc.load_gather(tab_v, [rowc[4], ovec])
                area = (x2 - x1) * (y2 - y1)

                sup = jnp.where(s <= jnp.float32(_SCORE_THRESH),
                                jnp.float32(1.0), jnp.float32(0.0))

                def kbody(k, sup):
                    for u in range(4):
                        kv = jnp.full((_L,), 4 * k + u, jnp.int32)
                        kx1 = plsc.load_gather(kept_v, [rowc[0], kv])
                        ky1 = plsc.load_gather(kept_v, [rowc[1], kv])
                        kx2 = plsc.load_gather(kept_v, [rowc[2], kv])
                        ky2 = plsc.load_gather(kept_v, [rowc[3], kv])
                        ka = (kx2 - kx1) * (ky2 - ky1)
                        iou = _iou_vs_chunk(kx1, ky1, kx2, ky2, ka,
                                            x1, y1, x2, y2, area)
                        sup = jnp.where(iou > jnp.float32(_NMS_THRESH),
                                        jnp.float32(1.0), sup)
                    return sup

                sup = lax.fori_loop(0, (nk0 + 3) // 4, kbody, sup)
                sup_v[...] = sup

                nk = nk0
                for i in range(_L):
                    supc = sup_v[...]
                    keep = (supc[i] == jnp.float32(0.0)) & (nk < _DETECTIONS)

                    @pl.when(keep)
                    def _(i=i, nk=nk):
                        bx1 = x1[i]
                        by1 = y1[i]
                        bx2 = x2[i]
                        by2 = y2[i]
                        ba = area[i]
                        lane = rid == i
                        nkv = jnp.full((_L,), nk, jnp.int32)
                        plsc.store_scatter(kept_v, [rowc[0], nkv], x1, mask=lane)
                        plsc.store_scatter(kept_v, [rowc[1], nkv], y1, mask=lane)
                        plsc.store_scatter(kept_v, [rowc[2], nkv], x2, mask=lane)
                        plsc.store_scatter(kept_v, [rowc[3], nkv], y2, mask=lane)
                        plsc.store_scatter(kept_v, [rowc[4], nkv], s, mask=lane)
                        plsc.store_scatter(kept_v, [rowc[5], nkv], area, mask=lane)
                        iou = _iou_vs_chunk(bx1, by1, bx2, by2, ba,
                                            x1, y1, x2, y2, area)
                        sup_v[...] = jnp.where(iou > jnp.float32(_NMS_THRESH),
                                               jnp.float32(1.0), sup_v[...])

                    nk = jnp.where(keep, nk + jnp.int32(1), nk)

                nk_s[0] = nk

                @pl.when(s[0] <= jnp.float32(_SCORE_THRESH))
                def _():
                    nk_s[0] = jnp.int32(_DETECTIONS)

            return carry

        lax.fori_loop(0, _NCHUNK, chunk, jnp.int32(0))
        pltpu.sync_copy(kept_v, out_hbm)


def kernel(boxes, scores):
    order = jnp.argsort(-scores).astype(jnp.int32)
    b5 = jnp.concatenate([boxes, scores[:, None]], axis=1)
    b5 = jnp.pad(b5, ((0, _NPAD - _N), (0, 0))).T
    order_p = jnp.pad(order, (0, _NPAD - _N), constant_values=_N)
    out = _nms_sc(b5, order_p)
    return out[:5, :_DETECTIONS].T

# --- scband reference (transcript-rebuilt; emitter-appended) ---
"""Pipeline reference for scband-yolov5-86517821215571 (READ-ONLY COPY).

The authoritative reference and input builder live on the scoring server;
editing this copy changes nothing except your own understanding.
"""

import jax, jax.numpy as jnp
import numpy as np

SCORE_THRESH = 0.25
NMS_THRESH = 0.45
DETECTIONS = 300
N_BOXES = 5000


def setup_inputs(seed: int = 0) -> dict:
    key = jax.random.key(seed)
    k1, k2, k3 = jax.random.split(key, 3)
    xy = jax.random.uniform(k1, (N_BOXES, 2), dtype=jnp.float32) * 576.0
    wh = jax.random.uniform(k2, (N_BOXES, 2), dtype=jnp.float32) * 60.0 + 4.0
    boxes = jnp.concatenate([xy, xy + wh], axis=1)
    scores = jax.random.uniform(k3, (N_BOXES,), dtype=jnp.float32)
    return {"boxes": boxes, "scores": scores}


def _iou_one_to_many(box, boxes):
    lt = jnp.maximum(box[:2], boxes[:, :2])
    rb = jnp.minimum(box[2:], boxes[:, 2:])
    wh = jnp.clip(rb - lt, 0.0)
    inter = wh[:, 0] * wh[:, 1]
    area1 = (box[2] - box[0]) * (box[3] - box[1])
    area2 = (boxes[:, 2] - boxes[:, 0]) * (boxes[:, 3] - boxes[:, 1])
    return inter / (area1 + area2 - inter + 1e-7)


def reference(boxes, scores):
    # YOLOv5-style post-processing: score threshold filter + greedy NMS,
    # keeping at most DETECTIONS boxes (fixed-shape, padded with zeros).
    n = boxes.shape[0]
    order = jnp.argsort(-scores)
    boxes_s = jnp.take(boxes, order, axis=0)
    scores_s = jnp.take(scores, order, axis=0)
    suppressed0 = scores_s <= SCORE_THRESH
    idx_range = jnp.arange(n, dtype=jnp.float32)

    def step(suppressed, _):
        cand = jnp.where(suppressed, jnp.float32(n), idx_range)
        idx = jnp.argmin(cand).astype(jnp.int32)
        valid = jnp.logical_not(suppressed[idx])
        ious = _iou_one_to_many(boxes_s[idx], boxes_s)
        new_sup = jnp.logical_or(suppressed, ious > NMS_THRESH)
        new_sup = new_sup.at[idx].set(True)
        return new_sup, (idx, valid)

    _, (idxs, valids) = jax.lax.scan(step, suppressed0, None, length=DETECTIONS)
    mask = valids.astype(boxes.dtype)
    sel_boxes = jnp.take(boxes_s, idxs, axis=0) * mask[:, None]
    sel_scores = jnp.take(scores_s, idxs, axis=0) * mask
    return jnp.concatenate([sel_boxes, sel_scores[:, None]], axis=1)

if __name__ == "__main__":
    import jax
    _d = setup_inputs()
    print(jax.jit(kernel)(*tuple(_d.values())))

</pallas_src>

<mosaic_0001>
#map = affine_map<(d0, d1) -> (0, 0)>
#map1 = affine_map<(d0, d1) -> (0)>
module attributes {stable_mosaic.version = 14 : i64} {
  func.func @_nms_sc(%arg0: i32, %arg1: i32, %arg2: memref<5x5008xf32, #tpu.memory_space<hbm>>, %arg3: memref<5008xi32, #tpu.memory_space<hbm>>, %arg4: memref<8x304xf32, #tpu.memory_space<hbm>>, %arg5: memref<5x5008xf32, #tpu.memory_space<vmem>>, %arg6: memref<5008xi32, #tpu.memory_space<vmem>>, %arg7: memref<16xf32, #tpu.memory_space<vmem>>, %arg8: memref<8x304xf32, #tpu.memory_space<vmem>>, %arg9: memref<1xi32, #tpu.memory_space<smem>>) attributes {dimension_semantics = [#tpu.dimension_semantics<core_parallel>, #tpu.dimension_semantics<subcore_parallel>], iteration_bounds = array<i64: 2, 16>, scalar_prefetch = 0 : i64, scratch_operands = 5 : i64, tpu.core_type = #tpu.core_type<sc_vector_subcore>, window_params = [{transform_indices = #map}, {transform_indices = #map1}, {transform_indices = #map}]} {
    %eq3A = arith.constant 0 : i32
    %eq3A_0 = arith.cmpi eq, %arg0, %eq3A : i32
    %eq3A_1 = arith.constant 0 : i32
    %eq3A_2 = arith.cmpi eq, %arg1, %eq3A_1 : i32
    %and3A = arith.andi %eq3A_0, %eq3A_2 : i1
    %convert_element_type3A = arith.extui %and3A : i1 to i32
    %cond3A = arith.constant 0 : i32
    %cond3A_3 = arith.cmpi ne, %convert_element_type3A, %cond3A : i32
    scf.if %cond3A_3 {
      %broadcast_in_dim3A = arith.constant 0.000000e+00 : f32
      %broadcast_in_dim3A_4 = vector.broadcast %broadcast_in_dim3A : f32 to vector<16xf32>
      %scan3A = arith.constant 0 : i32
      %scan3A_5 = arith.constant 0 : i32
      %scan3A_6 = arith.constant 19 : i32
      %scan3A_7 = arith.addi %scan3A_5, %scan3A_6 : i32
      %scan3A_8 = arith.constant 1 : i32
      %scan3A_9 = scf.for %scan3A_81 = %scan3A_5 to %scan3A_7 step %scan3A_8 iter_args(%scan3A_82 = %scan3A) -> (i32)  : i32 {
        %mul3A = arith.constant 16 : i32
        %mul3A_83 = arith.muli %scan3A_81, %mul3A : i32
        %swap3A_84 = arith.constant 0 : i32
        %swap3A_85 = arith.index_cast %swap3A_84 : i32 to index
        %swap3A_86 = arith.index_cast %mul3A_83 : i32 to index
        %swap3A_87 = tpu.vector_load %arg8[%swap3A_85, %swap3A_86] {strides = array<i32>} : memref<8x304xf32, #tpu.memory_space<vmem>>, vector<16xf32>,
        tpu.vector_store %arg8[%swap3A_85, %swap3A_86], %broadcast_in_dim3A_4 {strides = array<i32>} : memref<8x304xf32, #tpu.memory_space<vmem>>, vector<16xf32>,
        %scan3A_88 = arith.constant 0 : i32
        scf.yield %scan3A_88 : i32
      }
      %scan3A_10 = arith.constant 19 : i32
      %scan3A_11 = arith.constant 0 : i32
      %scan3A_12 = arith.constant 0 : i32
      %scan3A_13 = arith.constant 19 : i32
      %scan3A_14 = arith.addi %scan3A_12, %scan3A_13 : i32
      %scan3A_15 = arith.constant 1 : i32
      %scan3A_16 = scf.for %scan3A_81 = %scan3A_12 to %scan3A_14 step %scan3A_15 iter_args(%scan3A_82 = %scan3A_11) -> (i32)  : i32 {
        %mul3A = arith.constant 16 : i32
        %mul3A_83 = arith.muli %scan3A_81, %mul3A : i32
        %swap3A_84 = arith.constant 1 : i32
        %swap3A_85 = arith.index_cast %swap3A_84 : i32 to index
        %swap3A_86 = arith.index_cast %mul3A_83 : i32 to index
        %swap3A_87 = tpu.vector_load %arg8[%swap3A_85, %swap3A_86] {strides = array<i32>} : memref<8x304xf32, #tpu.memory_space<vmem>>, vector<16xf32>,
        tpu.vector_store %arg8[%swap3A_85, %swap3A_86], %broadcast_in_dim3A_4 {strides = array<i32>} : memref<8x304xf32, #tpu.memory_space<vmem>>, vector<16xf32>,
        %scan3A_88 = arith.constant 0 : i32
        scf.yield %scan3A_88 : i32
      }
      %scan3A_17 = arith.constant 19 : i32
      %scan3A_18 = arith.constant 0 : i32
      %scan3A_19 = arith.constant 0 : i32
      %scan3A_20 = arith.constant 19 : i32
      %scan3A_21 = arith.addi %scan3A_19, %scan3A_20 : i32
      %scan3A_22 = arith.constant 1 : i32
      %scan3A_23 = scf.for %scan3A_81 = %scan3A_19 to %scan3A_21 step %scan3A_22 iter_args(%scan3A_82 = %scan3A_18) -> (i32)  : i32 {
        %mul3A = arith.constant 16 : i32
        %mul3A_83 = arith.muli %scan3A_81, %mul3A : i32
        %swap3A_84 = arith.constant 2 : i32
        %swap3A_85 = arith.index_cast %swap3A_84 : i32 to index
        %swap3A_86 = arith.index_cast %mul3A_83 : i32 to index
        %swap3A_87 = tpu.vector_load %arg8[%swap3A_85, %swap3A_86] {strides = array<i32>} : memref<8x304xf32, #tpu.memory_space<vmem>>, vector<16xf32>,
        tpu.vector_store %arg8[%swap3A_85, %swap3A_86], %broadcast_in_dim3A_4 {strides = array<i32>} : memref<8x304xf32, #tpu.memory_space<vmem>>, vector<16xf32>,
        %scan3A_88 = arith.constant 0 : i32
        scf.yield %scan3A_88 : i32
      }
      %scan3A_24 = arith.constant 19 : i32
      %scan3A_25 = arith.constant 0 : i32
      %scan3A_26 = arith.constant 0 : i32
      %scan3A_27 = arith.constant 19 : i32
      %scan3A_28 = arith.addi %scan3A_26, %scan3A_27 : i32
      %scan3A_29 = arith.constant 1 : i32
      %scan3A_30 = scf.for %scan3A_81 = %scan3A_26 to %scan3A_28 step %scan3A_29 iter_args(%scan3A_82 = %scan3A_25) -> (i32)  : i32 {
        %mul3A = arith.constant 16 : i32
        %mul3A_83 = arith.muli %scan3A_81, %mul3A : i32
        %swap3A_84 = arith.constant 3 : i32
        %swap3A_85 = arith.index_cast %swap3A_84 : i32 to index
        %swap3A_86 = arith.index_cast %mul3A_83 : i32 to index
        %swap3A_87 = tpu.vector_load %arg8[%swap3A_85, %swap3A_86] {strides = array<i32>} : memref<8x304xf32, #tpu.memory_space<vmem>>, vector<16xf32>,
        tpu.vector_store %arg8[%swap3A_85, %swap3A_86], %broadcast_in_dim3A_4 {strides = array<i32>} : memref<8x304xf32, #tpu.memory_space<vmem>>, vector<16xf32>,
        %scan3A_88 = arith.constant 0 : i32
        scf.yield %scan3A_88 : i32
      }
      %scan3A_31 = arith.constant 19 : i32
      %scan3A_32 = arith.constant 0 : i32
      %scan3A_33 = arith.constant 0 : i32
      %scan3A_34 = arith.constant 19 : i32
      %scan3A_35 = arith.addi %scan3A_33, %scan3A_34 : i32
      %scan3A_36 = arith.constant 1 : i32
      %scan3A_37 = scf.for %scan3A_81 = %scan3A_33 to %scan3A_35 step %scan3A_36 iter_args(%scan3A_82 = %scan3A_32) -> (i32)  : i32 {
        %mul3A = arith.constant 16 : i32
        %mul3A_83 = arith.muli %scan3A_81, %mul3A : i32
        %swap3A_84 = arith.constant 4 : i32
        %swap3A_85 = arith.index_cast %swap3A_84 : i32 to index
        %swap3A_86 = arith.index_cast %mul3A_83 : i32 to index
        %swap3A_87 = tpu.vector_load %arg8[%swap3A_85, %swap3A_86] {strides = array<i32>} : memref<8x304xf32, #tpu.memory_space<vmem>>, vector<16xf32>,
        tpu.vector_store %arg8[%swap3A_85, %swap3A_86], %broadcast_in_dim3A_4 {strides = array<i32>} : memref<8x304xf32, #tpu.memory_space<vmem>>, vector<16xf32>,
        %scan3A_88 = arith.constant 0 : i32
        scf.yield %scan3A_88 : i32
      }
      %scan3A_38 = arith.constant 19 : i32
      %scan3A_39 = arith.constant 0 : i32
      %scan3A_40 = arith.constant 0 : i32
      %scan3A_41 = arith.constant 19 : i32
      %scan3A_42 = arith.addi %scan3A_40, %scan3A_41 : i32
      %scan3A_43 = arith.constant 1 : i32
      %scan3A_44 = scf.for %scan3A_81 = %scan3A_40 to %scan3A_42 step %scan3A_43 iter_args(%scan3A_82 = %scan3A_39) -> (i32)  : i32 {
        %mul3A = arith.constant 16 : i32
        %mul3A_83 = arith.muli %scan3A_81, %mul3A : i32
        %swap3A_84 = arith.constant 5 : i32
        %swap3A_85 = arith.index_cast %swap3A_84 : i32 to index
        %swap3A_86 = arith.index_cast %mul3A_83 : i32 to index
        %swap3A_87 = tpu.vector_load %arg8[%swap3A_85, %swap3A_86] {strides = array<i32>} : memref<8x304xf32, #tpu.memory_space<vmem>>, vector<16xf32>,
        tpu.vector_store %arg8[%swap3A_85, %swap3A_86], %broadcast_in_dim3A_4 {strides = array<i32>} : memref<8x304xf32, #tpu.memory_space<vmem>>, vector<16xf32>,
        %scan3A_88 = arith.constant 0 : i32
        scf.yield %scan3A_88 : i32
      }
      %scan3A_45 = arith.constant 19 : i32
      %scan3A_46 = arith.constant 0 : i32
      %scan3A_47 = arith.constant 0 : i32
      %scan3A_48 = arith.constant 19 : i32
      %scan3A_49 = arith.addi %scan3A_47, %scan3A_48 : i32
      %scan3A_50 = arith.constant 1 : i32
      %scan3A_51 = scf.for %scan3A_81 = %scan3A_47 to %scan3A_49 step %scan3A_50 iter_args(%scan3A_82 = %scan3A_46) -> (i32)  : i32 {
        %mul3A = arith.constant 16 : i32
        %mul3A_83 = arith.muli %scan3A_81, %mul3A : i32
        %swap3A_84 = arith.constant 6 : i32
        %swap3A_85 = arith.index_cast %swap3A_84 : i32 to index
        %swap3A_86 = arith.index_cast %mul3A_83 : i32 to index
        %swap3A_87 = tpu.vector_load %arg8[%swap3A_85, %swap3A_86] {strides = array<i32>} : memref<8x304xf32, #tpu.memory_space<vmem>>, vector<16xf32>,
        tpu.vector_store %arg8[%swap3A_85, %swap3A_86], %broadcast_in_dim3A_4 {strides = array<i32>} : memref<8x304xf32, #tpu.memory_space<vmem>>, vector<16xf32>,
        %scan3A_88 = arith.constant 0 : i32
        scf.yield %scan3A_88 : i32
      }
      %scan3A_52 = arith.constant 19 : i32
      %scan3A_53 = arith.constant 0 : i32
      %scan3A_54 = arith.constant 0 : i32
      %scan3A_55 = arith.constant 19 : i32
      %scan3A_56 = arith.addi %scan3A_54, %scan3A_55 : i32
      %scan3A_57 = arith.constant 1 : i32
      %scan3A_58 = scf.for %scan3A_81 = %scan3A_54 to %scan3A_56 step %scan3A_57 iter_args(%scan3A_82 = %scan3A_53) -> (i32)  : i32 {
        %mul3A = arith.constant 16 : i32
        %mul3A_83 = arith.muli %scan3A_81, %mul3A : i32
        %swap3A_84 = arith.constant 7 : i32
        %swap3A_85 = arith.index_cast %swap3A_84 : i32 to index
        %swap3A_86 = arith.index_cast %mul3A_83 : i32 to index
        %swap3A_87 = tpu.vector_load %arg8[%swap3A_85, %swap3A_86] {strides = array<i32>} : memref<8x304xf32, #tpu.memory_space<vmem>>, vector<16xf32>,
        tpu.vector_store %arg8[%swap3A_85, %swap3A_86], %broadcast_in_dim3A_4 {strides = array<i32>} : memref<8x304xf32, #tpu.memory_space<vmem>>, vector<16xf32>,
        %scan3A_88 = arith.constant 0 : i32
        scf.yield %scan3A_88 : i32
      }
      %scan3A_59 = arith.constant 19 : i32
      %iota3A = tpu.iota {dimensions = array<i32: 0>} : vector<16xi32>
      %broadcast_in_dim3A_60 = arith.constant 0 : i32
      %broadcast_in_dim3A_61 = vector.broadcast %broadcast_in_dim3A_60 : i32 to vector<16xi32>
      %broadcast_in_dim3A_62 = arith.constant 1 : i32
      %broadcast_in_dim3A_63 = vector.broadcast %broadcast_in_dim3A_62 : i32 to vector<16xi32>
      %broadcast_in_dim3A_64 = arith.constant 2 : i32
      %broadcast_in_dim3A_65 = vector.broadcast %broadcast_in_dim3A_64 : i32 to vector<16xi32>
      %broadcast_in_dim3A_66 = arith.constant 3 : i32
      %broadcast_in_dim3A_67 = vector.broadcast %broadcast_in_dim3A_66 : i32 to vector<16xi32>
      %broadcast_in_dim3A_68 = arith.constant 4 : i32
      %broadcast_in_dim3A_69 = vector.broadcast %broadcast_in_dim3A_68 : i32 to vector<16xi32>
      %broadcast_in_dim3A_70 = arith.constant 5 : i32
      %broadcast_in_dim3A_71 = vector.broadcast %broadcast_in_dim3A_70 : i32 to vector<16xi32>
      %swap3A = arith.constant 0 : i32
      %swap3A_72 = arith.constant 0 : i32
      %swap3A_73 = arith.index_cast %swap3A_72 : i32 to index
      %swap3A_74 = memref.load %arg9[%swap3A_73] : memref<1xi32, #tpu.memory_space<smem>>
      memref.store %swap3A, %arg9[%swap3A_73] : memref<1xi32, #tpu.memory_space<smem>>
      "tpu.region"() ({
        %run_scoped3A = tpu.sem_alloc : memref<!tpu.dma_semaphore, #tpu.memory_space<semaphore_mem>>
        tpu.enqueue_dma source(%arg2 : memref<5x5008xf32, #tpu.memory_space<hbm>>) target(%arg5 : memref<5x5008xf32, #tpu.memory_space<vmem>>) target_semaphore(%run_scoped3A : memref<!tpu.dma_semaphore, #tpu.memory_space<semaphore_mem>>)
        tpu.wait_dma2 semaphore(%run_scoped3A : memref<!tpu.dma_semaphore, #tpu.memory_space<semaphore_mem>>) src(%arg2 : memref<5x5008xf32, #tpu.memory_space<hbm>>) dst(%arg5 : memref<5x5008xf32, #tpu.memory_space<vmem>>)
        tpu.yield
      }) : () -> ()
      "tpu.region"() ({
        %run_scoped3A = tpu.sem_alloc : memref<!tpu.dma_semaphore, #tpu.memory_space<semaphore_mem>>
        tpu.enqueue_dma source(%arg3 : memref<5008xi32, #tpu.memory_space<hbm>>) target(%arg6 : memref<5008xi32, #tpu.memory_space<vmem>>) target_semaphore(%run_scoped3A : memref<!tpu.dma_semaphore, #tpu.memory_space<semaphore_mem>>)
        tpu.wait_dma2 semaphore(%run_scoped3A : memref<!tpu.dma_semaphore, #tpu.memory_space<semaphore_mem>>) src(%arg3 : memref<5008xi32, #tpu.memory_space<hbm>>) dst(%arg6 : memref<5008xi32, #tpu.memory_space<vmem>>)
        tpu.yield
      }) : () -> ()
      %scan3A_75 = arith.constant 0 : i32
      %scan3A_76 = arith.constant 0 : i32
      %scan3A_77 = arith.constant 313 : i32
      %scan3A_78 = arith.addi %scan3A_76, %scan3A_77 : i32
      %scan3A_79 = arith.constant 1 : i32
      scf.for %scan3A_81 = %scan3A_76 to %scan3A_78 step %scan3A_79  : i32 {
        %get3A = arith.constant 0 : i32
        %get3A_82 = arith.index_cast %get3A : i32 to index
        %get3A_83 = memref.load %arg9[%get3A_82] : memref<1xi32, #tpu.memory_space<smem>>
        %lt3A = arith.constant 300 : i32
        %lt3A_84 = arith.cmpi slt, %get3A_83, %lt3A : i32
        %convert_element_type3A_85 = arith.extui %lt3A_84 : i1 to i32
        %cond3A_86 = arith.constant 0 : i32
        %cond3A_87 = arith.cmpi ne, %convert_element_type3A_85, %cond3A_86 : i32
        scf.if %cond3A_87 {
          %get3A_88 = arith.constant 0 : i32
          %get3A_89 = arith.index_cast %get3A_88 : i32 to index
          %get3A_90 = memref.load %arg9[%get3A_89] : memref<1xi32, #tpu.memory_space<smem>>
          %mul3A = arith.constant 16 : i32
          %mul3A_91 = arith.muli %scan3A_81, %mul3A : i32
          %get3A_92 = arith.index_cast %mul3A_91 : i32 to index
          %get3A_93 = tpu.vector_load %arg6[%get3A_92] {strides = array<i32>} : memref<5008xi32, #tpu.memory_space<vmem>>, vector<16xi32>,
          %gather3A = tpu.vector_load_idx %arg5[%broadcast_in_dim3A_61, %get3A_93] : memref<5x5008xf32, #tpu.memory_space<vmem>>[vector<16xi32>, vector<16xi32>], vector<16xf32>,
          %gather3A_94 = tpu.vector_load_idx %arg5[%broadcast_in_dim3A_63, %get3A_93] : memref<5x5008xf32, #tpu.memory_space<vmem>>[vector<16xi32>, vector<16xi32>], vector<16xf32>,
          %gather3A_95 = tpu.vector_load_idx %arg5[%broadcast_in_dim3A_65, %get3A_93] : memref<5x5008xf32, #tpu.memory_space<vmem>>[vector<16xi32>, vector<16xi32>], vector<16xf32>,
          %gather3A_96 = tpu.vector_load_idx %arg5[%broadcast_in_dim3A_67, %get3A_93] : memref<5x5008xf32, #tpu.memory_space<vmem>>[vector<16xi32>, vector<16xi32>], vector<16xf32>,
          %gather3A_97 = tpu.vector_load_idx %arg5[%broadcast_in_dim3A_69, %get3A_93] : memref<5x5008xf32, #tpu.memory_space<vmem>>[vector<16xi32>, vector<16xi32>], vector<16xf32>,
          %sub3A = arith.subf %gather3A_95, %gather3A : vector<16xf32>
          %sub3A_98 = arith.subf %gather3A_96, %gather3A_94 : vector<16xf32>
          %mul3A_99 = arith.mulf %sub3A, %sub3A_98 : vector<16xf32>
          %le3A = arith.constant 2.500000e-01 : f32
          %le3A_100 = vector.broadcast %le3A : f32 to vector<16xf32>
          %le3A_101 = arith.cmpf ole, %gather3A_97, %le3A_100 : vector<16xf32>
          %jit3A = arith.constant 1.000000e+00 : f32
          %jit3A_102 = arith.constant 0.000000e+00 : f32
          %broadcast_in_dim3A_103 = vector.broadcast %jit3A : f32 to vector<16xf32>
          %broadcast_in_dim3A_104 = vector.broadcast %jit3A_102 : f32 to vector<16xf32>
          %select_n3A = arith.select %le3A_101, %broadcast_in_dim3A_103, %broadcast_in_dim3A_104 : vector<16xi1>, vector<16xf32>
          %add3A = arith.constant 3 : i32
          %add3A_105 = arith.addi %get3A_90, %add3A : i32
          %jit3A_106 = arith.constant 4 : i32
          %div3A = arith.divsi %add3A_105, %jit3A_106 : i32
          %sign3A = arith.constant 0 : i32
          %sign3A_107 = arith.cmpi sgt, %add3A_105, %sign3A : i32
          %sign3A_108 = arith.extui %sign3A_107 : i1 to i32
          %sign3A_109 = arith.constant 0 : i32
          %sign3A_110 = arith.cmpi slt, %add3A_105, %sign3A_109 : i32
          %sign3A_111 = arith.extui %sign3A_110 : i1 to i32
          %sign3A_112 = arith.subi %sign3A_108, %sign3A_111 : i32
          %sign3A_113 = arith.constant 0 : i32
          %sign3A_114 = arith.cmpi sgt, %jit3A_106, %sign3A_113 : i32
          %sign3A_115 = arith.extui %sign3A_114 : i1 to i32
          %sign3A_116 = arith.constant 0 : i32
          %sign3A_117 = arith.cmpi slt, %jit3A_106, %sign3A_116 : i32
          %sign3A_118 = arith.extui %sign3A_117 : i1 to i32
          %sign3A_119 = arith.subi %sign3A_115, %sign3A_118 : i32
          %ne3A = arith.cmpi ne, %sign3A_112, %sign3A_119 : i32
          %rem3A = arith.remsi %add3A_105, %jit3A_106 : i32
          %ne3A_120 = arith.constant 0 : i32
          %ne3A_121 = arith.cmpi ne, %rem3A, %ne3A_120 : i32
          %and3A_122 = arith.andi %ne3A, %ne3A_121 : i1
          %sub3A_123 = arith.constant 1 : i32
          %sub3A_124 = arith.subi %div3A, %sub3A_123 : i32
          %select_n3A_125 = arith.select %and3A_122, %sub3A_124, %div3A : i32
          %while3A = arith.constant 0 : i32
          %while3A_126 = arith.subi %select_n3A_125, %while3A : i32
          %while3A_127 = arith.addi %while3A, %while3A_126 : i32
          %while3A_128 = arith.constant 1 : i32
          %while3A_129 = arith.divsi %while3A_126, %while3A_128 : i32
          %while3A_130 = arith.muli %while3A_129, %while3A_128 : i32
          %while3A_131 = arith.addi %while3A, %while3A_130 : i32
          %while3A_132 = arith.constant 1 : i32
          %while3A_133 = scf.for %while3A_386 = %while3A to %while3A_131 step %while3A_132 iter_args(%while3A_387 = %select_n3A) -> (vector<16xf32>)  : i32 {
            %mul3A_388 = arith.constant 4 : i32
            %mul3A_389 = arith.muli %mul3A_388, %while3A_386 : i32
            %add3A_390 = arith.constant 0 : i32
            %add3A_391 = arith.addi %mul3A_389, %add3A_390 : i32
            %broadcast_in_dim3A_392 = vector.broadcast %add3A_391 : i32 to vector<16xi32>
            %gather3A_393 = tpu.vector_load_idx %arg8[%broadcast_in_dim3A_61, %broadcast_in_dim3A_392] : memref<8x304xf32, #tpu.memory_space<vmem>>[vector<16xi32>, vector<16xi32>], vector<16xf32>,
            %gather3A_394 = tpu.vector_load_idx %arg8[%broadcast_in_dim3A_63, %broadcast_in_dim3A_392] : memref<8x304xf32, #tpu.memory_space<vmem>>[vector<16xi32>, vector<16xi32>], vector<16xf32>,
            %gather3A_395 = tpu.vector_load_idx %arg8[%broadcast_in_dim3A_65, %broadcast_in_dim3A_392] : memref<8x304xf32, #tpu.memory_space<vmem>>[vector<16xi32>, vector<16xi32>], vector<16xf32>,
            %gather3A_396 = tpu.vector_load_idx %arg8[%broadcast_in_dim3A_67, %broadcast_in_dim3A_392] : memref<8x304xf32, #tpu.memory_space<vmem>>[vector<16xi32>, vector<16xi32>], vector<16xf32>,
            %sub3A_397 = arith.subf %gather3A_395, %gather3A_393 : vector<16xf32>
            %sub3A_398 = arith.subf %gather3A_396, %gather3A_394 : vector<16xf32>
            %mul3A_399 = arith.mulf %sub3A_397, %sub3A_398 : vector<16xf32>
            %max3A = arith.maximumf %gather3A_393, %gather3A : vector<16xf32>
            %max3A_400 = arith.maximumf %gather3A_394, %gather3A_94 : vector<16xf32>
            %min3A = arith.minimumf %gather3A_395, %gather3A_95 : vector<16xf32>
            %min3A_401 = arith.minimumf %gather3A_396, %gather3A_96 : vector<16xf32>
            %sub3A_402 = arith.subf %min3A, %max3A : vector<16xf32>
            %max3A_403 = arith.constant 0.000000e+00 : f32
            %max3A_404 = vector.broadcast %max3A_403 : f32 to vector<16xf32>
            %max3A_405 = arith.maximumf %sub3A_402, %max3A_404 : vector<16xf32>
            %sub3A_406 = arith.subf %min3A_401, %max3A_400 : vector<16xf32>
            %max3A_407 = arith.constant 0.000000e+00 : f32
            %max3A_408 = vector.broadcast %max3A_407 : f32 to vector<16xf32>
            %max3A_409 = arith.maximumf %sub3A_406, %max3A_408 : vector<16xf32>
            %mul3A_410 = arith.mulf %max3A_405, %max3A_409 : vector<16xf32>
            %add3A_411 = arith.addf %mul3A_399, %mul3A_99 : vector<16xf32>
            %sub3A_412 = arith.subf %add3A_411, %mul3A_410 : vector<16xf32>
            %add3A_413 = arith.constant 1.000000e-07 : f32
            %add3A_414 = vector.broadcast %add3A_413 : f32 to vector<16xf32>
            %add3A_415 = arith.addf %sub3A_412, %add3A_414 : vector<16xf32>
            %div3A_416 = arith.divf %mul3A_410, %add3A_415 : vector<16xf32>
            %gt3A = arith.constant 4.500000e-01 : f32
            %gt3A_417 = vector.broadcast %gt3A : f32 to vector<16xf32>
            %gt3A_418 = arith.cmpf ogt, %div3A_416, %gt3A_417 : vector<16xf32>
            %jit3A_419 = arith.constant 1.000000e+00 : f32
            %broadcast_in_dim3A_420 = vector.broadcast %jit3A_419 : f32 to vector<16xf32>
            %select_n3A_421 = arith.select %gt3A_418, %broadcast_in_dim3A_420, %while3A_387 : vector<16xi1>, vector<16xf32>
            %mul3A_422 = arith.constant 4 : i32
            %mul3A_423 = arith.muli %mul3A_422, %while3A_386 : i32
            %add3A_424 = arith.constant 1 : i32
            %add3A_425 = arith.addi %mul3A_423, %add3A_424 : i32
            %broadcast_in_dim3A_426 = vector.broadcast %add3A_425 : i32 to vector<16xi32>
            %gather3A_427 = tpu.vector_load_idx %arg8[%broadcast_in_dim3A_61, %broadcast_in_dim3A_426] : memref<8x304xf32, #tpu.memory_space<vmem>>[vector<16xi32>, vector<16xi32>], vector<16xf32>,
            %gather3A_428 = tpu.vector_load_idx %arg8[%broadcast_in_dim3A_63, %broadcast_in_dim3A_426] : memref<8x304xf32, #tpu.memory_space<vmem>>[vector<16xi32>, vector<16xi32>], vector<16xf32>,
            %gather3A_429 = tpu.vector_load_idx %arg8[%broadcast_in_dim3A_65, %broadcast_in_dim3A_426] : memref<8x304xf32, #tpu.memory_space<vmem>>[vector<16xi32>, vector<16xi32>], vector<16xf32>,
            %gather3A_430 = tpu.vector_load_idx %arg8[%broadcast_in_dim3A_67, %broadcast_in_dim3A_426] : memref<8x304xf32, #tpu.memory_space<vmem>>[vector<16xi32>, vector<16xi32>], vector<16xf32>,
            %sub3A_431 = arith.subf %gather3A_429, %gather3A_427 : vector<16xf32>
            %sub3A_432 = arith.subf %gather3A_430, %gather3A_428 : vector<16xf32>
            %mul3A_433 = arith.mulf %sub3A_431, %sub3A_432 : vector<16xf32>
            %max3A_434 = arith.maximumf %gather3A_427, %gather3A : vector<16xf32>
            %max3A_435 = arith.maximumf %gather3A_428, %gather3A_94 : vector<16xf32>
            %min3A_436 = arith.minimumf %gather3A_429, %gather3A_95 : vector<16xf32>
            %min3A_437 = arith.minimumf %gather3A_430, %gather3A_96 : vector<16xf32>
            %sub3A_438 = arith.subf %min3A_436, %max3A_434 : vector<16xf32>
            %max3A_439 = arith.constant 0.000000e+00 : f32
            %max3A_440 = vector.broadcast %max3A_439 : f32 to vector<16xf32>
            %max3A_441 = arith.maximumf %sub3A_438, %max3A_440 : vector<16xf32>
            %sub3A_442 = arith.subf %min3A_437, %max3A_435 : vector<16xf32>
            %max3A_443 = arith.constant 0.000000e+00 : f32
            %max3A_444 = vector.broadcast %max3A_443 : f32 to vector<16xf32>
            %max3A_445 = arith.maximumf %sub3A_442, %max3A_444 : vector<16xf32>
            %mul3A_446 = arith.mulf %max3A_441, %max3A_445 : vector<16xf32>
            %add3A_447 = arith.addf %mul3A_433, %mul3A_99 : vector<16xf32>
            %sub3A_448 = arith.subf %add3A_447, %mul3A_446 : vector<16xf32>
            %add3A_449 = arith.constant 1.000000e-07 : f32
            %add3A_450 = vector.broadcast %add3A_449 : f32 to vector<16xf32>
            %add3A_451 = arith.addf %sub3A_448, %add3A_450 : vector<16xf32>
            %div3A_452 = arith.divf %mul3A_446, %add3A_451 : vector<16xf32>
            %gt3A_453 = arith.constant 4.500000e-01 : f32
            %gt3A_454 = vector.broadcast %gt3A_453 : f32 to vector<16xf32>
            %gt3A_455 = arith.cmpf ogt, %div3A_452, %gt3A_454 : vector<16xf32>
            %jit3A_456 = arith.constant 1.000000e+00 : f32
            %broadcast_in_dim3A_457 = vector.broadcast %jit3A_456 : f32 to vector<16xf32>
            %select_n3A_458 = arith.select %gt3A_455, %broadcast_in_dim3A_457, %select_n3A_421 : vector<16xi1>, vector<16xf32>
            %mul3A_459 = arith.constant 4 : i32
            %mul3A_460 = arith.muli %mul3A_459, %while3A_386 : i32
            %add3A_461 = arith.constant 2 : i32
            %add3A_462 = arith.addi %mul3A_460, %add3A_461 : i32
            %broadcast_in_dim3A_463 = vector.broadcast %add3A_462 : i32 to vector<16xi32>
            %gather3A_464 = tpu.vector_load_idx %arg8[%broadcast_in_dim3A_61, %broadcast_in_dim3A_463] : memref<8x304xf32, #tpu.memory_space<vmem>>[vector<16xi32>, vector<16xi32>], vector<16xf32>,
            %gather3A_465 = tpu.vector_load_idx %arg8[%broadcast_in_dim3A_63, %broadcast_in_dim3A_463] : memref<8x304xf32, #tpu.memory_space<vmem>>[vector<16xi32>, vector<16xi32>], vector<16xf32>,
            %gather3A_466 = tpu.vector_load_idx %arg8[%broadcast_in_dim3A_65, %broadcast_in_dim3A_463] : memref<8x304xf32, #tpu.memory_space<vmem>>[vector<16xi32>, vector<16xi32>], vector<16xf32>,
            %gather3A_467 = tpu.vector_load_idx %arg8[%broadcast_in_dim3A_67, %broadcast_in_dim3A_463] : memref<8x304xf32, #tpu.memory_space<vmem>>[vector<16xi32>, vector<16xi32>], vector<16xf32>,
            %sub3A_468 = arith.subf %gather3A_466, %gather3A_464 : vector<16xf32>
            %sub3A_469 = arith.subf %gather3A_467, %gather3A_465 : vector<16xf32>
            %mul3A_470 = arith.mulf %sub3A_468, %sub3A_469 : vector<16xf32>
            %max3A_471 = arith.maximumf %gather3A_464, %gather3A : vector<16xf32>
            %max3A_472 = arith.maximumf %gather3A_465, %gather3A_94 : vector<16xf32>
            %min3A_473 = arith.minimumf %gather3A_466, %gather3A_95 : vector<16xf32>
            %min3A_474 = arith.minimumf %gather3A_467, %gather3A_96 : vector<16xf32>
            %sub3A_475 = arith.subf %min3A_473, %max3A_471 : vector<16xf32>
            %max3A_476 = arith.constant 0.000000e+00 : f32
            %max3A_477 = vector.broadcast %max3A_476 : f32 to vector<16xf32>
            %max3A_478 = arith.maximumf %sub3A_475, %max3A_477 : vector<16xf32>
            %sub3A_479 = arith.subf %min3A_474, %max3A_472 : vector<16xf32>
            %max3A_480 = arith.constant 0.000000e+00 : f32
            %max3A_481 = vector.broadcast %max3A_480 : f32 to vector<16xf32>
            %max3A_482 = arith.maximumf %sub3A_479, %max3A_481 : vector<16xf32>
            %mul3A_483 = arith.mulf %max3A_478, %max3A_482 : vector<16xf32>
            %add3A_484 = arith.addf %mul3A_470, %mul3A_99 : vector<16xf32>
            %sub3A_485 = arith.subf %add3A_484, %mul3A_483 : vector<16xf32>
            %add3A_486 = arith.constant 1.000000e-07 : f32
            %add3A_487 = vector.broadcast %add3A_486 : f32 to vector<16xf32>
            %add3A_488 = arith.addf %sub3A_485, %add3A_487 : vector<16xf32>
            %div3A_489 = arith.divf %mul3A_483, %add3A_488 : vector<16xf32>
            %gt3A_490 = arith.constant 4.500000e-01 : f32
            %gt3A_491 = vector.broadcast %gt3A_490 : f32 to vector<16xf32>
            %gt3A_492 = arith.cmpf ogt, %div3A_489, %gt3A_491 : vector<16xf32>
            %jit3A_493 = arith.constant 1.000000e+00 : f32
            %broadcast_in_dim3A_494 = vector.broadcast %jit3A_493 : f32 to vector<16xf32>
            %select_n3A_495 = arith.select %gt3A_492, %broadcast_in_dim3A_494, %select_n3A_458 : vector<16xi1>, vector<16xf32>
            %mul3A_496 = arith.constant 4 : i32
            %mul3A_497 = arith.muli %mul3A_496, %while3A_386 : i32
            %add3A_498 = arith.constant 3 : i32
            %add3A_499 = arith.addi %mul3A_497, %add3A_498 : i32
            %broadcast_in_dim3A_500 = vector.broadcast %add3A_499 : i32 to vector<16xi32>
            %gather3A_501 = tpu.vector_load_idx %arg8[%broadcast_in_dim3A_61, %broadcast_in_dim3A_500] : memref<8x304xf32, #tpu.memory_space<vmem>>[vector<16xi32>, vector<16xi32>], vector<16xf32>,
            %gather3A_502 = tpu.vector_load_idx %arg8[%broadcast_in_dim3A_63, %broadcast_in_dim3A_500] : memref<8x304xf32, #tpu.memory_space<vmem>>[vector<16xi32>, vector<16xi32>], vector<16xf32>,
            %gather3A_503 = tpu.vector_load_idx %arg8[%broadcast_in_dim3A_65, %broadcast_in_dim3A_500] : memref<8x304xf32, #tpu.memory_space<vmem>>[vector<16xi32>, vector<16xi32>], vector<16xf32>,
            %gather3A_504 = tpu.vector_load_idx %arg8[%broadcast_in_dim3A_67, %broadcast_in_dim3A_500] : memref<8x304xf32, #tpu.memory_space<vmem>>[vector<16xi32>, vector<16xi32>], vector<16xf32>,
            %sub3A_505 = arith.subf %gather3A_503, %gather3A_501 : vector<16xf32>
            %sub3A_506 = arith.subf %gather3A_504, %gather3A_502 : vector<16xf32>
            %mul3A_507 = arith.mulf %sub3A_505, %sub3A_506 : vector<16xf32>
            %max3A_508 = arith.maximumf %gather3A_501, %gather3A : vector<16xf32>
            %max3A_509 = arith.maximumf %gather3A_502, %gather3A_94 : vector<16xf32>
            %min3A_510 = arith.minimumf %gather3A_503, %gather3A_95 : vector<16xf32>
            %min3A_511 = arith.minimumf %gather3A_504, %gather3A_96 : vector<16xf32>
            %sub3A_512 = arith.subf %min3A_510, %max3A_508 : vector<16xf32>
            %max3A_513 = arith.constant 0.000000e+00 : f32
            %max3A_514 = vector.broadcast %max3A_513 : f32 to vector<16xf32>
            %max3A_515 = arith.maximumf %sub3A_512, %max3A_514 : vector<16xf32>
            %sub3A_516 = arith.subf %min3A_511, %max3A_509 : vector<16xf32>
            %max3A_517 = arith.constant 0.000000e+00 : f32
            %max3A_518 = vector.broadcast %max3A_517 : f32 to vector<16xf32>
            %max3A_519 = arith.maximumf %sub3A_516, %max3A_518 : vector<16xf32>
            %mul3A_520 = arith.mulf %max3A_515, %max3A_519 : vector<16xf32>
            %add3A_521 = arith.addf %mul3A_507, %mul3A_99 : vector<16xf32>
            %sub3A_522 = arith.subf %add3A_521, %mul3A_520 : vector<16xf32>
            %add3A_523 = arith.constant 1.000000e-07 : f32
            %add3A_524 = vector.broadcast %add3A_523 : f32 to vector<16xf32>
            %add3A_525 = arith.addf %sub3A_522, %add3A_524 : vector<16xf32>
            %div3A_526 = arith.divf %mul3A_520, %add3A_525 : vector<16xf32>
            %gt3A_527 = arith.constant 4.500000e-01 : f32
            %gt3A_528 = vector.broadcast %gt3A_527 : f32 to vector<16xf32>
            %gt3A_529 = arith.cmpf ogt, %div3A_526, %gt3A_528 : vector<16xf32>
            %jit3A_530 = arith.constant 1.000000e+00 : f32
            %broadcast_in_dim3A_531 = vector.broadcast %jit3A_530 : f32 to vector<16xf32>
            %select_n3A_532 = arith.select %gt3A_529, %broadcast_in_dim3A_531, %select_n3A_495 : vector<16xi1>, vector<16xf32>
            scf.yield %select_n3A_532 : vector<16xf32>
          }
          %while3A_134 = arith.constant 1 : i32
          %while3A_135 = scf.for %while3A_386 = %while3A_131 to %while3A_127 step %while3A_134 iter_args(%while3A_387 = %while3A_133) -> (vector<16xf32>)  : i32 {
            %mul3A_388 = arith.constant 4 : i32
            %mul3A_389 = arith.muli %mul3A_388, %while3A_386 : i32
            %add3A_390 = arith.constant 0 : i32
            %add3A_391 = arith.addi %mul3A_389, %add3A_390 : i32
            %broadcast_in_dim3A_392 = vector.broadcast %add3A_391 : i32 to vector<16xi32>
            %gather3A_393 = tpu.vector_load_idx %arg8[%broadcast_in_dim3A_61, %broadcast_in_dim3A_392] : memref<8x304xf32, #tpu.memory_space<vmem>>[vector<16xi32>, vector<16xi32>], vector<16xf32>,
            %gather3A_394 = tpu.vector_load_idx %arg8[%broadcast_in_dim3A_63, %broadcast_in_dim3A_392] : memref<8x304xf32, #tpu.memory_space<vmem>>[vector<16xi32>, vector<16xi32>], vector<16xf32>,
            %gather3A_395 = tpu.vector_load_idx %arg8[%broadcast_in_dim3A_65, %broadcast_in_dim3A_392] : memref<8x304xf32, #tpu.memory_space<vmem>>[vector<16xi32>, vector<16xi32>], vector<16xf32>,
            %gather3A_396 = tpu.vector_load_idx %arg8[%broadcast_in_dim3A_67, %broadcast_in_dim3A_392] : memref<8x304xf32, #tpu.memory_space<vmem>>[vector<16xi32>, vector<16xi32>], vector<16xf32>,
            %sub3A_397 = arith.subf %gather3A_395, %gather3A_393 : vector<16xf32>
            %sub3A_398 = arith.subf %gather3A_396, %gather3A_394 : vector<16xf32>
            %mul3A_399 = arith.mulf %sub3A_397, %sub3A_398 : vector<16xf32>
            %max3A = arith.maximumf %gather3A_393, %gather3A : vector<16xf32>
            %max3A_400 = arith.maximumf %gather3A_394, %gather3A_94 : vector<16xf32>
            %min3A = arith.minimumf %gather3A_395, %gather3A_95 : vector<16xf32>
            %min3A_401 = arith.minimumf %gather3A_396, %gather3A_96 : vector<16xf32>
            %sub3A_402 = arith.subf %min3A, %max3A : vector<16xf32>
            %max3A_403 = arith.constant 0.000000e+00 : f32
            %max3A_404 = vector.broadcast %max3A_403 : f32 to vector<16xf32>
            %max3A_405 = arith.maximumf %sub3A_402, %max3A_404 : vector<16xf32>
            %sub3A_406 = arith.subf %min3A_401, %max3A_400 : vector<16xf32>
            %max3A_407 = arith.constant 0.000000e+00 : f32
            %max3A_408 = vector.broadcast %max3A_407 : f32 to vector<16xf32>
            %max3A_409 = arith.maximumf %sub3A_406, %max3A_408 : vector<16xf32>
            %mul3A_410 = arith.mulf %max3A_405, %max3A_409 : vector<16xf32>
            %add3A_411 = arith.addf %mul3A_399, %mul3A_99 : vector<16xf32>
            %sub3A_412 = arith.subf %add3A_411, %mul3A_410 : vector<16xf32>
            %add3A_413 = arith.constant 1.000000e-07 : f32
            %add3A_414 = vector.broadcast %add3A_413 : f32 to vector<16xf32>
            %add3A_415 = arith.addf %sub3A_412, %add3A_414 : vector<16xf32>
            %div3A_416 = arith.divf %mul3A_410, %add3A_415 : vector<16xf32>
            %gt3A = arith.constant 4.500000e-01 : f32
            %gt3A_417 = vector.broadcast %gt3A : f32 to vector<16xf32>
            %gt3A_418 = arith.cmpf ogt, %div3A_416, %gt3A_417 : vector<16xf32>
            %jit3A_419 = arith.constant 1.000000e+00 : f32
            %broadcast_in_dim3A_420 = vector.broadcast %jit3A_419 : f32 to vector<16xf32>
            %select_n3A_421 = arith.select %gt3A_418, %broadcast_in_dim3A_420, %while3A_387 : vector<16xi1>, vector<16xf32>
            %mul3A_422 = arith.constant 4 : i32
            %mul3A_423 = arith.muli %mul3A_422, %while3A_386 : i32
            %add3A_424 = arith.constant 1 : i32
            %add3A_425 = arith.addi %mul3A_423, %add3A_424 : i32
            %broadcast_in_dim3A_426 = vector.broadcast %add3A_425 : i32 to vector<16xi32>
            %gather3A_427 = tpu.vector_load_idx %arg8[%broadcast_in_dim3A_61, %broadcast_in_dim3A_426] : memref<8x304xf32, #tpu.memory_space<vmem>>[vector<16xi32>, vector<16xi32>], vector<16xf32>,
            %gather3A_428 = tpu.vector_load_idx %arg8[%broadcast_in_dim3A_63, %broadcast_in_dim3A_426] : memref<8x304xf32, #tpu.memory_space<vmem>>[vector<16xi32>, vector<16xi32>], vector<16xf32>,
            %gather3A_429 = tpu.vector_load_idx %arg8[%broadcast_in_dim3A_65, %broadcast_in_dim3A_426] : memref<8x304xf32, #tpu.memory_space<vmem>>[vector<16xi32>, vector<16xi32>], vector<16xf32>,
            %gather3A_430 = tpu.vector_load_idx %arg8[%broadcast_in_dim3A_67, %broadcast_in_dim3A_426] : memref<8x304xf32, #tpu.memory_space<vmem>>[vector<16xi32>, vector<16xi32>], vector<16xf32>,
            %sub3A_431 = arith.subf %gather3A_429, %gather3A_427 : vector<16xf32>
            %sub3A_432 = arith.subf %gather3A_430, %gather3A_428 : vector<16xf32>
            %mul3A_433 = arith.mulf %sub3A_431, %sub3A_432 : vector<16xf32>
            %max3A_434 = arith.maximumf %gather3A_427, %gather3A : vector<16xf32>
            %max3A_435 = arith.maximumf %gather3A_428, %gather3A_94 : vector<16xf32>
            %min3A_436 = arith.minimumf %gather3A_429, %gather3A_95 : vector<16xf32>
            %min3A_437 = arith.minimumf %gather3A_430, %gather3A_96 : vector<16xf32>
            %sub3A_438 = arith.subf %min3A_436, %max3A_434 : vector<16xf32>
            %max3A_439 = arith.constant 0.000000e+00 : f32
            %max3A_440 = vector.broadcast %max3A_439 : f32 to vector<16xf32>
            %max3A_441 = arith.maximumf %sub3A_438, %max3A_440 : vector<16xf32>
            %sub3A_442 = arith.subf %min3A_437, %max3A_435 : vector<16xf32>
            %max3A_443 = arith.constant 0.000000e+00 : f32
            %max3A_444 = vector.broadcast %max3A_443 : f32 to vector<16xf32>
            %max3A_445 = arith.maximumf %sub3A_442, %max3A_444 : vector<16xf32>
            %mul3A_446 = arith.mulf %max3A_441, %max3A_445 : vector<16xf32>
            %add3A_447 = arith.addf %mul3A_433, %mul3A_99 : vector<16xf32>
            %sub3A_448 = arith.subf %add3A_447, %mul3A_446 : vector<16xf32>
            %add3A_449 = arith.constant 1.000000e-07 : f32
            %add3A_450 = vector.broadcast %add3A_449 : f32 to vector<16xf32>
            %add3A_451 = arith.addf %sub3A_448, %add3A_450 : vector<16xf32>
            %div3A_452 = arith.divf %mul3A_446, %add3A_451 : vector<16xf32>
            %gt3A_453 = arith.constant 4.500000e-01 : f32
            %gt3A_454 = vector.broadcast %gt3A_453 : f32 to vector<16xf32>
            %gt3A_455 = arith.cmpf ogt, %div3A_452, %gt3A_454 : vector<16xf32>
            %jit3A_456 = arith.constant 1.000000e+00 : f32
            %broadcast_in_dim3A_457 = vector.broadcast %jit3A_456 : f32 to vector<16xf32>
            %select_n3A_458 = arith.select %gt3A_455, %broadcast_in_dim3A_457, %select_n3A_421 : vector<16xi1>, vector<16xf32>
            %mul3A_459 = arith.constant 4 : i32
            %mul3A_460 = arith.muli %mul3A_459, %while3A_386 : i32
            %add3A_461 = arith.constant 2 : i32
            %add3A_462 = arith.addi %mul3A_460, %add3A_461 : i32
            %broadcast_in_dim3A_463 = vector.broadcast %add3A_462 : i32 to vector<16xi32>
            %gather3A_464 = tpu.vector_load_idx %arg8[%broadcast_in_dim3A_61, %broadcast_in_dim3A_463] : memref<8x304xf32, #tpu.memory_space<vmem>>[vector<16xi32>, vector<16xi32>], vector<16xf32>,
            %gather3A_465 = tpu.vector_load_idx %arg8[%broadcast_in_dim3A_63, %broadcast_in_dim3A_463] : memref<8x304xf32, #tpu.memory_space<vmem>>[vector<16xi32>, vector<16xi32>], vector<16xf32>,
            %gather3A_466 = tpu.vector_load_idx %arg8[%broadcast_in_dim3A_65, %broadcast_in_dim3A_463] : memref<8x304xf32, #tpu.memory_space<vmem>>[vector<16xi32>, vector<16xi32>], vector<16xf32>,
            %gather3A_467 = tpu.vector_load_idx %arg8[%broadcast_in_dim3A_67, %broadcast_in_dim3A_463] : memref<8x304xf32, #tpu.memory_space<vmem>>[vector<16xi32>, vector<16xi32>], vector<16xf32>,
            %sub3A_468 = arith.subf %gather3A_466, %gather3A_464 : vector<16xf32>
            %sub3A_469 = arith.subf %gather3A_467, %gather3A_465 : vector<16xf32>
            %mul3A_470 = arith.mulf %sub3A_468, %sub3A_469 : vector<16xf32>
            %max3A_471 = arith.maximumf %gather3A_464, %gather3A : vector<16xf32>
            %max3A_472 = arith.maximumf %gather3A_465, %gather3A_94 : vector<16xf32>
            %min3A_473 = arith.minimumf %gather3A_466, %gather3A_95 : vector<16xf32>
            %min3A_474 = arith.minimumf %gather3A_467, %gather3A_96 : vector<16xf32>
            %sub3A_475 = arith.subf %min3A_473, %max3A_471 : vector<16xf32>
            %max3A_476 = arith.constant 0.000000e+00 : f32
            %max3A_477 = vector.broadcast %max3A_476 : f32 to vector<16xf32>
            %max3A_478 = arith.maximumf %sub3A_475, %max3A_477 : vector<16xf32>
            %sub3A_479 = arith.subf %min3A_474, %max3A_472 : vector<16xf32>
            %max3A_480 = arith.constant 0.000000e+00 : f32
            %max3A_481 = vector.broadcast %max3A_480 : f32 to vector<16xf32>
            %max3A_482 = arith.maximumf %sub3A_479, %max3A_481 : vector<16xf32>
            %mul3A_483 = arith.mulf %max3A_478, %max3A_482 : vector<16xf32>
            %add3A_484 = arith.addf %mul3A_470, %mul3A_99 : vector<16xf32>
            %sub3A_485 = arith.subf %add3A_484, %mul3A_483 : vector<16xf32>
            %add3A_486 = arith.constant 1.000000e-07 : f32
            %add3A_487 = vector.broadcast %add3A_486 : f32 to vector<16xf32>
            %add3A_488 = arith.addf %sub3A_485, %add3A_487 : vector<16xf32>
            %div3A_489 = arith.divf %mul3A_483, %add3A_488 : vector<16xf32>
            %gt3A_490 = arith.constant 4.500000e-01 : f32
            %gt3A_491 = vector.broadcast %gt3A_490 : f32 to vector<16xf32>
            %gt3A_492 = arith.cmpf ogt, %div3A_489, %gt3A_491 : vector<16xf32>
            %jit3A_493 = arith.constant 1.000000e+00 : f32
            %broadcast_in_dim3A_494 = vector.broadcast %jit3A_493 : f32 to vector<16xf32>
            %select_n3A_495 = arith.select %gt3A_492, %broadcast_in_dim3A_494, %select_n3A_458 : vector<16xi1>, vector<16xf32>
            %mul3A_496 = arith.constant 4 : i32
            %mul3A_497 = arith.muli %mul3A_496, %while3A_386 : i32
            %add3A_498 = arith.constant 3 : i32
            %add3A_499 = arith.addi %mul3A_497, %add3A_498 : i32
            %broadcast_in_dim3A_500 = vector.broadcast %add3A_499 : i32 to vector<16xi32>
            %gather3A_501 = tpu.vector_load_idx %arg8[%broadcast_in_dim3A_61, %broadcast_in_dim3A_500] : memref<8x304xf32, #tpu.memory_space<vmem>>[vector<16xi32>, vector<16xi32>], vector<16xf32>,
            %gather3A_502 = tpu.vector_load_idx %arg8[%broadcast_in_dim3A_63, %broadcast_in_dim3A_500] : memref<8x304xf32, #tpu.memory_space<vmem>>[vector<16xi32>, vector<16xi32>], vector<16xf32>,
            %gather3A_503 = tpu.vector_load_idx %arg8[%broadcast_in_dim3A_65, %broadcast_in_dim3A_500] : memref<8x304xf32, #tpu.memory_space<vmem>>[vector<16xi32>, vector<16xi32>], vector<16xf32>,
            %gather3A_504 = tpu.vector_load_idx %arg8[%broadcast_in_dim3A_67, %broadcast_in_dim3A_500] : memref<8x304xf32, #tpu.memory_space<vmem>>[vector<16xi32>, vector<16xi32>], vector<16xf32>,
            %sub3A_505 = arith.subf %gather3A_503, %gather3A_501 : vector<16xf32>
            %sub3A_506 = arith.subf %gather3A_504, %gather3A_502 : vector<16xf32>
            %mul3A_507 = arith.mulf %sub3A_505, %sub3A_506 : vector<16xf32>
            %max3A_508 = arith.maximumf %gather3A_501, %gather3A : vector<16xf32>
            %max3A_509 = arith.maximumf %gather3A_502, %gather3A_94 : vector<16xf32>
            %min3A_510 = arith.minimumf %gather3A_503, %gather3A_95 : vector<16xf32>
            %min3A_511 = arith.minimumf %gather3A_504, %gather3A_96 : vector<16xf32>
            %sub3A_512 = arith.subf %min3A_510, %max3A_508 : vector<16xf32>
            %max3A_513 = arith.constant 0.000000e+00 : f32
            %max3A_514 = vector.broadcast %max3A_513 : f32 to vector<16xf32>
            %max3A_515 = arith.maximumf %sub3A_512, %max3A_514 : vector<16xf32>
            %sub3A_516 = arith.subf %min3A_511, %max3A_509 : vector<16xf32>
            %max3A_517 = arith.constant 0.000000e+00 : f32
            %max3A_518 = vector.broadcast %max3A_517 : f32 to vector<16xf32>
            %max3A_519 = arith.maximumf %sub3A_516, %max3A_518 : vector<16xf32>
            %mul3A_520 = arith.mulf %max3A_515, %max3A_519 : vector<16xf32>
            %add3A_521 = arith.addf %mul3A_507, %mul3A_99 : vector<16xf32>
            %sub3A_522 = arith.subf %add3A_521, %mul3A_520 : vector<16xf32>
            %add3A_523 = arith.constant 1.000000e-07 : f32
            %add3A_524 = vector.broadcast %add3A_523 : f32 to vector<16xf32>
            %add3A_525 = arith.addf %sub3A_522, %add3A_524 : vector<16xf32>
            %div3A_526 = arith.divf %mul3A_520, %add3A_525 : vector<16xf32>
            %gt3A_527 = arith.constant 4.500000e-01 : f32
            %gt3A_528 = vector.broadcast %gt3A_527 : f32 to vector<16xf32>
            %gt3A_529 = arith.cmpf ogt, %div3A_526, %gt3A_528 : vector<16xf32>
            %jit3A_530 = arith.constant 1.000000e+00 : f32
            %broadcast_in_dim3A_531 = vector.broadcast %jit3A_530 : f32 to vector<16xf32>
            %select_n3A_532 = arith.select %gt3A_529, %broadcast_in_dim3A_531, %select_n3A_495 : vector<16xi1>, vector<16xf32>
            scf.yield %select_n3A_532 : vector<16xf32>
          }
          %swap3A_136 = arith.constant 0 : index
          %swap3A_137 = tpu.vector_load %arg7[%swap3A_136] {strides = array<i32>} : memref<16xf32, #tpu.memory_space<vmem>>, vector<16xf32>,
          tpu.vector_store %arg7[%swap3A_136], %while3A_135 {strides = array<i32>} : memref<16xf32, #tpu.memory_space<vmem>>, vector<16xf32>,
          %get3A_138 = arith.constant 0 : index
          %get3A_139 = tpu.vector_load %arg7[%get3A_138] {strides = array<i32>} : memref<16xf32, #tpu.memory_space<vmem>>, vector<16xf32>,
          %slice3A = vector.extract_strided_slice %get3A_139 {offsets = [0], sizes = [1], strides = [1]} : vector<16xf32> to vector<1xf32>
          %squeeze3A = vector.extract %slice3A[0] : f32 from vector<1xf32>
          %eq3A_140 = arith.constant 0.000000e+00 : f32
          %eq3A_141 = arith.cmpf oeq, %squeeze3A, %eq3A_140 : f32
          %lt3A_142 = arith.constant 300 : i32
          %lt3A_143 = arith.cmpi slt, %get3A_90, %lt3A_142 : i32
          %and3A_144 = arith.andi %eq3A_141, %lt3A_143 : i1
          %convert_element_type3A_145 = arith.extui %and3A_144 : i1 to i32
          %cond3A_146 = arith.constant 0 : i32
          %cond3A_147 = arith.cmpi ne, %convert_element_type3A_145, %cond3A_146 : i32
          scf.if %cond3A_147 {
            %slice3A_386 = vector.extract_strided_slice %gather3A {offsets = [0], sizes = [1], strides = [1]} : vector<16xf32> to vector<1xf32>
            %squeeze3A_387 = vector.extract %slice3A_386[0] : f32 from vector<1xf32>
            %slice3A_388 = vector.extract_strided_slice %gather3A_94 {offsets = [0], sizes = [1], strides = [1]} : vector<16xf32> to vector<1xf32>
            %squeeze3A_389 = vector.extract %slice3A_388[0] : f32 from vector<1xf32>
            %slice3A_390 = vector.extract_strided_slice %gather3A_95 {offsets = [0], sizes = [1], strides = [1]} : vector<16xf32> to vector<1xf32>
            %squeeze3A_391 = vector.extract %slice3A_390[0] : f32 from vector<1xf32>
            %slice3A_392 = vector.extract_strided_slice %gather3A_96 {offsets = [0], sizes = [1], strides = [1]} : vector<16xf32> to vector<1xf32>
            %squeeze3A_393 = vector.extract %slice3A_392[0] : f32 from vector<1xf32>
            %slice3A_394 = vector.extract_strided_slice %mul3A_99 {offsets = [0], sizes = [1], strides = [1]} : vector<16xf32> to vector<1xf32>
            %squeeze3A_395 = vector.extract %slice3A_394[0] : f32 from vector<1xf32>
            %eq3A_396 = arith.constant 0 : i32
            %eq3A_397 = vector.broadcast %eq3A_396 : i32 to vector<16xi32>
            %eq3A_398 = arith.cmpi eq, %iota3A, %eq3A_397 : vector<16xi32>
            %broadcast_in_dim3A_399 = vector.broadcast %get3A_90 : i32 to vector<16xi32>
            tpu.vector_store_idx %arg8[%broadcast_in_dim3A_61, %broadcast_in_dim3A_399], %gather3A masked %eq3A_398 : memref<8x304xf32, #tpu.memory_space<vmem>>[vector<16xi32>, vector<16xi32>], vector<16xf32>, vector<16xi1>
            tpu.vector_store_idx %arg8[%broadcast_in_dim3A_63, %broadcast_in_dim3A_399], %gather3A_94 masked %eq3A_398 : memref<8x304xf32, #tpu.memory_space<vmem>>[vector<16xi32>, vector<16xi32>], vector<16xf32>, vector<16xi1>
            tpu.vector_store_idx %arg8[%broadcast_in_dim3A_65, %broadcast_in_dim3A_399], %gather3A_95 masked %eq3A_398 : memref<8x304xf32, #tpu.memory_space<vmem>>[vector<16xi32>, vector<16xi32>], vector<16xf32>, vector<16xi1>
            tpu.vector_store_idx %arg8[%broadcast_in_dim3A_67, %broadcast_in_dim3A_399], %gather3A_96 masked %eq3A_398 : memref<8x304xf32, #tpu.memory_space<vmem>>[vector<16xi32>, vector<16xi32>], vector<16xf32>, vector<16xi1>
            tpu.vector_store_idx %arg8[%broadcast_in_dim3A_69, %broadcast_in_dim3A_399], %gather3A_97 masked %eq3A_398 : memref<8x304xf32, #tpu.memory_space<vmem>>[vector<16xi32>, vector<16xi32>], vector<16xf32>, vector<16xi1>
            tpu.vector_store_idx %arg8[%broadcast_in_dim3A_71, %broadcast_in_dim3A_399], %mul3A_99 masked %eq3A_398 : memref<8x304xf32, #tpu.memory_space<vmem>>[vector<16xi32>, vector<16xi32>], vector<16xf32>, vector<16xi1>
            %max3A = vector.broadcast %squeeze3A_387 : f32 to vector<16xf32>
            %max3A_400 = arith.maximumf %max3A, %gather3A : vector<16xf32>
            %max3A_401 = vector.broadcast %squeeze3A_389 : f32 to vector<16xf32>
            %max3A_402 = arith.maximumf %max3A_401, %gather3A_94 : vector<16xf32>
            %min3A = vector.broadcast %squeeze3A_391 : f32 to vector<16xf32>
            %min3A_403 = arith.minimumf %min3A, %gather3A_95 : vector<16xf32>
            %min3A_404 = vector.broadcast %squeeze3A_393 : f32 to vector<16xf32>
            %min3A_405 = arith.minimumf %min3A_404, %gather3A_96 : vector<16xf32>
            %sub3A_406 = arith.subf %min3A_403, %max3A_400 : vector<16xf32>
            %max3A_407 = arith.constant 0.000000e+00 : f32
            %max3A_408 = vector.broadcast %max3A_407 : f32 to vector<16xf32>
            %max3A_409 = arith.maximumf %sub3A_406, %max3A_408 : vector<16xf32>
            %sub3A_410 = arith.subf %min3A_405, %max3A_402 : vector<16xf32>
            %max3A_411 = arith.constant 0.000000e+00 : f32
            %max3A_412 = vector.broadcast %max3A_411 : f32 to vector<16xf32>
            %max3A_413 = arith.maximumf %sub3A_410, %max3A_412 : vector<16xf32>
            %mul3A_414 = arith.mulf %max3A_409, %max3A_413 : vector<16xf32>
            %add3A_415 = vector.broadcast %squeeze3A_395 : f32 to vector<16xf32>
            %add3A_416 = arith.addf %add3A_415, %mul3A_99 : vector<16xf32>
            %sub3A_417 = arith.subf %add3A_416, %mul3A_414 : vector<16xf32>
            %add3A_418 = arith.constant 1.000000e-07 : f32
            %add3A_419 = vector.broadcast %add3A_418 : f32 to vector<16xf32>
            %add3A_420 = arith.addf %sub3A_417, %add3A_419 : vector<16xf32>
            %div3A_421 = arith.divf %mul3A_414, %add3A_420 : vector<16xf32>
            %gt3A = arith.constant 4.500000e-01 : f32
            %gt3A_422 = vector.broadcast %gt3A : f32 to vector<16xf32>
            %gt3A_423 = arith.cmpf ogt, %div3A_421, %gt3A_422 : vector<16xf32>
            %get3A_424 = arith.constant 0 : index
            %get3A_425 = tpu.vector_load %arg7[%get3A_424] {strides = array<i32>} : memref<16xf32, #tpu.memory_space<vmem>>, vector<16xf32>,
            %jit3A_426 = arith.constant 1.000000e+00 : f32
            %broadcast_in_dim3A_427 = vector.broadcast %jit3A_426 : f32 to vector<16xf32>
            %select_n3A_428 = arith.select %gt3A_423, %broadcast_in_dim3A_427, %get3A_425 : vector<16xi1>, vector<16xf32>
            %swap3A_429 = arith.constant 0 : index
            %swap3A_430 = tpu.vector_load %arg7[%swap3A_429] {strides = array<i32>} : memref<16xf32, #tpu.memory_space<vmem>>, vector<16xf32>,
            tpu.vector_store %arg7[%swap3A_429], %select_n3A_428 {strides = array<i32>} : memref<16xf32, #tpu.memory_space<vmem>>, vector<16xf32>,
          } else {
          }
          %add3A_148 = arith.constant 1 : i32
          %add3A_149 = arith.addi %get3A_90, %add3A_148 : i32
          %select_n3A_150 = arith.select %and3A_144, %add3A_149, %get3A_90 : i32
          %get3A_151 = arith.constant 0 : index
          %get3A_152 = tpu.vector_load %arg7[%get3A_151] {strides = array<i32>} : memref<16xf32, #tpu.memory_space<vmem>>, vector<16xf32>,
          %slice3A_153 = vector.extract_strided_slice %get3A_152 {offsets = [1], sizes = [1], strides = [1]} : vector<16xf32> to vector<1xf32>
          %squeeze3A_154 = vector.extract %slice3A_153[0] : f32 from vector<1xf32>
          %eq3A_155 = arith.constant 0.000000e+00 : f32
          %eq3A_156 = arith.cmpf oeq, %squeeze3A_154, %eq3A_155 : f32
          %lt3A_157 = arith.constant 300 : i32
          %lt3A_158 = arith.cmpi slt, %select_n3A_150, %lt3A_157 : i32
          %and3A_159 = arith.andi %eq3A_156, %lt3A_158 : i1
          %convert_element_type3A_160 = arith.extui %and3A_159 : i1 to i32
          %cond3A_161 = arith.constant 0 : i32
          %cond3A_162 = arith.cmpi ne, %convert_element_type3A_160, %cond3A_161 : i32
          scf.if %cond3A_162 {
            %slice3A_386 = vector.extract_strided_slice %gather3A {offsets = [1], sizes = [1], strides = [1]} : vector<16xf32> to vector<1xf32>
            %squeeze3A_387 = vector.extract %slice3A_386[0] : f32 from vector<1xf32>
            %slice3A_388 = vector.extract_strided_slice %gather3A_94 {offsets = [1], sizes = [1], strides = [1]} : vector<16xf32> to vector<1xf32>
            %squeeze3A_389 = vector.extract %slice3A_388[0] : f32 from vector<1xf32>
            %slice3A_390 = vector.extract_strided_slice %gather3A_95 {offsets = [1], sizes = [1], strides = [1]} : vector<16xf32> to vector<1xf32>
            %squeeze3A_391 = vector.extract %slice3A_390[0] : f32 from vector<1xf32>
            %slice3A_392 = vector.extract_strided_slice %gather3A_96 {offsets = [1], sizes = [1], strides = [1]} : vector<16xf32> to vector<1xf32>
            %squeeze3A_393 = vector.extract %slice3A_392[0] : f32 from vector<1xf32>
            %slice3A_394 = vector.extract_strided_slice %mul3A_99 {offsets = [1], sizes = [1], strides = [1]} : vector<16xf32> to vector<1xf32>
            %squeeze3A_395 = vector.extract %slice3A_394[0] : f32 from vector<1xf32>
            %eq3A_396 = arith.constant 1 : i32
            %eq3A_397 = vector.broadcast %eq3A_396 : i32 to vector<16xi32>
            %eq3A_398 = arith.cmpi eq, %iota3A, %eq3A_397 : vector<16xi32>
            %broadcast_in_dim3A_399 = vector.broadcast %select_n3A_150 : i32 to vector<16xi32>
            tpu.vector_store_idx %arg8[%broadcast_in_dim3A_61, %broadcast_in_dim3A_399], %gather3A masked %eq3A_398 : memref<8x304xf32, #tpu.memory_space<vmem>>[vector<16xi32>, vector<16xi32>], vector<16xf32>, vector<16xi1>
            tpu.vector_store_idx %arg8[%broadcast_in_dim3A_63, %broadcast_in_dim3A_399], %gather3A_94 masked %eq3A_398 : memref<8x304xf32, #tpu.memory_space<vmem>>[vector<16xi32>, vector<16xi32>], vector<16xf32>, vector<16xi1>
            tpu.vector_store_idx %arg8[%broadcast_in_dim3A_65, %broadcast_in_dim3A_399], %gather3A_95 masked %eq3A_398 : memref<8x304xf32, #tpu.memory_space<vmem>>[vector<16xi32>, vector<16xi32>], vector<16xf32>, vector<16xi1>
            tpu.vector_store_idx %arg8[%broadcast_in_dim3A_67, %broadcast_in_dim3A_399], %gather3A_96 masked %eq3A_398 : memref<8x304xf32, #tpu.memory_space<vmem>>[vector<16xi32>, vector<16xi32>], vector<16xf32>, vector<16xi1>
            tpu.vector_store_idx %arg8[%broadcast_in_dim3A_69, %broadcast_in_dim3A_399], %gather3A_97 masked %eq3A_398 : memref<8x304xf32, #tpu.memory_space<vmem>>[vector<16xi32>, vector<16xi32>], vector<16xf32>, vector<16xi1>
            tpu.vector_store_idx %arg8[%broadcast_in_dim3A_71, %broadcast_in_dim3A_399], %mul3A_99 masked %eq3A_398 : memref<8x304xf32, #tpu.memory_space<vmem>>[vector<16xi32>, vector<16xi32>], vector<16xf32>, vector<16xi1>
            %max3A = vector.broadcast %squeeze3A_387 : f32 to vector<16xf32>
            %max3A_400 = arith.maximumf %max3A, %gather3A : vector<16xf32>
            %max3A_401 = vector.broadcast %squeeze3A_389 : f32 to vector<16xf32>
            %max3A_402 = arith.maximumf %max3A_401, %gather3A_94 : vector<16xf32>
            %min3A = vector.broadcast %squeeze3A_391 : f32 to vector<16xf32>
            %min3A_403 = arith.minimumf %min3A, %gather3A_95 : vector<16xf32>
            %min3A_404 = vector.broadcast %squeeze3A_393 : f32 to vector<16xf32>
            %min3A_405 = arith.minimumf %min3A_404, %gather3A_96 : vector<16xf32>
            %sub3A_406 = arith.subf %min3A_403, %max3A_400 : vector<16xf32>
            %max3A_407 = arith.constant 0.000000e+00 : f32
            %max3A_408 = vector.broadcast %max3A_407 : f32 to vector<16xf32>
            %max3A_409 = arith.maximumf %sub3A_406, %max3A_408 : vector<16xf32>
            %sub3A_410 = arith.subf %min3A_405, %max3A_402 : vector<16xf32>
            %max3A_411 = arith.constant 0.000000e+00 : f32
            %max3A_412 = vector.broadcast %max3A_411 : f32 to vector<16xf32>
            %max3A_413 = arith.maximumf %sub3A_410, %max3A_412 : vector<16xf32>
            %mul3A_414 = arith.mulf %max3A_409, %max3A_413 : vector<16xf32>
            %add3A_415 = vector.broadcast %squeeze3A_395 : f32 to vector<16xf32>
            %add3A_416 = arith.addf %add3A_415, %mul3A_99 : vector<16xf32>
            %sub3A_417 = arith.subf %add3A_416, %mul3A_414 : vector<16xf32>
            %add3A_418 = arith.constant 1.000000e-07 : f32
            %add3A_419 = vector.broadcast %add3A_418 : f32 to vector<16xf32>
            %add3A_420 = arith.addf %sub3A_417, %add3A_419 : vector<16xf32>
            %div3A_421 = arith.divf %mul3A_414, %add3A_420 : vector<16xf32>
            %gt3A = arith.constant 4.500000e-01 : f32
            %gt3A_422 = vector.broadcast %gt3A : f32 to vector<16xf32>
            %gt3A_423 = arith.cmpf ogt, %div3A_421, %gt3A_422 : vector<16xf32>
            %get3A_424 = arith.constant 0 : index
            %get3A_425 = tpu.vector_load %arg7[%get3A_424] {strides = array<i32>} : memref<16xf32, #tpu.memory_space<vmem>>, vector<16xf32>,
            %jit3A_426 = arith.constant 1.000000e+00 : f32
            %broadcast_in_dim3A_427 = vector.broadcast %jit3A_426 : f32 to vector<16xf32>
            %select_n3A_428 = arith.select %gt3A_423, %broadcast_in_dim3A_427, %get3A_425 : vector<16xi1>, vector<16xf32>
            %swap3A_429 = arith.constant 0 : index
            %swap3A_430 = tpu.vector_load %arg7[%swap3A_429] {strides = array<i32>} : memref<16xf32, #tpu.memory_space<vmem>>, vector<16xf32>,
            tpu.vector_store %arg7[%swap3A_429], %select_n3A_428 {strides = array<i32>} : memref<16xf32, #tpu.memory_space<vmem>>, vector<16xf32>,
          } else {
          }
          %add3A_163 = arith.constant 1 : i32
          %add3A_164 = arith.addi %select_n3A_150, %add3A_163 : i32
          %select_n3A_165 = arith.select %and3A_159, %add3A_164, %select_n3A_150 : i32
          %get3A_166 = arith.constant 0 : index
          %get3A_167 = tpu.vector_load %arg7[%get3A_166] {strides = array<i32>} : memref<16xf32, #tpu.memory_space<vmem>>, vector<16xf32>,
          %slice3A_168 = vector.extract_strided_slice %get3A_167 {offsets = [2], sizes = [1], strides = [1]} : vector<16xf32> to vector<1xf32>
          %squeeze3A_169 = vector.extract %slice3A_168[0] : f32 from vector<1xf32>
          %eq3A_170 = arith.constant 0.000000e+00 : f32
          %eq3A_171 = arith.cmpf oeq, %squeeze3A_169, %eq3A_170 : f32
          %lt3A_172 = arith.constant 300 : i32
          %lt3A_173 = arith.cmpi slt, %select_n3A_165, %lt3A_172 : i32
          %and3A_174 = arith.andi %eq3A_171, %lt3A_173 : i1
          %convert_element_type3A_175 = arith.extui %and3A_174 : i1 to i32
          %cond3A_176 = arith.constant 0 : i32
          %cond3A_177 = arith.cmpi ne, %convert_element_type3A_175, %cond3A_176 : i32
          scf.if %cond3A_177 {
            %slice3A_386 = vector.extract_strided_slice %gather3A {offsets = [2], sizes = [1], strides = [1]} : vector<16xf32> to vector<1xf32>
            %squeeze3A_387 = vector.extract %slice3A_386[0] : f32 from vector<1xf32>
            %slice3A_388 = vector.extract_strided_slice %gather3A_94 {offsets = [2], sizes = [1], strides = [1]} : vector<16xf32> to vector<1xf32>
            %squeeze3A_389 = vector.extract %slice3A_388[0] : f32 from vector<1xf32>
            %slice3A_390 = vector.extract_strided_slice %gather3A_95 {offsets = [2], sizes = [1], strides = [1]} : vector<16xf32> to vector<1xf32>
            %squeeze3A_391 = vector.extract %slice3A_390[0] : f32 from vector<1xf32>
            %slice3A_392 = vector.extract_strided_slice %gather3A_96 {offsets = [2], sizes = [1], strides = [1]} : vector<16xf32> to vector<1xf32>
            %squeeze3A_393 = vector.extract %slice3A_392[0] : f32 from vector<1xf32>
            %slice3A_394 = vector.extract_strided_slice %mul3A_99 {offsets = [2], sizes = [1], strides = [1]} : vector<16xf32> to vector<1xf32>
            %squeeze3A_395 = vector.extract %slice3A_394[0] : f32 from vector<1xf32>
            %eq3A_396 = arith.constant 2 : i32
            %eq3A_397 = vector.broadcast %eq3A_396 : i32 to vector<16xi32>
            %eq3A_398 = arith.cmpi eq, %iota3A, %eq3A_397 : vector<16xi32>
            %broadcast_in_dim3A_399 = vector.broadcast %select_n3A_165 : i32 to vector<16xi32>
            tpu.vector_store_idx %arg8[%broadcast_in_dim3A_61, %broadcast_in_dim3A_399], %gather3A masked %eq3A_398 : memref<8x304xf32, #tpu.memory_space<vmem>>[vector<16xi32>, vector<16xi32>], vector<16xf32>, vector<16xi1>
            tpu.vector_store_idx %arg8[%broadcast_in_dim3A_63, %broadcast_in_dim3A_399], %gather3A_94 masked %eq3A_398 : memref<8x304xf32, #tpu.memory_space<vmem>>[vector<16xi32>, vector<16xi32>], vector<16xf32>, vector<16xi1>
            tpu.vector_store_idx %arg8[%broadcast_in_dim3A_65, %broadcast_in_dim3A_399], %gather3A_95 masked %eq3A_398 : memref<8x304xf32, #tpu.memory_space<vmem>>[vector<16xi32>, vector<16xi32>], vector<16xf32>, vector<16xi1>
            tpu.vector_store_idx %arg8[%broadcast_in_dim3A_67, %broadcast_in_dim3A_399], %gather3A_96 masked %eq3A_398 : memref<8x304xf32, #tpu.memory_space<vmem>>[vector<16xi32>, vector<16xi32>], vector<16xf32>, vector<16xi1>
            tpu.vector_store_idx %arg8[%broadcast_in_dim3A_69, %broadcast_in_dim3A_399], %gather3A_97 masked %eq3A_398 : memref<8x304xf32, #tpu.memory_space<vmem>>[vector<16xi32>, vector<16xi32>], vector<16xf32>, vector<16xi1>
            tpu.vector_store_idx %arg8[%broadcast_in_dim3A_71, %broadcast_in_dim3A_399], %mul3A_99 masked %eq3A_398 : memref<8x304xf32, #tpu.memory_space<vmem>>[vector<16xi32>, vector<16xi32>], vector<16xf32>, vector<16xi1>
            %max3A = vector.broadcast %squeeze3A_387 : f32 to vector<16xf32>
            %max3A_400 = arith.maximumf %max3A, %gather3A : vector<16xf32>
            %max3A_401 = vector.broadcast %squeeze3A_389 : f32 to vector<16xf32>
            %max3A_402 = arith.maximumf %max3A_401, %gather3A_94 : vector<16xf32>
            %min3A = vector.broadcast %squeeze3A_391 : f32 to vector<16xf32>
            %min3A_403 = arith.minimumf %min3A, %gather3A_95 : vector<16xf32>
            %min3A_404 = vector.broadcast %squeeze3A_393 : f32 to vector<16xf32>
            %min3A_405 = arith.minimumf %min3A_404, %gather3A_96 : vector<16xf32>
            %sub3A_406 = arith.subf %min3A_403, %max3A_400 : vector<16xf32>
            %max3A_407 = arith.constant 0.000000e+00 : f32
            %max3A_408 = vector.broadcast %max3A_407 : f32 to vector<16xf32>
            %max3A_409 = arith.maximumf %sub3A_406, %max3A_408 : vector<16xf32>
            %sub3A_410 = arith.subf %min3A_405, %max3A_402 : vector<16xf32>
            %max3A_411 = arith.constant 0.000000e+00 : f32
            %max3A_412 = vector.broadcast %max3A_411 : f32 to vector<16xf32>
            %max3A_413 = arith.maximumf %sub3A_410, %max3A_412 : vector<16xf32>
            %mul3A_414 = arith.mulf %max3A_409, %max3A_413 : vector<16xf32>
            %add3A_415 = vector.broadcast %squeeze3A_395 : f32 to vector<16xf32>
            %add3A_416 = arith.addf %add3A_415, %mul3A_99 : vector<16xf32>
            %sub3A_417 = arith.subf %add3A_416, %mul3A_414 : vector<16xf32>
            %add3A_418 = arith.constant 1.000000e-07 : f32
            %add3A_419 = vector.broadcast %add3A_418 : f32 to vector<16xf32>
            %add3A_420 = arith.addf %sub3A_417, %add3A_419 : vector<16xf32>
            %div3A_421 = arith.divf %mul3A_414, %add3A_420 : vector<16xf32>
            %gt3A = arith.constant 4.500000e-01 : f32
            %gt3A_422 = vector.broadcast %gt3A : f32 to vector<16xf32>
            %gt3A_423 = arith.cmpf ogt, %div3A_421, %gt3A_422 : vector<16xf32>
            %get3A_424 = arith.constant 0 : index
            %get3A_425 = tpu.vector_load %arg7[%get3A_424] {strides = array<i32>} : memref<16xf32, #tpu.memory_space<vmem>>, vector<16xf32>,
            %jit3A_426 = arith.constant 1.000000e+00 : f32
            %broadcast_in_dim3A_427 = vector.broadcast %jit3A_426 : f32 to vector<16xf32>
            %select_n3A_428 = arith.select %gt3A_423, %broadcast_in_dim3A_427, %get3A_425 : vector<16xi1>, vector<16xf32>
            %swap3A_429 = arith.constant 0 : index
            %swap3A_430 = tpu.vector_load %arg7[%swap3A_429] {strides = array<i32>} : memref<16xf32, #tpu.memory_space<vmem>>, vector<16xf32>,
            tpu.vector_store %arg7[%swap3A_429], %select_n3A_428 {strides = array<i32>} : memref<16xf32, #tpu.memory_space<vmem>>, vector<16xf32>,
          } else {
          }
          %add3A_178 = arith.constant 1 : i32
          %add3A_179 = arith.addi %select_n3A_165, %add3A_178 : i32
          %select_n3A_180 = arith.select %and3A_174, %add3A_179, %select_n3A_165 : i32
          %get3A_181 = arith.constant 0 : index
          %get3A_182 = tpu.vector_load %arg7[%get3A_181] {strides = array<i32>} : memref<16xf32, #tpu.memory_space<vmem>>, vector<16xf32>,
          %slice3A_183 = vector.extract_strided_slice %get3A_182 {offsets = [3], sizes = [1], strides = [1]} : vector<16xf32> to vector<1xf32>
          %squeeze3A_184 = vector.extract %slice3A_183[0] : f32 from vector<1xf32>
          %eq3A_185 = arith.constant 0.000000e+00 : f32
          %eq3A_186 = arith.cmpf oeq, %squeeze3A_184, %eq3A_185 : f32
          %lt3A_187 = arith.constant 300 : i32
          %lt3A_188 = arith.cmpi slt, %select_n3A_180, %lt3A_187 : i32
          %and3A_189 = arith.andi %eq3A_186, %lt3A_188 : i1
          %convert_element_type3A_190 = arith.extui %and3A_189 : i1 to i32
          %cond3A_191 = arith.constant 0 : i32
          %cond3A_192 = arith.cmpi ne, %convert_element_type3A_190, %cond3A_191 : i32
          scf.if %cond3A_192 {
            %slice3A_386 = vector.extract_strided_slice %gather3A {offsets = [3], sizes = [1], strides = [1]} : vector<16xf32> to vector<1xf32>
            %squeeze3A_387 = vector.extract %slice3A_386[0] : f32 from vector<1xf32>
            %slice3A_388 = vector.extract_strided_slice %gather3A_94 {offsets = [3], sizes = [1], strides = [1]} : vector<16xf32> to vector<1xf32>
            %squeeze3A_389 = vector.extract %slice3A_388[0] : f32 from vector<1xf32>
            %slice3A_390 = vector.extract_strided_slice %gather3A_95 {offsets = [3], sizes = [1], strides = [1]} : vector<16xf32> to vector<1xf32>
            %squeeze3A_391 = vector.extract %slice3A_390[0] : f32 from vector<1xf32>
            %slice3A_392 = vector.extract_strided_slice %gather3A_96 {offsets = [3], sizes = [1], strides = [1]} : vector<16xf32> to vector<1xf32>
            %squeeze3A_393 = vector.extract %slice3A_392[0] : f32 from vector<1xf32>
            %slice3A_394 = vector.extract_strided_slice %mul3A_99 {offsets = [3], sizes = [1], strides = [1]} : vector<16xf32> to vector<1xf32>
            %squeeze3A_395 = vector.extract %slice3A_394[0] : f32 from vector<1xf32>
            %eq3A_396 = arith.constant 3 : i32
            %eq3A_397 = vector.broadcast %eq3A_396 : i32 to vector<16xi32>
            %eq3A_398 = arith.cmpi eq, %iota3A, %eq3A_397 : vector<16xi32>
            %broadcast_in_dim3A_399 = vector.broadcast %select_n3A_180 : i32 to vector<16xi32>
            tpu.vector_store_idx %arg8[%broadcast_in_dim3A_61, %broadcast_in_dim3A_399], %gather3A masked %eq3A_398 : memref<8x304xf32, #tpu.memory_space<vmem>>[vector<16xi32>, vector<16xi32>], vector<16xf32>, vector<16xi1>
            tpu.vector_store_idx %arg8[%broadcast_in_dim3A_63, %broadcast_in_dim3A_399], %gather3A_94 masked %eq3A_398 : memref<8x304xf32, #tpu.memory_space<vmem>>[vector<16xi32>, vector<16xi32>], vector<16xf32>, vector<16xi1>
            tpu.vector_store_idx %arg8[%broadcast_in_dim3A_65, %broadcast_in_dim3A_399], %gather3A_95 masked %eq3A_398 : memref<8x304xf32, #tpu.memory_space<vmem>>[vector<16xi32>, vector<16xi32>], vector<16xf32>, vector<16xi1>
            tpu.vector_store_idx %arg8[%broadcast_in_dim3A_67, %broadcast_in_dim3A_399], %gather3A_96 masked %eq3A_398 : memref<8x304xf32, #tpu.memory_space<vmem>>[vector<16xi32>, vector<16xi32>], vector<16xf32>, vector<16xi1>
            tpu.vector_store_idx %arg8[%broadcast_in_dim3A_69, %broadcast_in_dim3A_399], %gather3A_97 masked %eq3A_398 : memref<8x304xf32, #tpu.memory_space<vmem>>[vector<16xi32>, vector<16xi32>], vector<16xf32>, vector<16xi1>
            tpu.vector_store_idx %arg8[%broadcast_in_dim3A_71, %broadcast_in_dim3A_399], %mul3A_99 masked %eq3A_398 : memref<8x304xf32, #tpu.memory_space<vmem>>[vector<16xi32>, vector<16xi32>], vector<16xf32>, vector<16xi1>
            %max3A = vector.broadcast %squeeze3A_387 : f32 to vector<16xf32>
            %max3A_400 = arith.maximumf %max3A, %gather3A : vector<16xf32>
            %max3A_401 = vector.broadcast %squeeze3A_389 : f32 to vector<16xf32>
            %max3A_402 = arith.maximumf %max3A_401, %gather3A_94 : vector<16xf32>
            %min3A = vector.broadcast %squeeze3A_391 : f32 to vector<16xf32>
            %min3A_403 = arith.minimumf %min3A, %gather3A_95 : vector<16xf32>
            %min3A_404 = vector.broadcast %squeeze3A_393 : f32 to vector<16xf32>
            %min3A_405 = arith.minimumf %min3A_404, %gather3A_96 : vector<16xf32>
            %sub3A_406 = arith.subf %min3A_403, %max3A_400 : vector<16xf32>
            %max3A_407 = arith.constant 0.000000e+00 : f32
            %max3A_408 = vector.broadcast %max3A_407 : f32 to vector<16xf32>
            %max3A_409 = arith.maximumf %sub3A_406, %max3A_408 : vector<16xf32>
            %sub3A_410 = arith.subf %min3A_405, %max3A_402 : vector<16xf32>
            %max3A_411 = arith.constant 0.000000e+00 : f32
            %max3A_412 = vector.broadcast %max3A_411 : f32 to vector<16xf32>
            %max3A_413 = arith.maximumf %sub3A_410, %max3A_412 : vector<16xf32>
            %mul3A_414 = arith.mulf %max3A_409, %max3A_413 : vector<16xf32>
            %add3A_415 = vector.broadcast %squeeze3A_395 : f32 to vector<16xf32>
            %add3A_416 = arith.addf %add3A_415, %mul3A_99 : vector<16xf32>
            %sub3A_417 = arith.subf %add3A_416, %mul3A_414 : vector<16xf32>
            %add3A_418 = arith.constant 1.000000e-07 : f32
            %add3A_419 = vector.broadcast %add3A_418 : f32 to vector<16xf32>
            %add3A_420 = arith.addf %sub3A_417, %add3A_419 : vector<16xf32>
            %div3A_421 = arith.divf %mul3A_414, %add3A_420 : vector<16xf32>
            %gt3A = arith.constant 4.500000e-01 : f32
            %gt3A_422 = vector.broadcast %gt3A : f32 to vector<16xf32>
            %gt3A_423 = arith.cmpf ogt, %div3A_421, %gt3A_422 : vector<16xf32>
            %get3A_424 = arith.constant 0 : index
            %get3A_425 = tpu.vector_load %arg7[%get3A_424] {strides = array<i32>} : memref<16xf32, #tpu.memory_space<vmem>>, vector<16xf32>,
            %jit3A_426 = arith.constant 1.000000e+00 : f32
            %broadcast_in_dim3A_427 = vector.broadcast %jit3A_426 : f32 to vector<16xf32>
            %select_n3A_428 = arith.select %gt3A_423, %broadcast_in_dim3A_427, %get3A_425 : vector<16xi1>, vector<16xf32>
            %swap3A_429 = arith.constant 0 : index
            %swap3A_430 = tpu.vector_load %arg7[%swap3A_429] {strides = array<i32>} : memref<16xf32, #tpu.memory_space<vmem>>, vector<16xf32>,
            tpu.vector_store %arg7[%swap3A_429], %select_n3A_428 {strides = array<i32>} : memref<16xf32, #tpu.memory_space<vmem>>, vector<16xf32>,
          } else {
          }
          %add3A_193 = arith.constant 1 : i32
          %add3A_194 = arith.addi %select_n3A_180, %add3A_193 : i32
          %select_n3A_195 = arith.select %and3A_189, %add3A_194, %select_n3A_180 : i32
          %get3A_196 = arith.constant 0 : index
          %get3A_197 = tpu.vector_load %arg7[%get3A_196] {strides = array<i32>} : memref<16xf32, #tpu.memory_space<vmem>>, vector<16xf32>,
          %slice3A_198 = vector.extract_strided_slice %get3A_197 {offsets = [4], sizes = [1], strides = [1]} : vector<16xf32> to vector<1xf32>
          %squeeze3A_199 = vector.extract %slice3A_198[0] : f32 from vector<1xf32>
          %eq3A_200 = arith.constant 0.000000e+00 : f32
          %eq3A_201 = arith.cmpf oeq, %squeeze3A_199, %eq3A_200 : f32
          %lt3A_202 = arith.constant 300 : i32
          %lt3A_203 = arith.cmpi slt, %select_n3A_195, %lt3A_202 : i32
          %and3A_204 = arith.andi %eq3A_201, %lt3A_203 : i1
          %convert_element_type3A_205 = arith.extui %and3A_204 : i1 to i32
          %cond3A_206 = arith.constant 0 : i32
          %cond3A_207 = arith.cmpi ne, %convert_element_type3A_205, %cond3A_206 : i32
          scf.if %cond3A_207 {
            %slice3A_386 = vector.extract_strided_slice %gather3A {offsets = [4], sizes = [1], strides = [1]} : vector<16xf32> to vector<1xf32>
            %squeeze3A_387 = vector.extract %slice3A_386[0] : f32 from vector<1xf32>
            %slice3A_388 = vector.extract_strided_slice %gather3A_94 {offsets = [4], sizes = [1], strides = [1]} : vector<16xf32> to vector<1xf32>
            %squeeze3A_389 = vector.extract %slice3A_388[0] : f32 from vector<1xf32>
            %slice3A_390 = vector.extract_strided_slice %gather3A_95 {offsets = [4], sizes = [1], strides = [1]} : vector<16xf32> to vector<1xf32>
            %squeeze3A_391 = vector.extract %slice3A_390[0] : f32 from vector<1xf32>
            %slice3A_392 = vector.extract_strided_slice %gather3A_96 {offsets = [4], sizes = [1], strides = [1]} : vector<16xf32> to vector<1xf32>
            %squeeze3A_393 = vector.extract %slice3A_392[0] : f32 from vector<1xf32>
            %slice3A_394 = vector.extract_strided_slice %mul3A_99 {offsets = [4], sizes = [1], strides = [1]} : vector<16xf32> to vector<1xf32>
            %squeeze3A_395 = vector.extract %slice3A_394[0] : f32 from vector<1xf32>
            %eq3A_396 = arith.constant 4 : i32
            %eq3A_397 = vector.broadcast %eq3A_396 : i32 to vector<16xi32>
            %eq3A_398 = arith.cmpi eq, %iota3A, %eq3A_397 : vector<16xi32>
            %broadcast_in_dim3A_399 = vector.broadcast %select_n3A_195 : i32 to vector<16xi32>
            tpu.vector_store_idx %arg8[%broadcast_in_dim3A_61, %broadcast_in_dim3A_399], %gather3A masked %eq3A_398 : memref<8x304xf32, #tpu.memory_space<vmem>>[vector<16xi32>, vector<16xi32>], vector<16xf32>, vector<16xi1>
            tpu.vector_store_idx %arg8[%broadcast_in_dim3A_63, %broadcast_in_dim3A_399], %gather3A_94 masked %eq3A_398 : memref<8x304xf32, #tpu.memory_space<vmem>>[vector<16xi32>, vector<16xi32>], vector<16xf32>, vector<16xi1>
            tpu.vector_store_idx %arg8[%broadcast_in_dim3A_65, %broadcast_in_dim3A_399], %gather3A_95 masked %eq3A_398 : memref<8x304xf32, #tpu.memory_space<vmem>>[vector<16xi32>, vector<16xi32>], vector<16xf32>, vector<16xi1>
            tpu.vector_store_idx %arg8[%broadcast_in_dim3A_67, %broadcast_in_dim3A_399], %gather3A_96 masked %eq3A_398 : memref<8x304xf32, #tpu.memory_space<vmem>>[vector<16xi32>, vector<16xi32>], vector<16xf32>, vector<16xi1>
            tpu.vector_store_idx %arg8[%broadcast_in_dim3A_69, %broadcast_in_dim3A_399], %gather3A_97 masked %eq3A_398 : memref<8x304xf32, #tpu.memory_space<vmem>>[vector<16xi32>, vector<16xi32>], vector<16xf32>, vector<16xi1>
            tpu.vector_store_idx %arg8[%broadcast_in_dim3A_71, %broadcast_in_dim3A_399], %mul3A_99 masked %eq3A_398 : memref<8x304xf32, #tpu.memory_space<vmem>>[vector<16xi32>, vector<16xi32>], vector<16xf32>, vector<16xi1>
            %max3A = vector.broadcast %squeeze3A_387 : f32 to vector<16xf32>
            %max3A_400 = arith.maximumf %max3A, %gather3A : vector<16xf32>
            %max3A_401 = vector.broadcast %squeeze3A_389 : f32 to vector<16xf32>
            %max3A_402 = arith.maximumf %max3A_401, %gather3A_94 : vector<16xf32>
            %min3A = vector.broadcast %squeeze3A_391 : f32 to vector<16xf32>
            %min3A_403 = arith.minimumf %min3A, %gather3A_95 : vector<16xf32>
            %min3A_404 = vector.broadcast %squeeze3A_393 : f32 to vector<16xf32>
            %min3A_405 = arith.minimumf %min3A_404, %gather3A_96 : vector<16xf32>
            %sub3A_406 = arith.subf %min3A_403, %max3A_400 : vector<16xf32>
            %max3A_407 = arith.constant 0.000000e+00 : f32
            %max3A_408 = vector.broadcast %max3A_407 : f32 to vector<16xf32>
            %max3A_409 = arith.maximumf %sub3A_406, %max3A_408 : vector<16xf32>
            %sub3A_410 = arith.subf %min3A_405, %max3A_402 : vector<16xf32>
            %max3A_411 = arith.constant 0.000000e+00 : f32
            %max3A_412 = vector.broadcast %max3A_411 : f32 to vector<16xf32>
            %max3A_413 = arith.maximumf %sub3A_410, %max3A_412 : vector<16xf32>
            %mul3A_414 = arith.mulf %max3A_409, %max3A_413 : vector<16xf32>
            %add3A_415 = vector.broadcast %squeeze3A_395 : f32 to vector<16xf32>
            %add3A_416 = arith.addf %add3A_415, %mul3A_99 : vector<16xf32>
            %sub3A_417 = arith.subf %add3A_416, %mul3A_414 : vector<16xf32>
            %add3A_418 = arith.constant 1.000000e-07 : f32
            %add3A_419 = vector.broadcast %add3A_418 : f32 to vector<16xf32>
            %add3A_420 = arith.addf %sub3A_417, %add3A_419 : vector<16xf32>
            %div3A_421 = arith.divf %mul3A_414, %add3A_420 : vector<16xf32>
            %gt3A = arith.constant 4.500000e-01 : f32
            %gt3A_422 = vector.broadcast %gt3A : f32 to vector<16xf32>
            %gt3A_423 = arith.cmpf ogt, %div3A_421, %gt3A_422 : vector<16xf32>
            %get3A_424 = arith.constant 0 : index
            %get3A_425 = tpu.vector_load %arg7[%get3A_424] {strides = array<i32>} : memref<16xf32, #tpu.memory_space<vmem>>, vector<16xf32>,
            %jit3A_426 = arith.constant 1.000000e+00 : f32
            %broadcast_in_dim3A_427 = vector.broadcast %jit3A_426 : f32 to vector<16xf32>
            %select_n3A_428 = arith.select %gt3A_423, %broadcast_in_dim3A_427, %get3A_425 : vector<16xi1>, vector<16xf32>
            %swap3A_429 = arith.constant 0 : index
            %swap3A_430 = tpu.vector_load %arg7[%swap3A_429] {strides = array<i32>} : memref<16xf32, #tpu.memory_space<vmem>>, vector<16xf32>,
            tpu.vector_store %arg7[%swap3A_429], %select_n3A_428 {strides = array<i32>} : memref<16xf32, #tpu.memory_space<vmem>>, vector<16xf32>,
          } else {
          }
          %add3A_208 = arith.constant 1 : i32
          %add3A_209 = arith.addi %select_n3A_195, %add3A_208 : i32
          %select_n3A_210 = arith.select %and3A_204, %add3A_209, %select_n3A_195 : i32
          %get3A_211 = arith.constant 0 : index
          %get3A_212 = tpu.vector_load %arg7[%get3A_211] {strides = array<i32>} : memref<16xf32, #tpu.memory_space<vmem>>, vector<16xf32>,
          %slice3A_213 = vector.extract_strided_slice %get3A_212 {offsets = [5], sizes = [1], strides = [1]} : vector<16xf32> to vector<1xf32>
          %squeeze3A_214 = vector.extract %slice3A_213[0] : f32 from vector<1xf32>
          %eq3A_215 = arith.constant 0.000000e+00 : f32
          %eq3A_216 = arith.cmpf oeq, %squeeze3A_214, %eq3A_215 : f32
          %lt3A_217 = arith.constant 300 : i32
          %lt3A_218 = arith.cmpi slt, %select_n3A_210, %lt3A_217 : i32
          %and3A_219 = arith.andi %eq3A_216, %lt3A_218 : i1
          %convert_element_type3A_220 = arith.extui %and3A_219 : i1 to i32
          %cond3A_221 = arith.constant 0 : i32
          %cond3A_222 = arith.cmpi ne, %convert_element_type3A_220, %cond3A_221 : i32
          scf.if %cond3A_222 {
            %slice3A_386 = vector.extract_strided_slice %gather3A {offsets = [5], sizes = [1], strides = [1]} : vector<16xf32> to vector<1xf32>
            %squeeze3A_387 = vector.extract %slice3A_386[0] : f32 from vector<1xf32>
            %slice3A_388 = vector.extract_strided_slice %gather3A_94 {offsets = [5], sizes = [1], strides = [1]} : vector<16xf32> to vector<1xf32>
            %squeeze3A_389 = vector.extract %slice3A_388[0] : f32 from vector<1xf32>
            %slice3A_390 = vector.extract_strided_slice %gather3A_95 {offsets = [5], sizes = [1], strides = [1]} : vector<16xf32> to vector<1xf32>
            %squeeze3A_391 = vector.extract %slice3A_390[0] : f32 from vector<1xf32>
            %slice3A_392 = vector.extract_strided_slice %gather3A_96 {offsets = [5], sizes = [1], strides = [1]} : vector<16xf32> to vector<1xf32>
            %squeeze3A_393 = vector.extract %slice3A_392[0] : f32 from vector<1xf32>
            %slice3A_394 = vector.extract_strided_slice %mul3A_99 {offsets = [5], sizes = [1], strides = [1]} : vector<16xf32> to vector<1xf32>
            %squeeze3A_395 = vector.extract %slice3A_394[0] : f32 from vector<1xf32>
            %eq3A_396 = arith.constant 5 : i32
            %eq3A_397 = vector.broadcast %eq3A_396 : i32 to vector<16xi32>
            %eq3A_398 = arith.cmpi eq, %iota3A, %eq3A_397 : vector<16xi32>
            %broadcast_in_dim3A_399 = vector.broadcast %select_n3A_210 : i32 to vector<16xi32>
            tpu.vector_store_idx %arg8[%broadcast_in_dim3A_61, %broadcast_in_dim3A_399], %gather3A masked %eq3A_398 : memref<8x304xf32, #tpu.memory_space<vmem>>[vector<16xi32>, vector<16xi32>], vector<16xf32>, vector<16xi1>
            tpu.vector_store_idx %arg8[%broadcast_in_dim3A_63, %broadcast_in_dim3A_399], %gather3A_94 masked %eq3A_398 : memref<8x304xf32, #tpu.memory_space<vmem>>[vector<16xi32>, vector<16xi32>], vector<16xf32>, vector<16xi1>
            tpu.vector_store_idx %arg8[%broadcast_in_dim3A_65, %broadcast_in_dim3A_399], %gather3A_95 masked %eq3A_398 : memref<8x304xf32, #tpu.memory_space<vmem>>[vector<16xi32>, vector<16xi32>], vector<16xf32>, vector<16xi1>
            tpu.vector_store_idx %arg8[%broadcast_in_dim3A_67, %broadcast_in_dim3A_399], %gather3A_96 masked %eq3A_398 : memref<8x304xf32, #tpu.memory_space<vmem>>[vector<16xi32>, vector<16xi32>], vector<16xf32>, vector<16xi1>
            tpu.vector_store_idx %arg8[%broadcast_in_dim3A_69, %broadcast_in_dim3A_399], %gather3A_97 masked %eq3A_398 : memref<8x304xf32, #tpu.memory_space<vmem>>[vector<16xi32>, vector<16xi32>], vector<16xf32>, vector<16xi1>
            tpu.vector_store_idx %arg8[%broadcast_in_dim3A_71, %broadcast_in_dim3A_399], %mul3A_99 masked %eq3A_398 : memref<8x304xf32, #tpu.memory_space<vmem>>[vector<16xi32>, vector<16xi32>], vector<16xf32>, vector<16xi1>
            %max3A = vector.broadcast %squeeze3A_387 : f32 to vector<16xf32>
            %max3A_400 = arith.maximumf %max3A, %gather3A : vector<16xf32>
            %max3A_401 = vector.broadcast %squeeze3A_389 : f32 to vector<16xf32>
            %max3A_402 = arith.maximumf %max3A_401, %gather3A_94 : vector<16xf32>
            %min3A = vector.broadcast %squeeze3A_391 : f32 to vector<16xf32>
            %min3A_403 = arith.minimumf %min3A, %gather3A_95 : vector<16xf32>
            %min3A_404 = vector.broadcast %squeeze3A_393 : f32 to vector<16xf32>
            %min3A_405 = arith.minimumf %min3A_404, %gather3A_96 : vector<16xf32>
            %sub3A_406 = arith.subf %min3A_403, %max3A_400 : vector<16xf32>
            %max3A_407 = arith.constant 0.000000e+00 : f32
            %max3A_408 = vector.broadcast %max3A_407 : f32 to vector<16xf32>
            %max3A_409 = arith.maximumf %sub3A_406, %max3A_408 : vector<16xf32>
            %sub3A_410 = arith.subf %min3A_405, %max3A_402 : vector<16xf32>
            %max3A_411 = arith.constant 0.000000e+00 : f32
            %max3A_412 = vector.broadcast %max3A_411 : f32 to vector<16xf32>
            %max3A_413 = arith.maximumf %sub3A_410, %max3A_412 : vector<16xf32>
            %mul3A_414 = arith.mulf %max3A_409, %max3A_413 : vector<16xf32>
            %add3A_415 = vector.broadcast %squeeze3A_395 : f32 to vector<16xf32>
            %add3A_416 = arith.addf %add3A_415, %mul3A_99 : vector<16xf32>
            %sub3A_417 = arith.subf %add3A_416, %mul3A_414 : vector<16xf32>
            %add3A_418 = arith.constant 1.000000e-07 : f32
            %add3A_419 = vector.broadcast %add3A_418 : f32 to vector<16xf32>
            %add3A_420 = arith.addf %sub3A_417, %add3A_419 : vector<16xf32>
            %div3A_421 = arith.divf %mul3A_414, %add3A_420 : vector<16xf32>
            %gt3A = arith.constant 4.500000e-01 : f32
            %gt3A_422 = vector.broadcast %gt3A : f32 to vector<16xf32>
            %gt3A_423 = arith.cmpf ogt, %div3A_421, %gt3A_422 : vector<16xf32>
            %get3A_424 = arith.constant 0 : index
            %get3A_425 = tpu.vector_load %arg7[%get3A_424] {strides = array<i32>} : memref<16xf32, #tpu.memory_space<vmem>>, vector<16xf32>,
            %jit3A_426 = arith.constant 1.000000e+00 : f32
            %broadcast_in_dim3A_427 = vector.broadcast %jit3A_426 : f32 to vector<16xf32>
            %select_n3A_428 = arith.select %gt3A_423, %broadcast_in_dim3A_427, %get3A_425 : vector<16xi1>, vector<16xf32>
            %swap3A_429 = arith.constant 0 : index
            %swap3A_430 = tpu.vector_load %arg7[%swap3A_429] {strides = array<i32>} : memref<16xf32, #tpu.memory_space<vmem>>, vector<16xf32>,
            tpu.vector_store %arg7[%swap3A_429], %select_n3A_428 {strides = array<i32>} : memref<16xf32, #tpu.memory_space<vmem>>, vector<16xf32>,
          } else {
          }
          %add3A_223 = arith.constant 1 : i32
          %add3A_224 = arith.addi %select_n3A_210, %add3A_223 : i32
          %select_n3A_225 = arith.select %and3A_219, %add3A_224, %select_n3A_210 : i32
          %get3A_226 = arith.constant 0 : index
          %get3A_227 = tpu.vector_load %arg7[%get3A_226] {strides = array<i32>} : memref<16xf32, #tpu.memory_space<vmem>>, vector<16xf32>,
          %slice3A_228 = vector.extract_strided_slice %get3A_227 {offsets = [6], sizes = [1], strides = [1]} : vector<16xf32> to vector<1xf32>
          %squeeze3A_229 = vector.extract %slice3A_228[0] : f32 from vector<1xf32>
          %eq3A_230 = arith.constant 0.000000e+00 : f32
          %eq3A_231 = arith.cmpf oeq, %squeeze3A_229, %eq3A_230 : f32
          %lt3A_232 = arith.constant 300 : i32
          %lt3A_233 = arith.cmpi slt, %select_n3A_225, %lt3A_232 : i32
          %and3A_234 = arith.andi %eq3A_231, %lt3A_233 : i1
          %convert_element_type3A_235 = arith.extui %and3A_234 : i1 to i32
          %cond3A_236 = arith.constant 0 : i32
          %cond3A_237 = arith.cmpi ne, %convert_element_type3A_235, %cond3A_236 : i32
          scf.if %cond3A_237 {
            %slice3A_386 = vector.extract_strided_slice %gather3A {offsets = [6], sizes = [1], strides = [1]} : vector<16xf32> to vector<1xf32>
            %squeeze3A_387 = vector.extract %slice3A_386[0] : f32 from vector<1xf32>
            %slice3A_388 = vector.extract_strided_slice %gather3A_94 {offsets = [6], sizes = [1], strides = [1]} : vector<16xf32> to vector<1xf32>
            %squeeze3A_389 = vector.extract %slice3A_388[0] : f32 from vector<1xf32>
            %slice3A_390 = vector.extract_strided_slice %gather3A_95 {offsets = [6], sizes = [1], strides = [1]} : vector<16xf32> to vector<1xf32>
            %squeeze3A_391 = vector.extract %slice3A_390[0] : f32 from vector<1xf32>
            %slice3A_392 = vector.extract_strided_slice %gather3A_96 {offsets = [6], sizes = [1], strides = [1]} : vector<16xf32> to vector<1xf32>
            %squeeze3A_393 = vector.extract %slice3A_392[0] : f32 from vector<1xf32>
            %slice3A_394 = vector.extract_strided_slice %mul3A_99 {offsets = [6], sizes = [1], strides = [1]} : vector<16xf32> to vector<1xf32>
            %squeeze3A_395 = vector.extract %slice3A_394[0] : f32 from vector<1xf32>
            %eq3A_396 = arith.constant 6 : i32
            %eq3A_397 = vector.broadcast %eq3A_396 : i32 to vector<16xi32>
            %eq3A_398 = arith.cmpi eq, %iota3A, %eq3A_397 : vector<16xi32>
            %broadcast_in_dim3A_399 = vector.broadcast %select_n3A_225 : i32 to vector<16xi32>
            tpu.vector_store_idx %arg8[%broadcast_in_dim3A_61, %broadcast_in_dim3A_399], %gather3A masked %eq3A_398 : memref<8x304xf32, #tpu.memory_space<vmem>>[vector<16xi32>, vector<16xi32>], vector<16xf32>, vector<16xi1>
            tpu.vector_store_idx %arg8[%broadcast_in_dim3A_63, %broadcast_in_dim3A_399], %gather3A_94 masked %eq3A_398 : memref<8x304xf32, #tpu.memory_space<vmem>>[vector<16xi32>, vector<16xi32>], vector<16xf32>, vector<16xi1>
            tpu.vector_store_idx %arg8[%broadcast_in_dim3A_65, %broadcast_in_dim3A_399], %gather3A_95 masked %eq3A_398 : memref<8x304xf32, #tpu.memory_space<vmem>>[vector<16xi32>, vector<16xi32>], vector<16xf32>, vector<16xi1>
            tpu.vector_store_idx %arg8[%broadcast_in_dim3A_67, %broadcast_in_dim3A_399], %gather3A_96 masked %eq3A_398 : memref<8x304xf32, #tpu.memory_space<vmem>>[vector<16xi32>, vector<16xi32>], vector<16xf32>, vector<16xi1>
            tpu.vector_store_idx %arg8[%broadcast_in_dim3A_69, %broadcast_in_dim3A_399], %gather3A_97 masked %eq3A_398 : memref<8x304xf32, #tpu.memory_space<vmem>>[vector<16xi32>, vector<16xi32>], vector<16xf32>, vector<16xi1>
            tpu.vector_store_idx %arg8[%broadcast_in_dim3A_71, %broadcast_in_dim3A_399], %mul3A_99 masked %eq3A_398 : memref<8x304xf32, #tpu.memory_space<vmem>>[vector<16xi32>, vector<16xi32>], vector<16xf32>, vector<16xi1>
            %max3A = vector.broadcast %squeeze3A_387 : f32 to vector<16xf32>
            %max3A_400 = arith.maximumf %max3A, %gather3A : vector<16xf32>
            %max3A_401 = vector.broadcast %squeeze3A_389 : f32 to vector<16xf32>
            %max3A_402 = arith.maximumf %max3A_401, %gather3A_94 : vector<16xf32>
            %min3A = vector.broadcast %squeeze3A_391 : f32 to vector<16xf32>
            %min3A_403 = arith.minimumf %min3A, %gather3A_95 : vector<16xf32>
            %min3A_404 = vector.broadcast %squeeze3A_393 : f32 to vector<16xf32>
            %min3A_405 = arith.minimumf %min3A_404, %gather3A_96 : vector<16xf32>
            %sub3A_406 = arith.subf %min3A_403, %max3A_400 : vector<16xf32>
            %max3A_407 = arith.constant 0.000000e+00 : f32
            %max3A_408 = vector.broadcast %max3A_407 : f32 to vector<16xf32>
            %max3A_409 = arith.maximumf %sub3A_406, %max3A_408 : vector<16xf32>
            %sub3A_410 = arith.subf %min3A_405, %max3A_402 : vector<16xf32>
            %max3A_411 = arith.constant 0.000000e+00 : f32
            %max3A_412 = vector.broadcast %max3A_411 : f32 to vector<16xf32>
            %max3A_413 = arith.maximumf %sub3A_410, %max3A_412 : vector<16xf32>
            %mul3A_414 = arith.mulf %max3A_409, %max3A_413 : vector<16xf32>
            %add3A_415 = vector.broadcast %squeeze3A_395 : f32 to vector<16xf32>
            %add3A_416 = arith.addf %add3A_415, %mul3A_99 : vector<16xf32>
            %sub3A_417 = arith.subf %add3A_416, %mul3A_414 : vector<16xf32>
            %add3A_418 = arith.constant 1.000000e-07 : f32
            %add3A_419 = vector.broadcast %add3A_418 : f32 to vector<16xf32>
            %add3A_420 = arith.addf %sub3A_417, %add3A_419 : vector<16xf32>
            %div3A_421 = arith.divf %mul3A_414, %add3A_420 : vector<16xf32>
            %gt3A = arith.constant 4.500000e-01 : f32
            %gt3A_422 = vector.broadcast %gt3A : f32 to vector<16xf32>
            %gt3A_423 = arith.cmpf ogt, %div3A_421, %gt3A_422 : vector<16xf32>
            %get3A_424 = arith.constant 0 : index
            %get3A_425 = tpu.vector_load %arg7[%get3A_424] {strides = array<i32>} : memref<16xf32, #tpu.memory_space<vmem>>, vector<16xf32>,
            %jit3A_426 = arith.constant 1.000000e+00 : f32
            %broadcast_in_dim3A_427 = vector.broadcast %jit3A_426 : f32 to vector<16xf32>
            %select_n3A_428 = arith.select %gt3A_423, %broadcast_in_dim3A_427, %get3A_425 : vector<16xi1>, vector<16xf32>
            %swap3A_429 = arith.constant 0 : index
            %swap3A_430 = tpu.vector_load %arg7[%swap3A_429] {strides = array<i32>} : memref<16xf32, #tpu.memory_space<vmem>>, vector<16xf32>,
            tpu.vector_store %arg7[%swap3A_429], %select_n3A_428 {strides = array<i32>} : memref<16xf32, #tpu.memory_space<vmem>>, vector<16xf32>,
          } else {
          }
          %add3A_238 = arith.constant 1 : i32
          %add3A_239 = arith.addi %select_n3A_225, %add3A_238 : i32
          %select_n3A_240 = arith.select %and3A_234, %add3A_239, %select_n3A_225 : i32
          %get3A_241 = arith.constant 0 : index
          %get3A_242 = tpu.vector_load %arg7[%get3A_241] {strides = array<i32>} : memref<16xf32, #tpu.memory_space<vmem>>, vector<16xf32>,
          %slice3A_243 = vector.extract_strided_slice %get3A_242 {offsets = [7], sizes = [1], strides = [1]} : vector<16xf32> to vector<1xf32>
          %squeeze3A_244 = vector.extract %slice3A_243[0] : f32 from vector<1xf32>
          %eq3A_245 = arith.constant 0.000000e+00 : f32
          %eq3A_246 = arith.cmpf oeq, %squeeze3A_244, %eq3A_245 : f32
          %lt3A_247 = arith.constant 300 : i32
          %lt3A_248 = arith.cmpi slt, %select_n3A_240, %lt3A_247 : i32
          %and3A_249 = arith.andi %eq3A_246, %lt3A_248 : i1
          %convert_element_type3A_250 = arith.extui %and3A_249 : i1 to i32
          %cond3A_251 = arith.constant 0 : i32
          %cond3A_252 = arith.cmpi ne, %convert_element_type3A_250, %cond3A_251 : i32
          scf.if %cond3A_252 {
            %slice3A_386 = vector.extract_strided_slice %gather3A {offsets = [7], sizes = [1], strides = [1]} : vector<16xf32> to vector<1xf32>
            %squeeze3A_387 = vector.extract %slice3A_386[0] : f32 from vector<1xf32>
            %slice3A_388 = vector.extract_strided_slice %gather3A_94 {offsets = [7], sizes = [1], strides = [1]} : vector<16xf32> to vector<1xf32>
            %squeeze3A_389 = vector.extract %slice3A_388[0] : f32 from vector<1xf32>
            %slice3A_390 = vector.extract_strided_slice %gather3A_95 {offsets = [7], sizes = [1], strides = [1]} : vector<16xf32> to vector<1xf32>
            %squeeze3A_391 = vector.extract %slice3A_390[0] : f32 from vector<1xf32>
            %slice3A_392 = vector.extract_strided_slice %gather3A_96 {offsets = [7], sizes = [1], strides = [1]} : vector<16xf32> to vector<1xf32>
            %squeeze3A_393 = vector.extract %slice3A_392[0] : f32 from vector<1xf32>
            %slice3A_394 = vector.extract_strided_slice %mul3A_99 {offsets = [7], sizes = [1], strides = [1]} : vector<16xf32> to vector<1xf32>
            %squeeze3A_395 = vector.extract %slice3A_394[0] : f32 from vector<1xf32>
            %eq3A_396 = arith.constant 7 : i32
            %eq3A_397 = vector.broadcast %eq3A_396 : i32 to vector<16xi32>
            %eq3A_398 = arith.cmpi eq, %iota3A, %eq3A_397 : vector<16xi32>
            %broadcast_in_dim3A_399 = vector.broadcast %select_n3A_240 : i32 to vector<16xi32>
            tpu.vector_store_idx %arg8[%broadcast_in_dim3A_61, %broadcast_in_dim3A_399], %gather3A masked %eq3A_398 : memref<8x304xf32, #tpu.memory_space<vmem>>[vector<16xi32>, vector<16xi32>], vector<16xf32>, vector<16xi1>
            tpu.vector_store_idx %arg8[%broadcast_in_dim3A_63, %broadcast_in_dim3A_399], %gather3A_94 masked %eq3A_398 : memref<8x304xf32, #tpu.memory_space<vmem>>[vector<16xi32>, vector<16xi32>], vector<16xf32>, vector<16xi1>
            tpu.vector_store_idx %arg8[%broadcast_in_dim3A_65, %broadcast_in_dim3A_399], %gather3A_95 masked %eq3A_398 : memref<8x304xf32, #tpu.memory_space<vmem>>[vector<16xi32>, vector<16xi32>], vector<16xf32>, vector<16xi1>
            tpu.vector_store_idx %arg8[%broadcast_in_dim3A_67, %broadcast_in_dim3A_399], %gather3A_96 masked %eq3A_398 : memref<8x304xf32, #tpu.memory_space<vmem>>[vector<16xi32>, vector<16xi32>], vector<16xf32>, vector<16xi1>
            tpu.vector_store_idx %arg8[%broadcast_in_dim3A_69, %broadcast_in_dim3A_399], %gather3A_97 masked %eq3A_398 : memref<8x304xf32, #tpu.memory_space<vmem>>[vector<16xi32>, vector<16xi32>], vector<16xf32>, vector<16xi1>
            tpu.vector_store_idx %arg8[%broadcast_in_dim3A_71, %broadcast_in_dim3A_399], %mul3A_99 masked %eq3A_398 : memref<8x304xf32, #tpu.memory_space<vmem>>[vector<16xi32>, vector<16xi32>], vector<16xf32>, vector<16xi1>
            %max3A = vector.broadcast %squeeze3A_387 : f32 to vector<16xf32>
            %max3A_400 = arith.maximumf %max3A, %gather3A : vector<16xf32>
            %max3A_401 = vector.broadcast %squeeze3A_389 : f32 to vector<16xf32>
            %max3A_402 = arith.maximumf %max3A_401, %gather3A_94 : vector<16xf32>
            %min3A = vector.broadcast %squeeze3A_391 : f32 to vector<16xf32>
            %min3A_403 = arith.minimumf %min3A, %gather3A_95 : vector<16xf32>
            %min3A_404 = vector.broadcast %squeeze3A_393 : f32 to vector<16xf32>
            %min3A_405 = arith.minimumf %min3A_404, %gather3A_96 : vector<16xf32>
            %sub3A_406 = arith.subf %min3A_403, %max3A_400 : vector<16xf32>
            %max3A_407 = arith.constant 0.000000e+00 : f32
            %max3A_408 = vector.broadcast %max3A_407 : f32 to vector<16xf32>
            %max3A_409 = arith.maximumf %sub3A_406, %max3A_408 : vector<16xf32>
            %sub3A_410 = arith.subf %min3A_405, %max3A_402 : vector<16xf32>
            %max3A_411 = arith.constant 0.000000e+00 : f32
            %max3A_412 = vector.broadcast %max3A_411 : f32 to vector<16xf32>
            %max3A_413 = arith.maximumf %sub3A_410, %max3A_412 : vector<16xf32>
            %mul3A_414 = arith.mulf %max3A_409, %max3A_413 : vector<16xf32>
            %add3A_415 = vector.broadcast %squeeze3A_395 : f32 to vector<16xf32>
            %add3A_416 = arith.addf %add3A_415, %mul3A_99 : vector<16xf32>
            %sub3A_417 = arith.subf %add3A_416, %mul3A_414 : vector<16xf32>
            %add3A_418 = arith.constant 1.000000e-07 : f32
            %add3A_419 = vector.broadcast %add3A_418 : f32 to vector<16xf32>
            %add3A_420 = arith.addf %sub3A_417, %add3A_419 : vector<16xf32>
            %div3A_421 = arith.divf %mul3A_414, %add3A_420 : vector<16xf32>
            %gt3A = arith.constant 4.500000e-01 : f32
            %gt3A_422 = vector.broadcast %gt3A : f32 to vector<16xf32>
            %gt3A_423 = arith.cmpf ogt, %div3A_421, %gt3A_422 : vector<16xf32>
            %get3A_424 = arith.constant 0 : index
            %get3A_425 = tpu.vector_load %arg7[%get3A_424] {strides = array<i32>} : memref<16xf32, #tpu.memory_space<vmem>>, vector<16xf32>,
            %jit3A_426 = arith.constant 1.000000e+00 : f32
            %broadcast_in_dim3A_427 = vector.broadcast %jit3A_426 : f32 to vector<16xf32>
            %select_n3A_428 = arith.select %gt3A_423, %broadcast_in_dim3A_427, %get3A_425 : vector<16xi1>, vector<16xf32>
            %swap3A_429 = arith.constant 0 : index
            %swap3A_430 = tpu.vector_load %arg7[%swap3A_429] {strides = array<i32>} : memref<16xf32, #tpu.memory_space<vmem>>, vector<16xf32>,
            tpu.vector_store %arg7[%swap3A_429], %select_n3A_428 {strides = array<i32>} : memref<16xf32, #tpu.memory_space<vmem>>, vector<16xf32>,
          } else {
          }
          %add3A_253 = arith.constant 1 : i32
          %add3A_254 = arith.addi %select_n3A_240, %add3A_253 : i32
          %select_n3A_255 = arith.select %and3A_249, %add3A_254, %select_n3A_240 : i32
          %get3A_256 = arith.constant 0 : index
          %get3A_257 = tpu.vector_load %arg7[%get3A_256] {strides = array<i32>} : memref<16xf32, #tpu.memory_space<vmem>>, vector<16xf32>,
          %slice3A_258 = vector.extract_strided_slice %get3A_257 {offsets = [8], sizes = [1], strides = [1]} : vector<16xf32> to vector<1xf32>
          %squeeze3A_259 = vector.extract %slice3A_258[0] : f32 from vector<1xf32>
          %eq3A_260 = arith.constant 0.000000e+00 : f32
          %eq3A_261 = arith.cmpf oeq, %squeeze3A_259, %eq3A_260 : f32
          %lt3A_262 = arith.constant 300 : i32
          %lt3A_263 = arith.cmpi slt, %select_n3A_255, %lt3A_262 : i32
          %and3A_264 = arith.andi %eq3A_261, %lt3A_263 : i1
          %convert_element_type3A_265 = arith.extui %and3A_264 : i1 to i32
          %cond3A_266 = arith.constant 0 : i32
          %cond3A_267 = arith.cmpi ne, %convert_element_type3A_265, %cond3A_266 : i32
          scf.if %cond3A_267 {
            %slice3A_386 = vector.extract_strided_slice %gather3A {offsets = [8], sizes = [1], strides = [1]} : vector<16xf32> to vector<1xf32>
            %squeeze3A_387 = vector.extract %slice3A_386[0] : f32 from vector<1xf32>
            %slice3A_388 = vector.extract_strided_slice %gather3A_94 {offsets = [8], sizes = [1], strides = [1]} : vector<16xf32> to vector<1xf32>
            %squeeze3A_389 = vector.extract %slice3A_388[0] : f32 from vector<1xf32>
            %slice3A_390 = vector.extract_strided_slice %gather3A_95 {offsets = [8], sizes = [1], strides = [1]} : vector<16xf32> to vector<1xf32>
            %squeeze3A_391 = vector.extract %slice3A_390[0] : f32 from vector<1xf32>
            %slice3A_392 = vector.extract_strided_slice %gather3A_96 {offsets = [8], sizes = [1], strides = [1]} : vector<16xf32> to vector<1xf32>
            %squeeze3A_393 = vector.extract %slice3A_392[0] : f32 from vector<1xf32>
            %slice3A_394 = vector.extract_strided_slice %mul3A_99 {offsets = [8], sizes = [1], strides = [1]} : vector<16xf32> to vector<1xf32>
            %squeeze3A_395 = vector.extract %slice3A_394[0] : f32 from vector<1xf32>
            %eq3A_396 = arith.constant 8 : i32
            %eq3A_397 = vector.broadcast %eq3A_396 : i32 to vector<16xi32>
            %eq3A_398 = arith.cmpi eq, %iota3A, %eq3A_397 : vector<16xi32>
            %broadcast_in_dim3A_399 = vector.broadcast %select_n3A_255 : i32 to vector<16xi32>
            tpu.vector_store_idx %arg8[%broadcast_in_dim3A_61, %broadcast_in_dim3A_399], %gather3A masked %eq3A_398 : memref<8x304xf32, #tpu.memory_space<vmem>>[vector<16xi32>, vector<16xi32>], vector<16xf32>, vector<16xi1>
            tpu.vector_store_idx %arg8[%broadcast_in_dim3A_63, %broadcast_in_dim3A_399], %gather3A_94 masked %eq3A_398 : memref<8x304xf32, #tpu.memory_space<vmem>>[vector<16xi32>, vector<16xi32>], vector<16xf32>, vector<16xi1>
            tpu.vector_store_idx %arg8[%broadcast_in_dim3A_65, %broadcast_in_dim3A_399], %gather3A_95 masked %eq3A_398 : memref<8x304xf32, #tpu.memory_space<vmem>>[vector<16xi32>, vector<16xi32>], vector<16xf32>, vector<16xi1>
            tpu.vector_store_idx %arg8[%broadcast_in_dim3A_67, %broadcast_in_dim3A_399], %gather3A_96 masked %eq3A_398 : memref<8x304xf32, #tpu.memory_space<vmem>>[vector<16xi32>, vector<16xi32>], vector<16xf32>, vector<16xi1>
            tpu.vector_store_idx %arg8[%broadcast_in_dim3A_69, %broadcast_in_dim3A_399], %gather3A_97 masked %eq3A_398 : memref<8x304xf32, #tpu.memory_space<vmem>>[vector<16xi32>, vector<16xi32>], vector<16xf32>, vector<16xi1>
            tpu.vector_store_idx %arg8[%broadcast_in_dim3A_71, %broadcast_in_dim3A_399], %mul3A_99 masked %eq3A_398 : memref<8x304xf32, #tpu.memory_space<vmem>>[vector<16xi32>, vector<16xi32>], vector<16xf32>, vector<16xi1>
            %max3A = vector.broadcast %squeeze3A_387 : f32 to vector<16xf32>
            %max3A_400 = arith.maximumf %max3A, %gather3A : vector<16xf32>
            %max3A_401 = vector.broadcast %squeeze3A_389 : f32 to vector<16xf32>
            %max3A_402 = arith.maximumf %max3A_401, %gather3A_94 : vector<16xf32>
            %min3A = vector.broadcast %squeeze3A_391 : f32 to vector<16xf32>
            %min3A_403 = arith.minimumf %min3A, %gather3A_95 : vector<16xf32>
            %min3A_404 = vector.broadcast %squeeze3A_393 : f32 to vector<16xf32>
            %min3A_405 = arith.minimumf %min3A_404, %gather3A_96 : vector<16xf32>
            %sub3A_406 = arith.subf %min3A_403, %max3A_400 : vector<16xf32>
            %max3A_407 = arith.constant 0.000000e+00 : f32
            %max3A_408 = vector.broadcast %max3A_407 : f32 to vector<16xf32>
            %max3A_409 = arith.maximumf %sub3A_406, %max3A_408 : vector<16xf32>
            %sub3A_410 = arith.subf %min3A_405, %max3A_402 : vector<16xf32>
            %max3A_411 = arith.constant 0.000000e+00 : f32
            %max3A_412 = vector.broadcast %max3A_411 : f32 to vector<16xf32>
            %max3A_413 = arith.maximumf %sub3A_410, %max3A_412 : vector<16xf32>
            %mul3A_414 = arith.mulf %max3A_409, %max3A_413 : vector<16xf32>
            %add3A_415 = vector.broadcast %squeeze3A_395 : f32 to vector<16xf32>
            %add3A_416 = arith.addf %add3A_415, %mul3A_99 : vector<16xf32>
            %sub3A_417 = arith.subf %add3A_416, %mul3A_414 : vector<16xf32>
            %add3A_418 = arith.constant 1.000000e-07 : f32
            %add3A_419 = vector.broadcast %add3A_418 : f32 to vector<16xf32>
            %add3A_420 = arith.addf %sub3A_417, %add3A_419 : vector<16xf32>
            %div3A_421 = arith.divf %mul3A_414, %add3A_420 : vector<16xf32>
            %gt3A = arith.constant 4.500000e-01 : f32
            %gt3A_422 = vector.broadcast %gt3A : f32 to vector<16xf32>
            %gt3A_423 = arith.cmpf ogt, %div3A_421, %gt3A_422 : vector<16xf32>
            %get3A_424 = arith.constant 0 : index
            %get3A_425 = tpu.vector_load %arg7[%get3A_424] {strides = array<i32>} : memref<16xf32, #tpu.memory_space<vmem>>, vector<16xf32>,
            %jit3A_426 = arith.constant 1.000000e+00 : f32
            %broadcast_in_dim3A_427 = vector.broadcast %jit3A_426 : f32 to vector<16xf32>
            %select_n3A_428 = arith.select %gt3A_423, %broadcast_in_dim3A_427, %get3A_425 : vector<16xi1>, vector<16xf32>
            %swap3A_429 = arith.constant 0 : index
            %swap3A_430 = tpu.vector_load %arg7[%swap3A_429] {strides = array<i32>} : memref<16xf32, #tpu.memory_space<vmem>>, vector<16xf32>,
            tpu.vector_store %arg7[%swap3A_429], %select_n3A_428 {strides = array<i32>} : memref<16xf32, #tpu.memory_space<vmem>>, vector<16xf32>,
          } else {
          }
          %add3A_268 = arith.constant 1 : i32
          %add3A_269 = arith.addi %select_n3A_255, %add3A_268 : i32
          %select_n3A_270 = arith.select %and3A_264, %add3A_269, %select_n3A_255 : i32
          %get3A_271 = arith.constant 0 : index
          %get3A_272 = tpu.vector_load %arg7[%get3A_271] {strides = array<i32>} : memref<16xf32, #tpu.memory_space<vmem>>, vector<16xf32>,
          %slice3A_273 = vector.extract_strided_slice %get3A_272 {offsets = [9], sizes = [1], strides = [1]} : vector<16xf32> to vector<1xf32>
          %squeeze3A_274 = vector.extract %slice3A_273[0] : f32 from vector<1xf32>
          %eq3A_275 = arith.constant 0.000000e+00 : f32
          %eq3A_276 = arith.cmpf oeq, %squeeze3A_274, %eq3A_275 : f32
          %lt3A_277 = arith.constant 300 : i32
          %lt3A_278 = arith.cmpi slt, %select_n3A_270, %lt3A_277 : i32
          %and3A_279 = arith.andi %eq3A_276, %lt3A_278 : i1
          %convert_element_type3A_280 = arith.extui %and3A_279 : i1 to i32
          %cond3A_281 = arith.constant 0 : i32
          %cond3A_282 = arith.cmpi ne, %convert_element_type3A_280, %cond3A_281 : i32
          scf.if %cond3A_282 {
            %slice3A_386 = vector.extract_strided_slice %gather3A {offsets = [9], sizes = [1], strides = [1]} : vector<16xf32> to vector<1xf32>
            %squeeze3A_387 = vector.extract %slice3A_386[0] : f32 from vector<1xf32>
            %slice3A_388 = vector.extract_strided_slice %gather3A_94 {offsets = [9], sizes = [1], strides = [1]} : vector<16xf32> to vector<1xf32>
            %squeeze3A_389 = vector.extract %slice3A_388[0] : f32 from vector<1xf32>
            %slice3A_390 = vector.extract_strided_slice %gather3A_95 {offsets = [9], sizes = [1], strides = [1]} : vector<16xf32> to vector<1xf32>
            %squeeze3A_391 = vector.extract %slice3A_390[0] : f32 from vector<1xf32>
            %slice3A_392 = vector.extract_strided_slice %gather3A_96 {offsets = [9], sizes = [1], strides = [1]} : vector<16xf32> to vector<1xf32>
            %squeeze3A_393 = vector.extract %slice3A_392[0] : f32 from vector<1xf32>
            %slice3A_394 = vector.extract_strided_slice %mul3A_99 {offsets = [9], sizes = [1], strides = [1]} : vector<16xf32> to vector<1xf32>
            %squeeze3A_395 = vector.extract %slice3A_394[0] : f32 from vector<1xf32>
            %eq3A_396 = arith.constant 9 : i32
            %eq3A_397 = vector.broadcast %eq3A_396 : i32 to vector<16xi32>
            %eq3A_398 = arith.cmpi eq, %iota3A, %eq3A_397 : vector<16xi32>
            %broadcast_in_dim3A_399 = vector.broadcast %select_n3A_270 : i32 to vector<16xi32>
            tpu.vector_store_idx %arg8[%broadcast_in_dim3A_61, %broadcast_in_dim3A_399], %gather3A masked %eq3A_398 : memref<8x304xf32, #tpu.memory_space<vmem>>[vector<16xi32>, vector<16xi32>], vector<16xf32>, vector<16xi1>
            tpu.vector_store_idx %arg8[%broadcast_in_dim3A_63, %broadcast_in_dim3A_399], %gather3A_94 masked %eq3A_398 : memref<8x304xf32, #tpu.memory_space<vmem>>[vector<16xi32>, vector<16xi32>], vector<16xf32>, vector<16xi1>
            tpu.vector_store_idx %arg8[%broadcast_in_dim3A_65, %broadcast_in_dim3A_399], %gather3A_95 masked %eq3A_398 : memref<8x304xf32, #tpu.memory_space<vmem>>[vector<16xi32>, vector<16xi32>], vector<16xf32>, vector<16xi1>
            tpu.vector_store_idx %arg8[%broadcast_in_dim3A_67, %broadcast_in_dim3A_399], %gather3A_96 masked %eq3A_398 : memref<8x304xf32, #tpu.memory_space<vmem>>[vector<16xi32>, vector<16xi32>], vector<16xf32>, vector<16xi1>
            tpu.vector_store_idx %arg8[%broadcast_in_dim3A_69, %broadcast_in_dim3A_399], %gather3A_97 masked %eq3A_398 : memref<8x304xf32, #tpu.memory_space<vmem>>[vector<16xi32>, vector<16xi32>], vector<16xf32>, vector<16xi1>
            tpu.vector_store_idx %arg8[%broadcast_in_dim3A_71, %broadcast_in_dim3A_399], %mul3A_99 masked %eq3A_398 : memref<8x304xf32, #tpu.memory_space<vmem>>[vector<16xi32>, vector<16xi32>], vector<16xf32>, vector<16xi1>
            %max3A = vector.broadcast %squeeze3A_387 : f32 to vector<16xf32>
            %max3A_400 = arith.maximumf %max3A, %gather3A : vector<16xf32>
            %max3A_401 = vector.broadcast %squeeze3A_389 : f32 to vector<16xf32>
            %max3A_402 = arith.maximumf %max3A_401, %gather3A_94 : vector<16xf32>
            %min3A = vector.broadcast %squeeze3A_391 : f32 to vector<16xf32>
            %min3A_403 = arith.minimumf %min3A, %gather3A_95 : vector<16xf32>
            %min3A_404 = vector.broadcast %squeeze3A_393 : f32 to vector<16xf32>
            %min3A_405 = arith.minimumf %min3A_404, %gather3A_96 : vector<16xf32>
            %sub3A_406 = arith.subf %min3A_403, %max3A_400 : vector<16xf32>
            %max3A_407 = arith.constant 0.000000e+00 : f32
            %max3A_408 = vector.broadcast %max3A_407 : f32 to vector<16xf32>
            %max3A_409 = arith.maximumf %sub3A_406, %max3A_408 : vector<16xf32>
            %sub3A_410 = arith.subf %min3A_405, %max3A_402 : vector<16xf32>
            %max3A_411 = arith.constant 0.000000e+00 : f32
            %max3A_412 = vector.broadcast %max3A_411 : f32 to vector<16xf32>
            %max3A_413 = arith.maximumf %sub3A_410, %max3A_412 : vector<16xf32>
            %mul3A_414 = arith.mulf %max3A_409, %max3A_413 : vector<16xf32>
            %add3A_415 = vector.broadcast %squeeze3A_395 : f32 to vector<16xf32>
            %add3A_416 = arith.addf %add3A_415, %mul3A_99 : vector<16xf32>
            %sub3A_417 = arith.subf %add3A_416, %mul3A_414 : vector<16xf32>
            %add3A_418 = arith.constant 1.000000e-07 : f32
            %add3A_419 = vector.broadcast %add3A_418 : f32 to vector<16xf32>
            %add3A_420 = arith.addf %sub3A_417, %add3A_419 : vector<16xf32>
            %div3A_421 = arith.divf %mul3A_414, %add3A_420 : vector<16xf32>
            %gt3A = arith.constant 4.500000e-01 : f32
            %gt3A_422 = vector.broadcast %gt3A : f32 to vector<16xf32>
            %gt3A_423 = arith.cmpf ogt, %div3A_421, %gt3A_422 : vector<16xf32>
            %get3A_424 = arith.constant 0 : index
            %get3A_425 = tpu.vector_load %arg7[%get3A_424] {strides = array<i32>} : memref<16xf32, #tpu.memory_space<vmem>>, vector<16xf32>,
            %jit3A_426 = arith.constant 1.000000e+00 : f32
            %broadcast_in_dim3A_427 = vector.broadcast %jit3A_426 : f32 to vector<16xf32>
            %select_n3A_428 = arith.select %gt3A_423, %broadcast_in_dim3A_427, %get3A_425 : vector<16xi1>, vector<16xf32>
            %swap3A_429 = arith.constant 0 : index
            %swap3A_430 = tpu.vector_load %arg7[%swap3A_429] {strides = array<i32>} : memref<16xf32, #tpu.memory_space<vmem>>, vector<16xf32>,
            tpu.vector_store %arg7[%swap3A_429], %select_n3A_428 {strides = array<i32>} : memref<16xf32, #tpu.memory_space<vmem>>, vector<16xf32>,
          } else {
          }
          %add3A_283 = arith.constant 1 : i32
          %add3A_284 = arith.addi %select_n3A_270, %add3A_283 : i32
          %select_n3A_285 = arith.select %and3A_279, %add3A_284, %select_n3A_270 : i32
          %get3A_286 = arith.constant 0 : index
          %get3A_287 = tpu.vector_load %arg7[%get3A_286] {strides = array<i32>} : memref<16xf32, #tpu.memory_space<vmem>>, vector<16xf32>,
          %slice3A_288 = vector.extract_strided_slice %get3A_287 {offsets = [10], sizes = [1], strides = [1]} : vector<16xf32> to vector<1xf32>
          %squeeze3A_289 = vector.extract %slice3A_288[0] : f32 from vector<1xf32>
          %eq3A_290 = arith.constant 0.000000e+00 : f32
          %eq3A_291 = arith.cmpf oeq, %squeeze3A_289, %eq3A_290 : f32
          %lt3A_292 = arith.constant 300 : i32
          %lt3A_293 = arith.cmpi slt, %select_n3A_285, %lt3A_292 : i32
          %and3A_294 = arith.andi %eq3A_291, %lt3A_293 : i1
          %convert_element_type3A_295 = arith.extui %and3A_294 : i1 to i32
          %cond3A_296 = arith.constant 0 : i32
          %cond3A_297 = arith.cmpi ne, %convert_element_type3A_295, %cond3A_296 : i32
          scf.if %cond3A_297 {
            %slice3A_386 = vector.extract_strided_slice %gather3A {offsets = [10], sizes = [1], strides = [1]} : vector<16xf32> to vector<1xf32>
            %squeeze3A_387 = vector.extract %slice3A_386[0] : f32 from vector<1xf32>
            %slice3A_388 = vector.extract_strided_slice %gather3A_94 {offsets = [10], sizes = [1], strides = [1]} : vector<16xf32> to vector<1xf32>
            %squeeze3A_389 = vector.extract %slice3A_388[0] : f32 from vector<1xf32>
            %slice3A_390 = vector.extract_strided_slice %gather3A_95 {offsets = [10], sizes = [1], strides = [1]} : vector<16xf32> to vector<1xf32>
            %squeeze3A_391 = vector.extract %slice3A_390[0] : f32 from vector<1xf32>
            %slice3A_392 = vector.extract_strided_slice %gather3A_96 {offsets = [10], sizes = [1], strides = [1]} : vector<16xf32> to vector<1xf32>
            %squeeze3A_393 = vector.extract %slice3A_392[0] : f32 from vector<1xf32>
            %slice3A_394 = vector.extract_strided_slice %mul3A_99 {offsets = [10], sizes = [1], strides = [1]} : vector<16xf32> to vector<1xf32>
            %squeeze3A_395 = vector.extract %slice3A_394[0] : f32 from vector<1xf32>
            %eq3A_396 = arith.constant 10 : i32
            %eq3A_397 = vector.broadcast %eq3A_396 : i32 to vector<16xi32>
            %eq3A_398 = arith.cmpi eq, %iota3A, %eq3A_397 : vector<16xi32>
            %broadcast_in_dim3A_399 = vector.broadcast %select_n3A_285 : i32 to vector<16xi32>
            tpu.vector_store_idx %arg8[%broadcast_in_dim3A_61, %broadcast_in_dim3A_399], %gather3A masked %eq3A_398 : memref<8x304xf32, #tpu.memory_space<vmem>>[vector<16xi32>, vector<16xi32>], vector<16xf32>, vector<16xi1>
            tpu.vector_store_idx %arg8[%broadcast_in_dim3A_63, %broadcast_in_dim3A_399], %gather3A_94 masked %eq3A_398 : memref<8x304xf32, #tpu.memory_space<vmem>>[vector<16xi32>, vector<16xi32>], vector<16xf32>, vector<16xi1>
            tpu.vector_store_idx %arg8[%broadcast_in_dim3A_65, %broadcast_in_dim3A_399], %gather3A_95 masked %eq3A_398 : memref<8x304xf32, #tpu.memory_space<vmem>>[vector<16xi32>, vector<16xi32>], vector<16xf32>, vector<16xi1>
            tpu.vector_store_idx %arg8[%broadcast_in_dim3A_67, %broadcast_in_dim3A_399], %gather3A_96 masked %eq3A_398 : memref<8x304xf32, #tpu.memory_space<vmem>>[vector<16xi32>, vector<16xi32>], vector<16xf32>, vector<16xi1>
            tpu.vector_store_idx %arg8[%broadcast_in_dim3A_69, %broadcast_in_dim3A_399], %gather3A_97 masked %eq3A_398 : memref<8x304xf32, #tpu.memory_space<vmem>>[vector<16xi32>, vector<16xi32>], vector<16xf32>, vector<16xi1>
            tpu.vector_store_idx %arg8[%broadcast_in_dim3A_71, %broadcast_in_dim3A_399], %mul3A_99 masked %eq3A_398 : memref<8x304xf32, #tpu.memory_space<vmem>>[vector<16xi32>, vector<16xi32>], vector<16xf32>, vector<16xi1>
            %max3A = vector.broadcast %squeeze3A_387 : f32 to vector<16xf32>
            %max3A_400 = arith.maximumf %max3A, %gather3A : vector<16xf32>
            %max3A_401 = vector.broadcast %squeeze3A_389 : f32 to vector<16xf32>
            %max3A_402 = arith.maximumf %max3A_401, %gather3A_94 : vector<16xf32>
            %min3A = vector.broadcast %squeeze3A_391 : f32 to vector<16xf32>
            %min3A_403 = arith.minimumf %min3A, %gather3A_95 : vector<16xf32>
            %min3A_404 = vector.broadcast %squeeze3A_393 : f32 to vector<16xf32>
            %min3A_405 = arith.minimumf %min3A_404, %gather3A_96 : vector<16xf32>
            %sub3A_406 = arith.subf %min3A_403, %max3A_400 : vector<16xf32>
            %max3A_407 = arith.constant 0.000000e+00 : f32
            %max3A_408 = vector.broadcast %max3A_407 : f32 to vector<16xf32>
            %max3A_409 = arith.maximumf %sub3A_406, %max3A_408 : vector<16xf32>
            %sub3A_410 = arith.subf %min3A_405, %max3A_402 : vector<16xf32>
            %max3A_411 = arith.constant 0.000000e+00 : f32
            %max3A_412 = vector.broadcast %max3A_411 : f32 to vector<16xf32>
            %max3A_413 = arith.maximumf %sub3A_410, %max3A_412 : vector<16xf32>
            %mul3A_414 = arith.mulf %max3A_409, %max3A_413 : vector<16xf32>
            %add3A_415 = vector.broadcast %squeeze3A_395 : f32 to vector<16xf32>
            %add3A_416 = arith.addf %add3A_415, %mul3A_99 : vector<16xf32>
            %sub3A_417 = arith.subf %add3A_416, %mul3A_414 : vector<16xf32>
            %add3A_418 = arith.constant 1.000000e-07 : f32
            %add3A_419 = vector.broadcast %add3A_418 : f32 to vector<16xf32>
            %add3A_420 = arith.addf %sub3A_417, %add3A_419 : vector<16xf32>
            %div3A_421 = arith.divf %mul3A_414, %add3A_420 : vector<16xf32>
            %gt3A = arith.constant 4.500000e-01 : f32
            %gt3A_422 = vector.broadcast %gt3A : f32 to vector<16xf32>
            %gt3A_423 = arith.cmpf ogt, %div3A_421, %gt3A_422 : vector<16xf32>
            %get3A_424 = arith.constant 0 : index
            %get3A_425 = tpu.vector_load %arg7[%get3A_424] {strides = array<i32>} : memref<16xf32, #tpu.memory_space<vmem>>, vector<16xf32>,
            %jit3A_426 = arith.constant 1.000000e+00 : f32
            %broadcast_in_dim3A_427 = vector.broadcast %jit3A_426 : f32 to vector<16xf32>
            %select_n3A_428 = arith.select %gt3A_423, %broadcast_in_dim3A_427, %get3A_425 : vector<16xi1>, vector<16xf32>
            %swap3A_429 = arith.constant 0 : index
            %swap3A_430 = tpu.vector_load %arg7[%swap3A_429] {strides = array<i32>} : memref<16xf32, #tpu.memory_space<vmem>>, vector<16xf32>,
            tpu.vector_store %arg7[%swap3A_429], %select_n3A_428 {strides = array<i32>} : memref<16xf32, #tpu.memory_space<vmem>>, vector<16xf32>,
          } else {
          }
          %add3A_298 = arith.constant 1 : i32
          %add3A_299 = arith.addi %select_n3A_285, %add3A_298 : i32
          %select_n3A_300 = arith.select %and3A_294, %add3A_299, %select_n3A_285 : i32
          %get3A_301 = arith.constant 0 : index
          %get3A_302 = tpu.vector_load %arg7[%get3A_301] {strides = array<i32>} : memref<16xf32, #tpu.memory_space<vmem>>, vector<16xf32>,
          %slice3A_303 = vector.extract_strided_slice %get3A_302 {offsets = [11], sizes = [1], strides = [1]} : vector<16xf32> to vector<1xf32>
          %squeeze3A_304 = vector.extract %slice3A_303[0] : f32 from vector<1xf32>
          %eq3A_305 = arith.constant 0.000000e+00 : f32
          %eq3A_306 = arith.cmpf oeq, %squeeze3A_304, %eq3A_305 : f32
          %lt3A_307 = arith.constant 300 : i32
          %lt3A_308 = arith.cmpi slt, %select_n3A_300, %lt3A_307 : i32
          %and3A_309 = arith.andi %eq3A_306, %lt3A_308 : i1
          %convert_element_type3A_310 = arith.extui %and3A_309 : i1 to i32
          %cond3A_311 = arith.constant 0 : i32
          %cond3A_312 = arith.cmpi ne, %convert_element_type3A_310, %cond3A_311 : i32
          scf.if %cond3A_312 {
            %slice3A_386 = vector.extract_strided_slice %gather3A {offsets = [11], sizes = [1], strides = [1]} : vector<16xf32> to vector<1xf32>
            %squeeze3A_387 = vector.extract %slice3A_386[0] : f32 from vector<1xf32>
            %slice3A_388 = vector.extract_strided_slice %gather3A_94 {offsets = [11], sizes = [1], strides = [1]} : vector<16xf32> to vector<1xf32>
            %squeeze3A_389 = vector.extract %slice3A_388[0] : f32 from vector<1xf32>
            %slice3A_390 = vector.extract_strided_slice %gather3A_95 {offsets = [11], sizes = [1], strides = [1]} : vector<16xf32> to vector<1xf32>
            %squeeze3A_391 = vector.extract %slice3A_390[0] : f32 from vector<1xf32>
            %slice3A_392 = vector.extract_strided_slice %gather3A_96 {offsets = [11], sizes = [1], strides = [1]} : vector<16xf32> to vector<1xf32>
            %squeeze3A_393 = vector.extract %slice3A_392[0] : f32 from vector<1xf32>
            %slice3A_394 = vector.extract_strided_slice %mul3A_99 {offsets = [11], sizes = [1], strides = [1]} : vector<16xf32> to vector<1xf32>
            %squeeze3A_395 = vector.extract %slice3A_394[0] : f32 from vector<1xf32>
            %eq3A_396 = arith.constant 11 : i32
            %eq3A_397 = vector.broadcast %eq3A_396 : i32 to vector<16xi32>
            %eq3A_398 = arith.cmpi eq, %iota3A, %eq3A_397 : vector<16xi32>
            %broadcast_in_dim3A_399 = vector.broadcast %select_n3A_300 : i32 to vector<16xi32>
            tpu.vector_store_idx %arg8[%broadcast_in_dim3A_61, %broadcast_in_dim3A_399], %gather3A masked %eq3A_398 : memref<8x304xf32, #tpu.memory_space<vmem>>[vector<16xi32>, vector<16xi32>], vector<16xf32>, vector<16xi1>
            tpu.vector_store_idx %arg8[%broadcast_in_dim3A_63, %broadcast_in_dim3A_399], %gather3A_94 masked %eq3A_398 : memref<8x304xf32, #tpu.memory_space<vmem>>[vector<16xi32>, vector<16xi32>], vector<16xf32>, vector<16xi1>
            tpu.vector_store_idx %arg8[%broadcast_in_dim3A_65, %broadcast_in_dim3A_399], %gather3A_95 masked %eq3A_398 : memref<8x304xf32, #tpu.memory_space<vmem>>[vector<16xi32>, vector<16xi32>], vector<16xf32>, vector<16xi1>
            tpu.vector_store_idx %arg8[%broadcast_in_dim3A_67, %broadcast_in_dim3A_399], %gather3A_96 masked %eq3A_398 : memref<8x304xf32, #tpu.memory_space<vmem>>[vector<16xi32>, vector<16xi32>], vector<16xf32>, vector<16xi1>
            tpu.vector_store_idx %arg8[%broadcast_in_dim3A_69, %broadcast_in_dim3A_399], %gather3A_97 masked %eq3A_398 : memref<8x304xf32, #tpu.memory_space<vmem>>[vector<16xi32>, vector<16xi32>], vector<16xf32>, vector<16xi1>
            tpu.vector_store_idx %arg8[%broadcast_in_dim3A_71, %broadcast_in_dim3A_399], %mul3A_99 masked %eq3A_398 : memref<8x304xf32, #tpu.memory_space<vmem>>[vector<16xi32>, vector<16xi32>], vector<16xf32>, vector<16xi1>
            %max3A = vector.broadcast %squeeze3A_387 : f32 to vector<16xf32>
            %max3A_400 = arith.maximumf %max3A, %gather3A : vector<16xf32>
            %max3A_401 = vector.broadcast %squeeze3A_389 : f32 to vector<16xf32>
            %max3A_402 = arith.maximumf %max3A_401, %gather3A_94 : vector<16xf32>
            %min3A = vector.broadcast %squeeze3A_391 : f32 to vector<16xf32>
            %min3A_403 = arith.minimumf %min3A, %gather3A_95 : vector<16xf32>
            %min3A_404 = vector.broadcast %squeeze3A_393 : f32 to vector<16xf32>
            %min3A_405 = arith.minimumf %min3A_404, %gather3A_96 : vector<16xf32>
            %sub3A_406 = arith.subf %min3A_403, %max3A_400 : vector<16xf32>
            %max3A_407 = arith.constant 0.000000e+00 : f32
            %max3A_408 = vector.broadcast %max3A_407 : f32 to vector<16xf32>
            %max3A_409 = arith.maximumf %sub3A_406, %max3A_408 : vector<16xf32>
            %sub3A_410 = arith.subf %min3A_405, %max3A_402 : vector<16xf32>
            %max3A_411 = arith.constant 0.000000e+00 : f32
            %max3A_412 = vector.broadcast %max3A_411 : f32 to vector<16xf32>
            %max3A_413 = arith.maximumf %sub3A_410, %max3A_412 : vector<16xf32>
            %mul3A_414 = arith.mulf %max3A_409, %max3A_413 : vector<16xf32>
            %add3A_415 = vector.broadcast %squeeze3A_395 : f32 to vector<16xf32>
            %add3A_416 = arith.addf %add3A_415, %mul3A_99 : vector<16xf32>
            %sub3A_417 = arith.subf %add3A_416, %mul3A_414 : vector<16xf32>
            %add3A_418 = arith.constant 1.000000e-07 : f32
            %add3A_419 = vector.broadcast %add3A_418 : f32 to vector<16xf32>
            %add3A_420 = arith.addf %sub3A_417, %add3A_419 : vector<16xf32>
            %div3A_421 = arith.divf %mul3A_414, %add3A_420 : vector<16xf32>
            %gt3A = arith.constant 4.500000e-01 : f32
            %gt3A_422 = vector.broadcast %gt3A : f32 to vector<16xf32>
            %gt3A_423 = arith.cmpf ogt, %div3A_421, %gt3A_422 : vector<16xf32>
            %get3A_424 = arith.constant 0 : index
            %get3A_425 = tpu.vector_load %arg7[%get3A_424] {strides = array<i32>} : memref<16xf32, #tpu.memory_space<vmem>>, vector<16xf32>,
            %jit3A_426 = arith.constant 1.000000e+00 : f32
            %broadcast_in_dim3A_427 = vector.broadcast %jit3A_426 : f32 to vector<16xf32>
            %select_n3A_428 = arith.select %gt3A_423, %broadcast_in_dim3A_427, %get3A_425 : vector<16xi1>, vector<16xf32>
            %swap3A_429 = arith.constant 0 : index
            %swap3A_430 = tpu.vector_load %arg7[%swap3A_429] {strides = array<i32>} : memref<16xf32, #tpu.memory_space<vmem>>, vector<16xf32>,
            tpu.vector_store %arg7[%swap3A_429], %select_n3A_428 {strides = array<i32>} : memref<16xf32, #tpu.memory_space<vmem>>, vector<16xf32>,
          } else {
          }
          %add3A_313 = arith.constant 1 : i32
          %add3A_314 = arith.addi %select_n3A_300, %add3A_313 : i32
          %select_n3A_315 = arith.select %and3A_309, %add3A_314, %select_n3A_300 : i32
          %get3A_316 = arith.constant 0 : index
          %get3A_317 = tpu.vector_load %arg7[%get3A_316] {strides = array<i32>} : memref<16xf32, #tpu.memory_space<vmem>>, vector<16xf32>,
          %slice3A_318 = vector.extract_strided_slice %get3A_317 {offsets = [12], sizes = [1], strides = [1]} : vector<16xf32> to vector<1xf32>
          %squeeze3A_319 = vector.extract %slice3A_318[0] : f32 from vector<1xf32>
          %eq3A_320 = arith.constant 0.000000e+00 : f32
          %eq3A_321 = arith.cmpf oeq, %squeeze3A_319, %eq3A_320 : f32
          %lt3A_322 = arith.constant 300 : i32
          %lt3A_323 = arith.cmpi slt, %select_n3A_315, %lt3A_322 : i32
          %and3A_324 = arith.andi %eq3A_321, %lt3A_323 : i1
          %convert_element_type3A_325 = arith.extui %and3A_324 : i1 to i32
          %cond3A_326 = arith.constant 0 : i32
          %cond3A_327 = arith.cmpi ne, %convert_element_type3A_325, %cond3A_326 : i32
          scf.if %cond3A_327 {
            %slice3A_386 = vector.extract_strided_slice %gather3A {offsets = [12], sizes = [1], strides = [1]} : vector<16xf32> to vector<1xf32>
            %squeeze3A_387 = vector.extract %slice3A_386[0] : f32 from vector<1xf32>
            %slice3A_388 = vector.extract_strided_slice %gather3A_94 {offsets = [12], sizes = [1], strides = [1]} : vector<16xf32> to vector<1xf32>
            %squeeze3A_389 = vector.extract %slice3A_388[0] : f32 from vector<1xf32>
            %slice3A_390 = vector.extract_strided_slice %gather3A_95 {offsets = [12], sizes = [1], strides = [1]} : vector<16xf32> to vector<1xf32>
            %squeeze3A_391 = vector.extract %slice3A_390[0] : f32 from vector<1xf32>
            %slice3A_392 = vector.extract_strided_slice %gather3A_96 {offsets = [12], sizes = [1], strides = [1]} : vector<16xf32> to vector<1xf32>
            %squeeze3A_393 = vector.extract %slice3A_392[0] : f32 from vector<1xf32>
            %slice3A_394 = vector.extract_strided_slice %mul3A_99 {offsets = [12], sizes = [1], strides = [1]} : vector<16xf32> to vector<1xf32>
            %squeeze3A_395 = vector.extract %slice3A_394[0] : f32 from vector<1xf32>
            %eq3A_396 = arith.constant 12 : i32
            %eq3A_397 = vector.broadcast %eq3A_396 : i32 to vector<16xi32>
            %eq3A_398 = arith.cmpi eq, %iota3A, %eq3A_397 : vector<16xi32>
            %broadcast_in_dim3A_399 = vector.broadcast %select_n3A_315 : i32 to vector<16xi32>
            tpu.vector_store_idx %arg8[%broadcast_in_dim3A_61, %broadcast_in_dim3A_399], %gather3A masked %eq3A_398 : memref<8x304xf32, #tpu.memory_space<vmem>>[vector<16xi32>, vector<16xi32>], vector<16xf32>, vector<16xi1>
            tpu.vector_store_idx %arg8[%broadcast_in_dim3A_63, %broadcast_in_dim3A_399], %gather3A_94 masked %eq3A_398 : memref<8x304xf32, #tpu.memory_space<vmem>>[vector<16xi32>, vector<16xi32>], vector<16xf32>, vector<16xi1>
            tpu.vector_store_idx %arg8[%broadcast_in_dim3A_65, %broadcast_in_dim3A_399], %gather3A_95 masked %eq3A_398 : memref<8x304xf32, #tpu.memory_space<vmem>>[vector<16xi32>, vector<16xi32>], vector<16xf32>, vector<16xi1>
            tpu.vector_store_idx %arg8[%broadcast_in_dim3A_67, %broadcast_in_dim3A_399], %gather3A_96 masked %eq3A_398 : memref<8x304xf32, #tpu.memory_space<vmem>>[vector<16xi32>, vector<16xi32>], vector<16xf32>, vector<16xi1>
            tpu.vector_store_idx %arg8[%broadcast_in_dim3A_69, %broadcast_in_dim3A_399], %gather3A_97 masked %eq3A_398 : memref<8x304xf32, #tpu.memory_space<vmem>>[vector<16xi32>, vector<16xi32>], vector<16xf32>, vector<16xi1>
            tpu.vector_store_idx %arg8[%broadcast_in_dim3A_71, %broadcast_in_dim3A_399], %mul3A_99 masked %eq3A_398 : memref<8x304xf32, #tpu.memory_space<vmem>>[vector<16xi32>, vector<16xi32>], vector<16xf32>, vector<16xi1>
            %max3A = vector.broadcast %squeeze3A_387 : f32 to vector<16xf32>
            %max3A_400 = arith.maximumf %max3A, %gather3A : vector<16xf32>
            %max3A_401 = vector.broadcast %squeeze3A_389 : f32 to vector<16xf32>
            %max3A_402 = arith.maximumf %max3A_401, %gather3A_94 : vector<16xf32>
            %min3A = vector.broadcast %squeeze3A_391 : f32 to vector<16xf32>
            %min3A_403 = arith.minimumf %min3A, %gather3A_95 : vector<16xf32>
            %min3A_404 = vector.broadcast %squeeze3A_393 : f32 to vector<16xf32>
            %min3A_405 = arith.minimumf %min3A_404, %gather3A_96 : vector<16xf32>
            %sub3A_406 = arith.subf %min3A_403, %max3A_400 : vector<16xf32>
            %max3A_407 = arith.constant 0.000000e+00 : f32
            %max3A_408 = vector.broadcast %max3A_407 : f32 to vector<16xf32>
            %max3A_409 = arith.maximumf %sub3A_406, %max3A_408 : vector<16xf32>
            %sub3A_410 = arith.subf %min3A_405, %max3A_402 : vector<16xf32>
            %max3A_411 = arith.constant 0.000000e+00 : f32
            %max3A_412 = vector.broadcast %max3A_411 : f32 to vector<16xf32>
            %max3A_413 = arith.maximumf %sub3A_410, %max3A_412 : vector<16xf32>
            %mul3A_414 = arith.mulf %max3A_409, %max3A_413 : vector<16xf32>
            %add3A_415 = vector.broadcast %squeeze3A_395 : f32 to vector<16xf32>
            %add3A_416 = arith.addf %add3A_415, %mul3A_99 : vector<16xf32>
            %sub3A_417 = arith.subf %add3A_416, %mul3A_414 : vector<16xf32>
            %add3A_418 = arith.constant 1.000000e-07 : f32
            %add3A_419 = vector.broadcast %add3A_418 : f32 to vector<16xf32>
            %add3A_420 = arith.addf %sub3A_417, %add3A_419 : vector<16xf32>
            %div3A_421 = arith.divf %mul3A_414, %add3A_420 : vector<16xf32>
            %gt3A = arith.constant 4.500000e-01 : f32
            %gt3A_422 = vector.broadcast %gt3A : f32 to vector<16xf32>
            %gt3A_423 = arith.cmpf ogt, %div3A_421, %gt3A_422 : vector<16xf32>
            %get3A_424 = arith.constant 0 : index
            %get3A_425 = tpu.vector_load %arg7[%get3A_424] {strides = array<i32>} : memref<16xf32, #tpu.memory_space<vmem>>, vector<16xf32>,
            %jit3A_426 = arith.constant 1.000000e+00 : f32
            %broadcast_in_dim3A_427 = vector.broadcast %jit3A_426 : f32 to vector<16xf32>
            %select_n3A_428 = arith.select %gt3A_423, %broadcast_in_dim3A_427, %get3A_425 : vector<16xi1>, vector<16xf32>
            %swap3A_429 = arith.constant 0 : index
            %swap3A_430 = tpu.vector_load %arg7[%swap3A_429] {strides = array<i32>} : memref<16xf32, #tpu.memory_space<vmem>>, vector<16xf32>,
            tpu.vector_store %arg7[%swap3A_429], %select_n3A_428 {strides = array<i32>} : memref<16xf32, #tpu.memory_space<vmem>>, vector<16xf32>,
          } else {
          }
          %add3A_328 = arith.constant 1 : i32
          %add3A_329 = arith.addi %select_n3A_315, %add3A_328 : i32
          %select_n3A_330 = arith.select %and3A_324, %add3A_329, %select_n3A_315 : i32
          %get3A_331 = arith.constant 0 : index
          %get3A_332 = tpu.vector_load %arg7[%get3A_331] {strides = array<i32>} : memref<16xf32, #tpu.memory_space<vmem>>, vector<16xf32>,
          %slice3A_333 = vector.extract_strided_slice %get3A_332 {offsets = [13], sizes = [1], strides = [1]} : vector<16xf32> to vector<1xf32>
          %squeeze3A_334 = vector.extract %slice3A_333[0] : f32 from vector<1xf32>
          %eq3A_335 = arith.constant 0.000000e+00 : f32
          %eq3A_336 = arith.cmpf oeq, %squeeze3A_334, %eq3A_335 : f32
          %lt3A_337 = arith.constant 300 : i32
          %lt3A_338 = arith.cmpi slt, %select_n3A_330, %lt3A_337 : i32
          %and3A_339 = arith.andi %eq3A_336, %lt3A_338 : i1
          %convert_element_type3A_340 = arith.extui %and3A_339 : i1 to i32
          %cond3A_341 = arith.constant 0 : i32
          %cond3A_342 = arith.cmpi ne, %convert_element_type3A_340, %cond3A_341 : i32
          scf.if %cond3A_342 {
            %slice3A_386 = vector.extract_strided_slice %gather3A {offsets = [13], sizes = [1], strides = [1]} : vector<16xf32> to vector<1xf32>
            %squeeze3A_387 = vector.extract %slice3A_386[0] : f32 from vector<1xf32>
            %slice3A_388 = vector.extract_strided_slice %gather3A_94 {offsets = [13], sizes = [1], strides = [1]} : vector<16xf32> to vector<1xf32>
            %squeeze3A_389 = vector.extract %slice3A_388[0] : f32 from vector<1xf32>
            %slice3A_390 = vector.extract_strided_slice %gather3A_95 {offsets = [13], sizes = [1], strides = [1]} : vector<16xf32> to vector<1xf32>
            %squeeze3A_391 = vector.extract %slice3A_390[0] : f32 from vector<1xf32>
            %slice3A_392 = vector.extract_strided_slice %gather3A_96 {offsets = [13], sizes = [1], strides = [1]} : vector<16xf32> to vector<1xf32>
            %squeeze3A_393 = vector.extract %slice3A_392[0] : f32 from vector<1xf32>
            %slice3A_394 = vector.extract_strided_slice %mul3A_99 {offsets = [13], sizes = [1], strides = [1]} : vector<16xf32> to vector<1xf32>
            %squeeze3A_395 = vector.extract %slice3A_394[0] : f32 from vector<1xf32>
            %eq3A_396 = arith.constant 13 : i32
            %eq3A_397 = vector.broadcast %eq3A_396 : i32 to vector<16xi32>
            %eq3A_398 = arith.cmpi eq, %iota3A, %eq3A_397 : vector<16xi32>
            %broadcast_in_dim3A_399 = vector.broadcast %select_n3A_330 : i32 to vector<16xi32>
            tpu.vector_store_idx %arg8[%broadcast_in_dim3A_61, %broadcast_in_dim3A_399], %gather3A masked %eq3A_398 : memref<8x304xf32, #tpu.memory_space<vmem>>[vector<16xi32>, vector<16xi32>], vector<16xf32>, vector<16xi1>
            tpu.vector_store_idx %arg8[%broadcast_in_dim3A_63, %broadcast_in_dim3A_399], %gather3A_94 masked %eq3A_398 : memref<8x304xf32, #tpu.memory_space<vmem>>[vector<16xi32>, vector<16xi32>], vector<16xf32>, vector<16xi1>
            tpu.vector_store_idx %arg8[%broadcast_in_dim3A_65, %broadcast_in_dim3A_399], %gather3A_95 masked %eq3A_398 : memref<8x304xf32, #tpu.memory_space<vmem>>[vector<16xi32>, vector<16xi32>], vector<16xf32>, vector<16xi1>
            tpu.vector_store_idx %arg8[%broadcast_in_dim3A_67, %broadcast_in_dim3A_399], %gather3A_96 masked %eq3A_398 : memref<8x304xf32, #tpu.memory_space<vmem>>[vector<16xi32>, vector<16xi32>], vector<16xf32>, vector<16xi1>
            tpu.vector_store_idx %arg8[%broadcast_in_dim3A_69, %broadcast_in_dim3A_399], %gather3A_97 masked %eq3A_398 : memref<8x304xf32, #tpu.memory_space<vmem>>[vector<16xi32>, vector<16xi32>], vector<16xf32>, vector<16xi1>
            tpu.vector_store_idx %arg8[%broadcast_in_dim3A_71, %broadcast_in_dim3A_399], %mul3A_99 masked %eq3A_398 : memref<8x304xf32, #tpu.memory_space<vmem>>[vector<16xi32>, vector<16xi32>], vector<16xf32>, vector<16xi1>
            %max3A = vector.broadcast %squeeze3A_387 : f32 to vector<16xf32>
            %max3A_400 = arith.maximumf %max3A, %gather3A : vector<16xf32>
            %max3A_401 = vector.broadcast %squeeze3A_389 : f32 to vector<16xf32>
            %max3A_402 = arith.maximumf %max3A_401, %gather3A_94 : vector<16xf32>
            %min3A = vector.broadcast %squeeze3A_391 : f32 to vector<16xf32>
            %min3A_403 = arith.minimumf %min3A, %gather3A_95 : vector<16xf32>
            %min3A_404 = vector.broadcast %squeeze3A_393 : f32 to vector<16xf32>
            %min3A_405 = arith.minimumf %min3A_404, %gather3A_96 : vector<16xf32>
            %sub3A_406 = arith.subf %min3A_403, %max3A_400 : vector<16xf32>
            %max3A_407 = arith.constant 0.000000e+00 : f32
            %max3A_408 = vector.broadcast %max3A_407 : f32 to vector<16xf32>
            %max3A_409 = arith.maximumf %sub3A_406, %max3A_408 : vector<16xf32>
            %sub3A_410 = arith.subf %min3A_405, %max3A_402 : vector<16xf32>
            %max3A_411 = arith.constant 0.000000e+00 : f32
            %max3A_412 = vector.broadcast %max3A_411 : f32 to vector<16xf32>
            %max3A_413 = arith.maximumf %sub3A_410, %max3A_412 : vector<16xf32>
            %mul3A_414 = arith.mulf %max3A_409, %max3A_413 : vector<16xf32>
            %add3A_415 = vector.broadcast %squeeze3A_395 : f32 to vector<16xf32>
            %add3A_416 = arith.addf %add3A_415, %mul3A_99 : vector<16xf32>
            %sub3A_417 = arith.subf %add3A_416, %mul3A_414 : vector<16xf32>
            %add3A_418 = arith.constant 1.000000e-07 : f32
            %add3A_419 = vector.broadcast %add3A_418 : f32 to vector<16xf32>
            %add3A_420 = arith.addf %sub3A_417, %add3A_419 : vector<16xf32>
            %div3A_421 = arith.divf %mul3A_414, %add3A_420 : vector<16xf32>
            %gt3A = arith.constant 4.500000e-01 : f32
            %gt3A_422 = vector.broadcast %gt3A : f32 to vector<16xf32>
            %gt3A_423 = arith.cmpf ogt, %div3A_421, %gt3A_422 : vector<16xf32>
            %get3A_424 = arith.constant 0 : index
            %get3A_425 = tpu.vector_load %arg7[%get3A_424] {strides = array<i32>} : memref<16xf32, #tpu.memory_space<vmem>>, vector<16xf32>,
            %jit3A_426 = arith.constant 1.000000e+00 : f32
            %broadcast_in_dim3A_427 = vector.broadcast %jit3A_426 : f32 to vector<16xf32>
            %select_n3A_428 = arith.select %gt3A_423, %broadcast_in_dim3A_427, %get3A_425 : vector<16xi1>, vector<16xf32>
            %swap3A_429 = arith.constant 0 : index
            %swap3A_430 = tpu.vector_load %arg7[%swap3A_429] {strides = array<i32>} : memref<16xf32, #tpu.memory_space<vmem>>, vector<16xf32>,
            tpu.vector_store %arg7[%swap3A_429], %select_n3A_428 {strides = array<i32>} : memref<16xf32, #tpu.memory_space<vmem>>, vector<16xf32>,
          } else {
          }
          %add3A_343 = arith.constant 1 : i32
          %add3A_344 = arith.addi %select_n3A_330, %add3A_343 : i32
          %select_n3A_345 = arith.select %and3A_339, %add3A_344, %select_n3A_330 : i32
          %get3A_346 = arith.constant 0 : index
          %get3A_347 = tpu.vector_load %arg7[%get3A_346] {strides = array<i32>} : memref<16xf32, #tpu.memory_space<vmem>>, vector<16xf32>,
          %slice3A_348 = vector.extract_strided_slice %get3A_347 {offsets = [14], sizes = [1], strides = [1]} : vector<16xf32> to vector<1xf32>
          %squeeze3A_349 = vector.extract %slice3A_348[0] : f32 from vector<1xf32>
          %eq3A_350 = arith.constant 0.000000e+00 : f32
          %eq3A_351 = arith.cmpf oeq, %squeeze3A_349, %eq3A_350 : f32
          %lt3A_352 = arith.constant 300 : i32
          %lt3A_353 = arith.cmpi slt, %select_n3A_345, %lt3A_352 : i32
          %and3A_354 = arith.andi %eq3A_351, %lt3A_353 : i1
          %convert_element_type3A_355 = arith.extui %and3A_354 : i1 to i32
          %cond3A_356 = arith.constant 0 : i32
          %cond3A_357 = arith.cmpi ne, %convert_element_type3A_355, %cond3A_356 : i32
          scf.if %cond3A_357 {
            %slice3A_386 = vector.extract_strided_slice %gather3A {offsets = [14], sizes = [1], strides = [1]} : vector<16xf32> to vector<1xf32>
            %squeeze3A_387 = vector.extract %slice3A_386[0] : f32 from vector<1xf32>
            %slice3A_388 = vector.extract_strided_slice %gather3A_94 {offsets = [14], sizes = [1], strides = [1]} : vector<16xf32> to vector<1xf32>
            %squeeze3A_389 = vector.extract %slice3A_388[0] : f32 from vector<1xf32>
            %slice3A_390 = vector.extract_strided_slice %gather3A_95 {offsets = [14], sizes = [1], strides = [1]} : vector<16xf32> to vector<1xf32>
            %squeeze3A_391 = vector.extract %slice3A_390[0] : f32 from vector<1xf32>
            %slice3A_392 = vector.extract_strided_slice %gather3A_96 {offsets = [14], sizes = [1], strides = [1]} : vector<16xf32> to vector<1xf32>
            %squeeze3A_393 = vector.extract %slice3A_392[0] : f32 from vector<1xf32>
            %slice3A_394 = vector.extract_strided_slice %mul3A_99 {offsets = [14], sizes = [1], strides = [1]} : vector<16xf32> to vector<1xf32>
            %squeeze3A_395 = vector.extract %slice3A_394[0] : f32 from vector<1xf32>
            %eq3A_396 = arith.constant 14 : i32
            %eq3A_397 = vector.broadcast %eq3A_396 : i32 to vector<16xi32>
            %eq3A_398 = arith.cmpi eq, %iota3A, %eq3A_397 : vector<16xi32>
            %broadcast_in_dim3A_399 = vector.broadcast %select_n3A_345 : i32 to vector<16xi32>
            tpu.vector_store_idx %arg8[%broadcast_in_dim3A_61, %broadcast_in_dim3A_399], %gather3A masked %eq3A_398 : memref<8x304xf32, #tpu.memory_space<vmem>>[vector<16xi32>, vector<16xi32>], vector<16xf32>, vector<16xi1>
            tpu.vector_store_idx %arg8[%broadcast_in_dim3A_63, %broadcast_in_dim3A_399], %gather3A_94 masked %eq3A_398 : memref<8x304xf32, #tpu.memory_space<vmem>>[vector<16xi32>, vector<16xi32>], vector<16xf32>, vector<16xi1>
            tpu.vector_store_idx %arg8[%broadcast_in_dim3A_65, %broadcast_in_dim3A_399], %gather3A_95 masked %eq3A_398 : memref<8x304xf32, #tpu.memory_space<vmem>>[vector<16xi32>, vector<16xi32>], vector<16xf32>, vector<16xi1>
            tpu.vector_store_idx %arg8[%broadcast_in_dim3A_67, %broadcast_in_dim3A_399], %gather3A_96 masked %eq3A_398 : memref<8x304xf32, #tpu.memory_space<vmem>>[vector<16xi32>, vector<16xi32>], vector<16xf32>, vector<16xi1>
            tpu.vector_store_idx %arg8[%broadcast_in_dim3A_69, %broadcast_in_dim3A_399], %gather3A_97 masked %eq3A_398 : memref<8x304xf32, #tpu.memory_space<vmem>>[vector<16xi32>, vector<16xi32>], vector<16xf32>, vector<16xi1>
            tpu.vector_store_idx %arg8[%broadcast_in_dim3A_71, %broadcast_in_dim3A_399], %mul3A_99 masked %eq3A_398 : memref<8x304xf32, #tpu.memory_space<vmem>>[vector<16xi32>, vector<16xi32>], vector<16xf32>, vector<16xi1>
            %max3A = vector.broadcast %squeeze3A_387 : f32 to vector<16xf32>
            %max3A_400 = arith.maximumf %max3A, %gather3A : vector<16xf32>
            %max3A_401 = vector.broadcast %squeeze3A_389 : f32 to vector<16xf32>
            %max3A_402 = arith.maximumf %max3A_401, %gather3A_94 : vector<16xf32>
            %min3A = vector.broadcast %squeeze3A_391 : f32 to vector<16xf32>
            %min3A_403 = arith.minimumf %min3A, %gather3A_95 : vector<16xf32>
            %min3A_404 = vector.broadcast %squeeze3A_393 : f32 to vector<16xf32>
            %min3A_405 = arith.minimumf %min3A_404, %gather3A_96 : vector<16xf32>
            %sub3A_406 = arith.subf %min3A_403, %max3A_400 : vector<16xf32>
            %max3A_407 = arith.constant 0.000000e+00 : f32
            %max3A_408 = vector.broadcast %max3A_407 : f32 to vector<16xf32>
            %max3A_409 = arith.maximumf %sub3A_406, %max3A_408 : vector<16xf32>
            %sub3A_410 = arith.subf %min3A_405, %max3A_402 : vector<16xf32>
            %max3A_411 = arith.constant 0.000000e+00 : f32
            %max3A_412 = vector.broadcast %max3A_411 : f32 to vector<16xf32>
            %max3A_413 = arith.maximumf %sub3A_410, %max3A_412 : vector<16xf32>
            %mul3A_414 = arith.mulf %max3A_409, %max3A_413 : vector<16xf32>
            %add3A_415 = vector.broadcast %squeeze3A_395 : f32 to vector<16xf32>
            %add3A_416 = arith.addf %add3A_415, %mul3A_99 : vector<16xf32>
            %sub3A_417 = arith.subf %add3A_416, %mul3A_414 : vector<16xf32>
            %add3A_418 = arith.constant 1.000000e-07 : f32
            %add3A_419 = vector.broadcast %add3A_418 : f32 to vector<16xf32>
            %add3A_420 = arith.addf %sub3A_417, %add3A_419 : vector<16xf32>
            %div3A_421 = arith.divf %mul3A_414, %add3A_420 : vector<16xf32>
            %gt3A = arith.constant 4.500000e-01 : f32
            %gt3A_422 = vector.broadcast %gt3A : f32 to vector<16xf32>
            %gt3A_423 = arith.cmpf ogt, %div3A_421, %gt3A_422 : vector<16xf32>
            %get3A_424 = arith.constant 0 : index
            %get3A_425 = tpu.vector_load %arg7[%get3A_424] {strides = array<i32>} : memref<16xf32, #tpu.memory_space<vmem>>, vector<16xf32>,
            %jit3A_426 = arith.constant 1.000000e+00 : f32
            %broadcast_in_dim3A_427 = vector.broadcast %jit3A_426 : f32 to vector<16xf32>
            %select_n3A_428 = arith.select %gt3A_423, %broadcast_in_dim3A_427, %get3A_425 : vector<16xi1>, vector<16xf32>
            %swap3A_429 = arith.constant 0 : index
            %swap3A_430 = tpu.vector_load %arg7[%swap3A_429] {strides = array<i32>} : memref<16xf32, #tpu.memory_space<vmem>>, vector<16xf32>,
            tpu.vector_store %arg7[%swap3A_429], %select_n3A_428 {strides = array<i32>} : memref<16xf32, #tpu.memory_space<vmem>>, vector<16xf32>,
          } else {
          }
          %add3A_358 = arith.constant 1 : i32
          %add3A_359 = arith.addi %select_n3A_345, %add3A_358 : i32
          %select_n3A_360 = arith.select %and3A_354, %add3A_359, %select_n3A_345 : i32
          %get3A_361 = arith.constant 0 : index
          %get3A_362 = tpu.vector_load %arg7[%get3A_361] {strides = array<i32>} : memref<16xf32, #tpu.memory_space<vmem>>, vector<16xf32>,
          %slice3A_363 = vector.extract_strided_slice %get3A_362 {offsets = [15], sizes = [1], strides = [1]} : vector<16xf32> to vector<1xf32>
          %squeeze3A_364 = vector.extract %slice3A_363[0] : f32 from vector<1xf32>
          %eq3A_365 = arith.constant 0.000000e+00 : f32
          %eq3A_366 = arith.cmpf oeq, %squeeze3A_364, %eq3A_365 : f32
          %lt3A_367 = arith.constant 300 : i32
          %lt3A_368 = arith.cmpi slt, %select_n3A_360, %lt3A_367 : i32
          %and3A_369 = arith.andi %eq3A_366, %lt3A_368 : i1
          %convert_element_type3A_370 = arith.extui %and3A_369 : i1 to i32
          %cond3A_371 = arith.constant 0 : i32
          %cond3A_372 = arith.cmpi ne, %convert_element_type3A_370, %cond3A_371 : i32
          scf.if %cond3A_372 {
            %slice3A_386 = vector.extract_strided_slice %gather3A {offsets = [15], sizes = [1], strides = [1]} : vector<16xf32> to vector<1xf32>
            %squeeze3A_387 = vector.extract %slice3A_386[0] : f32 from vector<1xf32>
            %slice3A_388 = vector.extract_strided_slice %gather3A_94 {offsets = [15], sizes = [1], strides = [1]} : vector<16xf32> to vector<1xf32>
            %squeeze3A_389 = vector.extract %slice3A_388[0] : f32 from vector<1xf32>
            %slice3A_390 = vector.extract_strided_slice %gather3A_95 {offsets = [15], sizes = [1], strides = [1]} : vector<16xf32> to vector<1xf32>
            %squeeze3A_391 = vector.extract %slice3A_390[0] : f32 from vector<1xf32>
            %slice3A_392 = vector.extract_strided_slice %gather3A_96 {offsets = [15], sizes = [1], strides = [1]} : vector<16xf32> to vector<1xf32>
            %squeeze3A_393 = vector.extract %slice3A_392[0] : f32 from vector<1xf32>
            %slice3A_394 = vector.extract_strided_slice %mul3A_99 {offsets = [15], sizes = [1], strides = [1]} : vector<16xf32> to vector<1xf32>
            %squeeze3A_395 = vector.extract %slice3A_394[0] : f32 from vector<1xf32>
            %eq3A_396 = arith.constant 15 : i32
            %eq3A_397 = vector.broadcast %eq3A_396 : i32 to vector<16xi32>
            %eq3A_398 = arith.cmpi eq, %iota3A, %eq3A_397 : vector<16xi32>
            %broadcast_in_dim3A_399 = vector.broadcast %select_n3A_360 : i32 to vector<16xi32>
            tpu.vector_store_idx %arg8[%broadcast_in_dim3A_61, %broadcast_in_dim3A_399], %gather3A masked %eq3A_398 : memref<8x304xf32, #tpu.memory_space<vmem>>[vector<16xi32>, vector<16xi32>], vector<16xf32>, vector<16xi1>
            tpu.vector_store_idx %arg8[%broadcast_in_dim3A_63, %broadcast_in_dim3A_399], %gather3A_94 masked %eq3A_398 : memref<8x304xf32, #tpu.memory_space<vmem>>[vector<16xi32>, vector<16xi32>], vector<16xf32>, vector<16xi1>
            tpu.vector_store_idx %arg8[%broadcast_in_dim3A_65, %broadcast_in_dim3A_399], %gather3A_95 masked %eq3A_398 : memref<8x304xf32, #tpu.memory_space<vmem>>[vector<16xi32>, vector<16xi32>], vector<16xf32>, vector<16xi1>
            tpu.vector_store_idx %arg8[%broadcast_in_dim3A_67, %broadcast_in_dim3A_399], %gather3A_96 masked %eq3A_398 : memref<8x304xf32, #tpu.memory_space<vmem>>[vector<16xi32>, vector<16xi32>], vector<16xf32>, vector<16xi1>
            tpu.vector_store_idx %arg8[%broadcast_in_dim3A_69, %broadcast_in_dim3A_399], %gather3A_97 masked %eq3A_398 : memref<8x304xf32, #tpu.memory_space<vmem>>[vector<16xi32>, vector<16xi32>], vector<16xf32>, vector<16xi1>
            tpu.vector_store_idx %arg8[%broadcast_in_dim3A_71, %broadcast_in_dim3A_399], %mul3A_99 masked %eq3A_398 : memref<8x304xf32, #tpu.memory_space<vmem>>[vector<16xi32>, vector<16xi32>], vector<16xf32>, vector<16xi1>
            %max3A = vector.broadcast %squeeze3A_387 : f32 to vector<16xf32>
            %max3A_400 = arith.maximumf %max3A, %gather3A : vector<16xf32>
            %max3A_401 = vector.broadcast %squeeze3A_389 : f32 to vector<16xf32>
            %max3A_402 = arith.maximumf %max3A_401, %gather3A_94 : vector<16xf32>
            %min3A = vector.broadcast %squeeze3A_391 : f32 to vector<16xf32>
            %min3A_403 = arith.minimumf %min3A, %gather3A_95 : vector<16xf32>
            %min3A_404 = vector.broadcast %squeeze3A_393 : f32 to vector<16xf32>
            %min3A_405 = arith.minimumf %min3A_404, %gather3A_96 : vector<16xf32>
            %sub3A_406 = arith.subf %min3A_403, %max3A_400 : vector<16xf32>
            %max3A_407 = arith.constant 0.000000e+00 : f32
            %max3A_408 = vector.broadcast %max3A_407 : f32 to vector<16xf32>
            %max3A_409 = arith.maximumf %sub3A_406, %max3A_408 : vector<16xf32>
            %sub3A_410 = arith.subf %min3A_405, %max3A_402 : vector<16xf32>
            %max3A_411 = arith.constant 0.000000e+00 : f32
            %max3A_412 = vector.broadcast %max3A_411 : f32 to vector<16xf32>
            %max3A_413 = arith.maximumf %sub3A_410, %max3A_412 : vector<16xf32>
            %mul3A_414 = arith.mulf %max3A_409, %max3A_413 : vector<16xf32>
            %add3A_415 = vector.broadcast %squeeze3A_395 : f32 to vector<16xf32>
            %add3A_416 = arith.addf %add3A_415, %mul3A_99 : vector<16xf32>
            %sub3A_417 = arith.subf %add3A_416, %mul3A_414 : vector<16xf32>
            %add3A_418 = arith.constant 1.000000e-07 : f32
            %add3A_419 = vector.broadcast %add3A_418 : f32 to vector<16xf32>
            %add3A_420 = arith.addf %sub3A_417, %add3A_419 : vector<16xf32>
            %div3A_421 = arith.divf %mul3A_414, %add3A_420 : vector<16xf32>
            %gt3A = arith.constant 4.500000e-01 : f32
            %gt3A_422 = vector.broadcast %gt3A : f32 to vector<16xf32>
            %gt3A_423 = arith.cmpf ogt, %div3A_421, %gt3A_422 : vector<16xf32>
            %get3A_424 = arith.constant 0 : index
            %get3A_425 = tpu.vector_load %arg7[%get3A_424] {strides = array<i32>} : memref<16xf32, #tpu.memory_space<vmem>>, vector<16xf32>,
            %jit3A_426 = arith.constant 1.000000e+00 : f32
            %broadcast_in_dim3A_427 = vector.broadcast %jit3A_426 : f32 to vector<16xf32>
            %select_n3A_428 = arith.select %gt3A_423, %broadcast_in_dim3A_427, %get3A_425 : vector<16xi1>, vector<16xf32>
            %swap3A_429 = arith.constant 0 : index
            %swap3A_430 = tpu.vector_load %arg7[%swap3A_429] {strides = array<i32>} : memref<16xf32, #tpu.memory_space<vmem>>, vector<16xf32>,
            tpu.vector_store %arg7[%swap3A_429], %select_n3A_428 {strides = array<i32>} : memref<16xf32, #tpu.memory_space<vmem>>, vector<16xf32>,
          } else {
          }
          %add3A_373 = arith.constant 1 : i32
          %add3A_374 = arith.addi %select_n3A_360, %add3A_373 : i32
          %select_n3A_375 = arith.select %and3A_369, %add3A_374, %select_n3A_360 : i32
          %swap3A_376 = arith.constant 0 : i32
          %swap3A_377 = arith.index_cast %swap3A_376 : i32 to index
          %swap3A_378 = memref.load %arg9[%swap3A_377] : memref<1xi32, #tpu.memory_space<smem>>
          memref.store %select_n3A_375, %arg9[%swap3A_377] : memref<1xi32, #tpu.memory_space<smem>>
          %slice3A_379 = vector.extract_strided_slice %gather3A_97 {offsets = [0], sizes = [1], strides = [1]} : vector<16xf32> to vector<1xf32>
          %squeeze3A_380 = vector.extract %slice3A_379[0] : f32 from vector<1xf32>
          %le3A_381 = arith.constant 2.500000e-01 : f32
          %le3A_382 = arith.cmpf ole, %squeeze3A_380, %le3A_381 : f32
          %convert_element_type3A_383 = arith.extui %le3A_382 : i1 to i32
          %cond3A_384 = arith.constant 0 : i32
          %cond3A_385 = arith.cmpi ne, %convert_element_type3A_383, %cond3A_384 : i32
          scf.if %cond3A_385 {
            %swap3A_386 = arith.constant 300 : i32
            %swap3A_387 = arith.constant 0 : i32
            %swap3A_388 = arith.index_cast %swap3A_387 : i32 to index
            %swap3A_389 = memref.load %arg9[%swap3A_388] : memref<1xi32, #tpu.memory_space<smem>>
            memref.store %swap3A_386, %arg9[%swap3A_388] : memref<1xi32, #tpu.memory_space<smem>>
          } else {
          }
        } else {
        }
      }
      %scan3A_80 = arith.constant 313 : i32
      "tpu.region"() ({
        %run_scoped3A = tpu.sem_alloc : memref<!tpu.dma_semaphore, #tpu.memory_space<semaphore_mem>>
        tpu.enqueue_dma source(%arg8 : memref<8x304xf32, #tpu.memory_space<vmem>>) target(%arg4 : memref<8x304xf32, #tpu.memory_space<hbm>>) target_semaphore(%run_scoped3A : memref<!tpu.dma_semaphore, #tpu.memory_space<semaphore_mem>>)
        tpu.wait_dma2 semaphore(%run_scoped3A : memref<!tpu.dma_semaphore, #tpu.memory_space<semaphore_mem>>) src(%arg8 : memref<8x304xf32, #tpu.memory_space<vmem>>) dst(%arg4 : memref<8x304xf32, #tpu.memory_space<hbm>>)
        tpu.yield
      }) : () -> ()
    } else {
    }
    return
  }
}

</mosaic_0001>

<sc_bundles>
// kernel: kernel.3.cloned.1.call-start
scs
__scs_entry_jumppad:
0x0: {  	(pc) =	sbr.rel $0x88, $3  }
0x1: {  	(tag) =	ssettag $0x0;
	lr =	simm.s32 $0x1  }
0x2: {  	[smem:$0x3F9F] =	sst lr;
	_ =	strace $0xD0000000  }
0x3: {  	_ = 	snop  }
0x4: {  	_ = 	snop  }
0x5: {  	_ = 	snop  }
0x6: {  	_ = 	snop  }
0x7: {  	_ = 	snop  }
__scs_overlays_trampoline_lowered:
0x8: {  	[smem:$0x3FAE] =	sst s0  }
0x9: {  	[smem:$0x3FAF] =	sst s1  }
0xa: {  	[smem:$0x3FB0] =	sst s2  }
0xb: {  	[smem:$0x3FB1] =	sst s3  }
0xc: {  	[smem:$0x3FB2] =	sst s4  }
0xd: {  	[smem:$0x3FB3] =	sst s5  }
0xe: {  	[smem:$0x3FB4] =	sst s6  }
0xf: {  	[smem:$0x3FB5] =	sst s7  }
0x10: {  	[smem:$0x3FB6] =	sst s8  }
0x11: {  	[smem:$0x3FB7] =	sst s9;
	s0 =	simm.s32 @!p0 $0x0  }
0x12: {  	s1 =	sld [smem:$0x3F9D];
	s0 =	simm.s32 @p0 $0x1  }
0x13: {  	[smem:$0x3FB8] =	sst s0;
	s0 =	simm.s32 @!p1 $0x0  }
0x14: {  	s2 =	sld [smem:$0x3F9C];
	s0 =	simm.s32 @p1 $0x1  }
0x15: {  	[smem:$0x3FB9] =	sst s0;
	s0 =	simm.s32 @!p2 $0x0  }
0x16: {  	s3 =	sld [smem:$0x3FDB];
	s0 =	simm.s32 @p2 $0x1  }
0x17: {  	s4 =	simm.s32 $0x1BF5;
	[smem:$0x3FBB] =	sst s0  }
0x18: {  	s0 =	sld [smem:$0x3F9E];
	_ =	swait.ge [sflag:s4], $0x0  }
0x19: {  	s7 =	sld [smem:$0x3F9F]  }
0x1a: {  	s8 =	sadd.s32 $0xFFFFE003, lr  }
0x1b: {  	s9 =	sadd.s32 $0xFFFFFEF7, lr;
	s5 =	simm.s32 $0xFFFFFFFF;
	p2 =	slt.u32 s8, $0xFFFFF086  }
0x1c: {  	p1 =	slt.u32 s9, $0xF7A;
	s5 =	simm.s32 @!p2 $0x0  }
0x1d: {  	s5 =	simm.s32 @p1 $0x1;
	p0 =	seq.s32 s7, s2  }
0x1e: {  	s7 =	smul.u32 @!p0 $0xF7A, s2;
	p2 =	seq.s32 @!p0 s5, $0x0  }
0x1f: {  	s9 =	smul.u32 $0xF7A, s1;
	s8 =	simm.s32 @!p0 $0x1BF5;
	p2 =	por !p2, p0  }
0x20: {  	[sflag:s8] =	ssyncset.s32 @!p0 $0xFFFFF086;
	s6 =	sadd.s32 @!p0 s3, s7;
	s7 =	simm.s32 @!p0 $0x108  }
0x21: {  	s3 =	sadd.s32 s3, s9;
	s6 =	sadd.s32 @!p0 $0x88, s6;
	s7 =	simm.s32 @p2 $0x1082  }
0x22: {  	[simem:s7], [sflag:s8] =	dma.local @!p0 [hbm:s6], $0xF7A  }
0x23: {  	s9 =	sor.u32 $0xD0000000, s2;
	s6 =	simm.s32 $0x108;
	_ =	swait.ge @!p0 [sflag:s8], $0x0  }
0x24: {  	s3 =	sadd.s32 $0x88, s3;
	s6 =	simm.s32 @!p1 $0x1082;
	[sflag:s4] =	ssyncset.s32 $0xFFFFF086  }
0x25: {  	[simem:s6], [sflag:s4] =	dma.local [hbm:s3], $0xF7A  }
0x26: {  	[smem:$0x3F9F] =	sst s1;
	(tag) =	ssettag s2;
	_ =	strace s9  }
0x27: {  	s1 =	sld [smem:$0x3FAF]  }
0x28: {  	s2 =	sld [smem:$0x3FB0]  }
0x29: {  	s4 =	sld [smem:$0x3FB2]  }
0x2a: {  	p0 =	seq.s32 s5, $0x0;
	s5 =	sld [smem:$0x3FB3]  }
0x2b: {  	s6 =	sld [smem:$0x3FB4]  }
0x2c: {  	s7 =	sld [smem:$0x3FB5]  }
0x2d: {  	s3 =	simm.s32 $0x108;
	s8 =	sld [smem:$0x3FB6]  }
0x2e: {  	s3 =	simm.s32 @!p0 $0x1082;
	s9 =	sld [smem:$0x3FB7]  }
0x2f: {  	lr =	sadd.s32 s0, s3;
	s0 =	sld [smem:$0x3FAE]  }
0x30: {  	s3 =	sld [smem:$0x3FB1]  }
0x31: {  	[smem:$0x3FBA] =	sst s10  }
0x32: {  	s10 =	sld [smem:$0x3FB8];
	_ =	sdelay $0x3  }
0x33: {  	p0 =	seq.s32 s10, $0x1;
	s10 =	sld [smem:$0x3FBA];
	_ =	sdelay $0x3  }
0x34: {  	[smem:$0x3FBA] =	sst s10  }
0x35: {  	s10 =	sld [smem:$0x3FB9];
	_ =	sdelay $0x3  }
0x36: {  	p1 =	seq.s32 s10, $0x1;
	s10 =	sld [smem:$0x3FBA];
	_ =	sdelay $0x3  }
0x37: {  	[smem:$0x3FBA] =	sst s10  }
0x38: {  	s10 =	sld [smem:$0x3FBB]  }
0x39: {  	_ = 	snop;
	(pc) =	sbr.ind lr, $3  }
0x3a: {  	_ = 	snop  }
0x3b: {  	_ = 	snop  }
0x3c: {  	p2 =	seq.s32 s10, $0x1;
	s10 =	sld [smem:$0x3FBA]  }
0x3d: {  	_ =	shalt  }
0x3e: {  	_ =	shalt  }
0x3f: {  	_ =	shalt  }
0x40: {  	_ =	shalt  }
0x41: {  	_ =	shalt  }
0x42: {  	_ =	shalt  }
0x43: {  	_ =	shalt  }
0x44: {  	_ =	shalt  }
0x45: {  	_ =	shalt  }
0x46: {  	_ =	shalt  }
0x47: {  	_ =	shalt  }
0x48: {  	_ =	shalt  }
0x49: {  	_ =	shalt  }
0x4a: {  	_ =	shalt  }
0x4b: {  	_ =	shalt  }
0x4c: {  	_ =	shalt  }
0x4d: {  	_ =	shalt  }
0x4e: {  	_ =	shalt  }
0x4f: {  	_ =	shalt  }
0x50: {  	_ =	shalt  }
0x51: {  	_ =	shalt  }
0x52: {  	_ =	shalt  }
0x53: {  	_ =	shalt  }
0x54: {  	_ =	shalt  }
0x55: {  	_ =	shalt  }
0x56: {  	_ =	shalt  }
0x57: {  	_ =	shalt  }
0x58: {  	_ =	shalt  }
0x59: {  	_ =	shalt  }
0x5a: {  	_ =	shalt  }
0x5b: {  	_ =	shalt  }
0x5c: {  	_ =	shalt  }
0x5d: {  	_ =	shalt  }
0x5e: {  	_ =	shalt  }
0x5f: {  	_ =	shalt  }
0x60: {  	_ =	shalt  }
0x61: {  	_ =	shalt  }
0x62: {  	_ =	shalt  }
0x63: {  	_ =	shalt  }
0x64: {  	_ =	shalt  }
0x65: {  	_ =	shalt  }
0x66: {  	_ =	shalt  }
0x67: {  	_ =	shalt  }
0x68: {  	_ =	shalt  }
0x69: {  	_ =	shalt  }
0x6a: {  	_ =	shalt  }
0x6b: {  	_ =	shalt  }
0x6c: {  	_ =	shalt  }
0x6d: {  	_ =	shalt  }
0x6e: {  	_ =	shalt  }
0x6f: {  	_ =	shalt  }
0x70: {  	_ =	shalt  }
0x71: {  	_ =	shalt  }
0x72: {  	_ =	shalt  }
0x73: {  	_ =	shalt  }
0x74: {  	_ =	shalt  }
0x75: {  	_ =	shalt  }
0x76: {  	_ =	shalt  }
0x77: {  	_ =	shalt  }
0x78: {  	_ =	shalt  }
0x79: {  	_ =	shalt  }
0x7a: {  	_ =	shalt  }
0x7b: {  	_ =	shalt  }
0x7c: {  	_ =	shalt  }
0x7d: {  	_ =	shalt  }
0x7e: {  	_ =	shalt  }
0x7f: {  	_ =	shalt  }
0x80: {  	_ =	shalt  }
0x81: {  	_ =	shalt  }
0x82: {  	_ =	shalt  }
0x83: {  	_ =	shalt  }
0x84: {  	_ =	shalt  }
0x85: {  	_ =	shalt  }
0x86: {  	_ =	shalt  }
0x87: {  	_ =	shalt  }
.Lfunc_end0:
.L_simem_size_0:
called_computation_lowered:
.L_overlay_start_0:
0x88: {  	s2 =	sld [smem:$0x3FD9]  }
0x89: {  	s3 =	sld [smem:$0x3FFE];
	_ =	sdelay $0x1  }
0x8a: {  	s1 =	srdreg.scid  }
0x8b: {  	s0 =	sand.u32 $0x1, s1  }
0x8c: {  	s16 =	sshll.u32 s0, $0xA;
	s2 =	sadd.s32 s3, s2  }
0x8d: {  	s2 =	sadd.s32 s2, s16  }
0x8e: {  	[smem:$0x3FC6] =	sst s2  }
0x8f: {  	_ = 	snop  }
0x90: {  	(tm) =	ssettm $0x1  }
0x91: {  	s17 =	sld [smem:$0x3FFB];
	_ =	sdelay $0x3  }
0x92: {  	_ =	strace s17  }
0x93: {  	s2 =	sld [smem:$0x3FFC];
	_ =	sdelay $0x3  }
0x94: {  	_ =	strace s2  }
0x95: {  	s2 =	sld [smem:$0x3FFD];
	_ =	sdelay $0x3  }
0x96: {  	_ =	strace s2  }
0x97: {  	_ =	strace $0x8FFFFFFF  }
0x98: {  	s18 =	sld [smem:$0x3FDB];
	_ =	sdelay $0x1  }
0x99: {  	s19 =	simm.s32 $_scs_section_size  }
0x9a: {  	s4 =	simm.s32 $_size__tile_overlayer_lowered;
	s5 =	simm.s32 $_tile_overlayer_lowered  }
0x9b: {  	s22 =	simm.s32 $0x1BFF;
	s21 =	sshll.u32 s5, $0x1;
	s2 =	sadd.s32 s19, s18  }
0x9c: {  	s6 =	simm.s32 $0x0;
	s20 =	sshll.u32 s4, $0x1;
	s4 =	sadd.s32 s21, s2  }
0x9d: {  	[timem:s6], [sflag:s22] =	dma.local [hbm:s4], s20  }
0x9e: {  	_ =	swait.ge [sflag:s22], s20  }
0x9f: {  	s3 =	ssub.s32 $0x0, s20;
	[sflag:s22] =	ssyncset.done $0x0  }
0xa0: {  	[sflag:s22] =	ssyncadd.s32 s3;
	_ =	sdelay $0x1  }
0xa1: {  	s23 =	simm.s32 $0x1B8B  }
0xa2: {  	_ =	swait.ge [sflag:s23], $0x1  }
0xa3: {  	[sflag:s23] =	ssyncset.done $0x0  }
0xa4: {  	s25 =	simm.s32 $0x1B8E;
	s24 =	sld [smem:$0x3FFE];
	[sflag:s23] =	ssyncadd.s32 $0xFFFFFFFF  }
0xa5: {  	s26 =	simm.s32 $execute0_lowered;
	[smem:$0x3FD2] =	sst s25  }
0xa6: {  	s4 =	sshll.u32 s26, $0x1;
	_ =	strace $0x80000046;
	[dreg:$0x1] =	wrdreg $0xFFFFFFFF  }
0xa7: {  	s28 =	simm.s32 $_size_execute0_lowered;
	s2 =	sadd.s32 s2, s4;
	[dreg:$0x0] =	wrdreg $0x0  }
0xa8: {  	s4 =	sshll.u32 s28, $0x1;
	[dreg:$0x2] =	wrdreg s2  }
0xa9: {  	[dreg:$0x3] =	wrdreg s4  }
0xaa: {  	[dreg:$0x4] =	wrdreg $0xC0  }
0xab: {  	_ =	task [dreg:s6], $0x5FFFF  }
0xac: {  	[dreg:$0x1] =	wrdreg $0xFFFFFFFF  }
0xad: {  	[dreg:$0x0] =	wrdreg $0x60  }
0xae: {  	[dreg:$0x2] =	wrdreg s24  }
0xaf: {  	[dreg:$0x3] =	wrdreg $0x9  }
0xb0: {  	_ =	task.clear_ibuf [dreg:s6], $0x4FFFF;
	_ =	strace $0x90000046  }
0xb1: {  	s29 =	simm.s32 $0x9;
	_ =	strace $0x80000048  }
0xb2: {  	_ =	swait.ge [sflag:s29], $0x1  }
0xb3: {  	[sflag:s29] =	ssyncadd.s32 $0xFFFFFFFF  }
0xb4: {  	_ =	strace $0x90000048  }
0xb5: {  	_ =	sfence  }
0xb6: {  	s30 =	sld [smem:$0x0];
	_ =	sdelay $0x2  }
0xb7: {  	s31 =	sshll.u32 s1, $0xD;
	s1 =	sshrl.u32 s1, $0x2  }
0xb8: {  	s3 =	sand.u32 $0x4000, s31;
	s1 =	sadd.s32 s1, s30  }
0xb9: {  	s0 =	sor.u32 s3, s0;
	s1 =	sshll.u32 s1, $0x11  }
0xba: {  	s0 =	sor.u32 s1, s0  }
0xbb: {  	s0 =	sadd.s32 $0x8F2B, s0  }
0xbc: {  	[sflag:s0] =	ssyncadd.remote.s32 $0x1  }
0xbd: {  	_ =	sfence.sel $0xFFFF  }
0xbe: {  	[dreg:$0x0] =	wrdreg $0xFFFFFFFF;
	(pc) =	sbr.abs _section_cstart, $3  }
0xbf: {  	[dreg:$0x1] =	wrdreg $0xFFFFFFFF  }
0xc0: {  	_ =	task.clear_ibuf [dreg:s6], $0x2FFFF;
	_ =	strace $0x9FFFFFFF  }
0xc1: {  	(tm) =	ssettm $0x7FFFFFFF  }
tec
execute0_lowered:
.L_overlay_start_1:
0x0: {  	(tag) =	ssettag $0x1  }
0x1: {  	s0 =	srdreg.scid  }
0x2: {  	s3 =	sand.u32 $0x1, s0;
	s0 =	stileid.u32  }
0x3: {  	s4 =	sor.u32 s0, s3  }
0x4: {  	p0 =	sne.s32 s4, $0x0  }
.Ltmp0:
0x5: {  	_ = 	snop;
	(pc) =	sbr.rel @!p0 .LBB2_1-.Ltmp0, $3  }
0x6: {  	_ =	sdelay $0x1  }
0x7: {  	s2 =	rddreg [dreg:$0x0]  }
0x8: {  	s1 =	rddreg [dreg:$0x1];
	_ =	strace $0x80000047  }
.LBB2_29:
0x9: {  	_ =	sfence.sel $0x180000  }
0xa: {  	[bflag:$0x0] =	sbarrier.arrive $0xFFFF  }
0xb: {  	p0 =	sne.s32 s0, $0x0;
	_ =	strace $0x90000047  }
0xc: {  	s0 =	sadd.s32 @!p0 $0x100000, s1;
	[bflag:$0x2] =	sbarrier.arrive $0xFFFF  }
0xd: {  	[sflag:s0] =	ssyncadd.tile.s32 @!p0 $0x1;
	_ =	shalt  }
.LBB2_1:
.Ltmp1:
0xe: {  	(pc) =	sbr.rel .LBB2_2-.Ltmp1, $4  }
0xf: {  	s5 =	ssub.s32 $0x2, s3  }
0x10: {  	s3 =	sadd.s32 $0x400, s2;
	s4 =	sadd.s32 $0x1800, s2;
	s7 =	simm.s32 $0x1  }
0x11: {  	s8 =	simm.s32 $0xA000;
	s9 =	simm.s32 $0xB480;
	s6 =	sshrl.u32 s5, $0x1  }
0x12: {  	v0 =	vimm.f32 $0.0e+00;
	s10 =	simm.s32 $0x0;
	s5 =	ssub.s32 s5, s6;
	s6 =	simm.s32 $0x0  }
.LBB2_28:
0x13: {  	s10 =	sadd.s32 $0x1, s10  }
0x14: {  	p0 =	sne.s32 s10, s5  }
.Ltmp2:
0x15: {  	_ = 	snop;
	(pc) =	sbr.rel @!p0 .LBB2_29-.Ltmp2, $4  }
0x16: {  	[hbm4b:s4+s6] =	stream.linear.scatter [tilespmem:s9], [sflag:$0x1], $0xC00, $0x38;
	[tilespmem:$0xC080] =	vst v63  }
0x17: {  	_ =	swait.ge [sflag:s7], $0xC00  }
0x18: {  	[sflag:s7] =	ssyncset.done $0x0  }
0x19: {  	[sflag:s7] =	ssyncadd.s32 $0xFFFFF400  }
.LBB2_2:
0x1a: {  	s11 =	sand.u32 $0x70, s6;
	s12 =	sand.u32 $0xC00, s6  }
0x1b: {  	s11 =	sor.u32 s11, s12  }
0x1c: {  	s13 =	simm.s32 $0x0;
	s12 =	simm.s32 $0x10;
	[tilespmem:s11+$0xB480] =	vst v0  }
.LBB2_3:
0x1d: {  	p0 =	sne.s32 s12, $0x120  }
.Ltmp3:
0x1e: {  	_ = 	snop;
	(pc) =	sbr.rel @p0 .LBB2_3-.Ltmp3, $4  }
0x1f: {  	s13 =	sadd.s32 $0x80, s13  }
0x20: {  	s11 =	sand.u32 $0x70, s12;
	s14 =	sand.u32 $0xC00, s13  }
0x21: {  	s11 =	sor.u32 s11, s14  }
0x22: {  	s12 =	sadd.s32 $0x10, s12;
	[tilespmem:s11+$0xB480] =	vst v0;
	s11 =	simm.s32 $0x0  }
0x23: {  	s12 =	sand.u32 $0x70, s11;
	s13 =	sand.u32 $0xC00, s11  }
0x24: {  	s12 =	sor.u32 s12, s13  }
0x25: {  	s14 =	simm.s32 $0x0;
	s13 =	simm.s32 $0x10;
	[tilespmem:s12+$0xB500] =	vst v0  }
.LBB2_5:
0x26: {  	p0 =	sne.s32 s13, $0x120  }
.Ltmp4:
0x27: {  	_ = 	snop;
	(pc) =	sbr.rel @p0 .LBB2_5-.Ltmp4, $4  }
0x28: {  	s14 =	sadd.s32 $0x80, s14  }
0x29: {  	s15 =	sand.u32 $0x70, s13;
	s16 =	sand.u32 $0xC00, s14  }
0x2a: {  	s15 =	sor.u32 s15, s16  }
0x2b: {  	s13 =	sadd.s32 $0x10, s13;
	[tilespmem:s15+$0xB500] =	vst v0  }
0x2c: {  	s13 =	simm.s32 $0x10;
	[tilespmem:s12+$0xB580] =	vst v0  }
.LBB2_7:
0x2d: {  	p0 =	sne.s32 s13, $0x120  }
.Ltmp5:
0x2e: {  	_ = 	snop;
	(pc) =	sbr.rel @p0 .LBB2_7-.Ltmp5, $4  }
0x2f: {  	s11 =	sadd.s32 $0x80, s11  }
0x30: {  	s12 =	sand.u32 $0x70, s13;
	s14 =	sand.u32 $0xC00, s11  }
0x31: {  	s12 =	sor.u32 s12, s14  }
0x32: {  	s13 =	sadd.s32 $0x10, s13;
	[tilespmem:s12+$0xB580] =	vst v0;
	s12 =	simm.s32 $0x0  }
0x33: {  	s11 =	sand.u32 $0x70, s12;
	s13 =	sand.u32 $0xC00, s12  }
0x34: {  	s11 =	sor.u32 s11, s13  }
0x35: {  	s14 =	simm.s32 $0x0;
	s13 =	simm.s32 $0x10;
	[tilespmem:s11+$0xB600] =	vst v0  }
.LBB2_9:
0x36: {  	p0 =	sne.s32 s13, $0x120  }
.Ltmp6:
0x37: {  	_ = 	snop;
	(pc) =	sbr.rel @p0 .LBB2_9-.Ltmp6, $4  }
0x38: {  	s14 =	sadd.s32 $0x80, s14  }
0x39: {  	s15 =	sand.u32 $0x70, s13;
	s16 =	sand.u32 $0xC00, s14  }
0x3a: {  	s15 =	sor.u32 s15, s16  }
0x3b: {  	s13 =	sadd.s32 $0x10, s13;
	[tilespmem:s15+$0xB600] =	vst v0  }
0x3c: {  	s13 =	simm.s32 $0x10;
	[tilespmem:s11+$0xB680] =	vst v0  }
.LBB2_11:
0x3d: {  	p0 =	sne.s32 s13, $0x120  }
.Ltmp7:
0x3e: {  	_ = 	snop;
	(pc) =	sbr.rel @p0 .LBB2_11-.Ltmp7, $4  }
0x3f: {  	s12 =	sadd.s32 $0x80, s12  }
0x40: {  	s11 =	sand.u32 $0x70, s13;
	s14 =	sand.u32 $0xC00, s12  }
0x41: {  	s11 =	sor.u32 s11, s14  }
0x42: {  	s13 =	sadd.s32 $0x10, s13;
	[tilespmem:s11+$0xB680] =	vst v0;
	s11 =	simm.s32 $0x0  }
0x43: {  	s12 =	sand.u32 $0x70, s11;
	s13 =	sand.u32 $0xC00, s11  }
0x44: {  	s12 =	sor.u32 s12, s13  }
0x45: {  	s14 =	simm.s32 $0x0;
	s13 =	simm.s32 $0x10;
	[tilespmem:s12+$0xB700] =	vst v0  }
.LBB2_13:
0x46: {  	p0 =	sne.s32 s13, $0x120  }
.Ltmp8:
0x47: {  	_ = 	snop;
	(pc) =	sbr.rel @p0 .LBB2_13-.Ltmp8, $4  }
0x48: {  	s14 =	sadd.s32 $0x80, s14  }
0x49: {  	s15 =	sand.u32 $0x70, s13;
	s16 =	sand.u32 $0xC00, s14  }
0x4a: {  	s15 =	sor.u32 s15, s16  }
0x4b: {  	s13 =	sadd.s32 $0x10, s13;
	[tilespmem:s15+$0xB700] =	vst v0  }
0x4c: {  	s13 =	simm.s32 $0x10;
	[tilespmem:s12+$0xB780] =	vst v0  }
.LBB2_15:
0x4d: {  	p0 =	sne.s32 s13, $0x120  }
.Ltmp9:
0x4e: {  	_ = 	snop;
	(pc) =	sbr.rel @p0 .LBB2_15-.Ltmp9, $4  }
0x4f: {  	s11 =	sadd.s32 $0x80, s11  }
0x50: {  	s12 =	sand.u32 $0x70, s13;
	s14 =	sand.u32 $0xC00, s11  }
0x51: {  	s12 =	sor.u32 s12, s14  }
0x52: {  	s13 =	sadd.s32 $0x10, s13;
	[tilespmem:s12+$0xB780] =	vst v0  }
0x53: {  	[tilespmem:$0xB800] =	vst v0  }
0x54: {  	[tilespmem:$0xB810] =	vst v0  }
0x55: {  	[tilespmem:$0xB820] =	vst v0  }
0x56: {  	[tilespmem:$0xB830] =	vst v0  }
0x57: {  	[tilespmem:$0xB840] =	vst v0  }
0x58: {  	[tilespmem:$0xB850] =	vst v0  }
0x59: {  	[tilespmem:$0xB860] =	vst v0  }
0x5a: {  	[tilespmem:$0xB870] =	vst v0  }
0x5b: {  	[tilespmem:$0xBC00] =	vst v0  }
0x5c: {  	[tilespmem:$0xBC10] =	vst v0  }
0x5d: {  	[tilespmem:$0xBC20] =	vst v0  }
0x5e: {  	[tilespmem:$0xBC30] =	vst v0  }
0x5f: {  	[tilespmem:$0xBC40] =	vst v0  }
0x60: {  	[tilespmem:$0xBC50] =	vst v0  }
0x61: {  	[tilespmem:$0xBC60] =	vst v0  }
0x62: {  	[tilespmem:$0xBC70] =	vst v0  }
0x63: {  	[tilespmem:$0xC000] =	vst v0  }
0x64: {  	[tilespmem:$0xC010] =	vst v0;
	s11 =	simm.s32 $0x0  }
0x65: {  	[tilespmem:$0xC020] =	vst v0;
	[smem:$0x0] =	sst s11  }
0x66: {  	[tilespmem:s11], [sflag:$0x1] =	stream.linear.gather [hbm4b:s3+s11], $0xA000, $0x38;
	[tilespmem:$0xC080] =	vst v63  }
0x67: {  	_ =	swait.ge [sflag:s7], $0xA000  }
0x68: {  	[sflag:s7] =	ssyncset.done $0x0  }
.Ltmp10:
0x69: {  	[sflag:s7] =	ssyncadd.s32 $0xFFFF6000;
	(pc) =	sbr.rel .LBB2_17-.Ltmp10, $4  }
0x6a: {  	[tilespmem:s8], [sflag:$0x1] =	stream.linear.gather [hbm4b:s2+s11], $0x1400, $0x38;
	[tilespmem:$0xC080] =	vst v63  }
0x6b: {  	_ =	swait.ge [sflag:s7], $0x1400  }
0x6c: {  	[sflag:s7] =	ssyncset.done $0x0  }
0x6d: {  	s12 =	simm.s32 $0x0;
	[sflag:s7] =	ssyncadd.s32 $0xFFFFEC00  }
.LBB2_20:
0x6e: {  	v12 =	vmov v7  }
.LBB2_25:
0x6f: {  	_ =	sdelay $0x1  }
0x70: {  	v14 =	vor.u32 $0x180, v21;
	_ =	sdelay $0x1  }
0x71: {  	v51 =	vld.idx.msk [tilespmem:v21+s9+$0x0], $0xffff  }
0x72: {  	v22 =	vld.idx.msk [tilespmem:v22+s9+$0x0], $0xffff  }
0x73: {  	v19 =	vld.idx.msk [tilespmem:v19+s9+$0x0], $0xffff  }
0x74: {  	v14 =	vld.idx.msk [tilespmem:v14+s9+$0x0], $0xffff;
	_ =	sdelay $0x2  }
0x75: {  	v11 =	vadd.f32 v11, v6  }
0x76: {  	v24 =	vmax.f32 v51, v5;
	v26 =	vmin.f32 v22, v2;
	v21 =	vsub.f32 v22, v51  }
0x77: {  	v53 =	vsub.f32 v14, v19;
	v19 =	vmax.f32 v19, v1;
	v14 =	vmin.f32 v14, v3  }
0x78: {  	v54 =	vmax.f32 v20, $0.0e+00;
	v52 =	vsub.f32 v26, v24;
	v14 =	vsub.f32 v14, v19  }
0x79: {  	v10 =	vmul.f32 v54, v10;
	v55 =	vmul.f32 v53, v21  }
0x7a: {  	v11 =	vsub.f32 v11, v8;
	v56 =	vmax.f32 v52, $0.0e+00;
	v14 =	vmax.f32 v14, $0.0e+00  }
0x7b: {  	v9 =	vsub.f32 v9, v10;
	v20 =	vadd.f32 v55, v6;
	v14 =	vmul.f32 v14, v56  }
0x7c: {  	v16 =	vsub.f32 v16, v15;
	v11 =	vadd.f32 $1.000000010e-07, v11  }
0x7d: {  	v9 =	vadd.f32 $1.000000010e-07, v9;
	v19 =	vsub.f32 v20, v14  }
0x7e: {  	v16 =	vadd.f32 $1.000000010e-07, v16;
	(erf) = vrcp.f32 v11  }
0x7f: {  	(erf) = vrcp.f32 v9;
	v57 =	vadd.f32 $1.000000010e-07, v19  }
0x80: {  	(erf) = vrcp.f32 v16  }
0x81: {  	(erf) = vrcp.f32 v57;
	_ =	sdelay $0x5  }
0x82: {  	v58 =	vpop (erf)  }
0x83: {  	v11 =	vmul.f32 @p0 v23, v13;
	v13 =	vmul.f32 @p0 v17, v25;
	v59 =	vpop (erf)  }
0x84: {  	v60 =	vpop (erf)  }
0x85: {  	vm3 =	vgt.f32 @p0 v18, $4.499999880e-01;
	vm1 =	vgt.f32 @p0 v11, $4.499999880e-01;
	vm2 =	vgt.f32 @p0 v13, $4.499999880e-01;
	v61 =	vpop (erf)  }
0x86: {  	vm1 =	vmor @p0 vm1, vm3;
	v62 =	vmul.f32 v60, v15;
	v11 =	vmul.f32 v61, v14  }
0x87: {  	vm1 =	vmor @p0 vm1, vm2;
	v8 =	vmul.f32 v58, v8  }
0x88: {  	v63 =	vmul.f32 v59, v10;
	vm13 =	vgt.f32 v62, $4.499999880e-01;
	vm12 =	vgt.f32 v11, $4.499999880e-01  }
0x89: {  	vm0 =	vmor @p0 vm1, vm0;
	vm14 =	vgt.f32 v8, $4.499999880e-01;
	vm2 =	vmor vm12, vm13  }
0x8a: {  	v8 =	vsel @p0 vm0, $0x3F800000, v12;
	vm15 =	vgt.f32 v63, $4.499999880e-01;
	vm1 =	vmor vm2, vm14  }
0x8b: {  	v7 =	vpsel p0, v8, v7;
	vm0 =	vmor vm1, vm15  }
0x8c: {  	v7 =	vsel vm0, $0x3F800000, v7  }
.LBB2_26:
0x8d: {  	(v2sf) =	vpush v7, $0x0;
	_ =	sdelay $0xe  }
0x8e: {  	s13 =	spop (v2sf)  }
0x8f: {  	p1 =	sne.f32 s13, $0.0e+00;
	_ =	sdelay $0x1  }
0x90: {  	v8 =	vbroadcast @!p1 v5, $0x0;
	v9 =	vbroadcast @!p1 v1, $0x0  }
0x91: {  	v10 =	vbroadcast @!p1 v2, $0x0;
	v11 =	vbroadcast @!p1 v3, $0x0  }
0x92: {  	v8 =	vmax.f32 @!p1 v8, v5  }
0x93: {  	v9 =	vmax.f32 @!p1 v9, v1;
	v10 =	vmin.f32 @!p1 v10, v2;
	v11 =	vmin.f32 @!p1 v11, v3  }
0x94: {  	v8 =	vsub.f32 @!p1 v10, v8;
	v9 =	vsub.f32 @!p1 v11, v9  }
0x95: {  	v10 =	vbroadcast @!p1 v6, $0x0  }
0x96: {  	v8 =	vmax.f32 @!p1 v8, $0.0e+00;
	v9 =	vmax.f32 @!p1 v9, $0.0e+00  }
0x97: {  	v11 =	vmov @!p1 s12;
	v8 =	vmul.f32 @!p1 v9, v8;
	v9 =	vadd.f32 @!p1 v10, v6  }
0x98: {  	v10 =	vshll.u32 @!p1 v11, $0x3  }
0x99: {  	v11 =	vand.u32 @!p1 $0x7F, v11;
	v10 =	vand.u32 @!p1 $0xFFFFFC00, v10;
	v9 =	vsub.f32 @!p1 v9, v8  }
0x9a: {  	v10 =	vor.u32 @!p1 v11, v10  }
0x9b: {  	v11 =	vor.u32 @!p1 $0x80, v10;
	v9 =	vadd.f32 @!p1 $1.000000010e-07, v9  }
0x9c: {  	v12 =	vor.u32 @!p1 $0x100, v10  }
0x9d: {  	v13 =	vor.u32 @!p1 $0x180, v10;
	(erf) = vrcp.f32 @!p1 v9  }
0x9e: {  	[tilespmem:$0xB400] =	vst v7;
	s14 =	simm.s32 @!p1 $0xB480;
	v9 =	vor.u32 @!p1 $0x200, v10  }
0x9f: {  	[tilespmem:v10+s14+$0x0] =	vst.idx.msk @!p1 $0x1, v5;
	v10 =	vor.u32 @!p1 $0x280, v10  }
0xa0: {  	[tilespmem:v11+s14+$0x0] =	vst.idx.msk @!p1 $0x1, v1  }
0xa1: {  	[tilespmem:v12+s14+$0x0] =	vst.idx.msk @!p1 $0x1, v2  }
0xa2: {  	[tilespmem:v13+s14+$0x0] =	vst.idx.msk @!p1 $0x1, v3  }
0xa3: {  	[tilespmem:v9+s14+$0x0] =	vst.idx.msk @!p1 $0x1, v4  }
0xa4: {  	[tilespmem:v10+s14+$0x0] =	vst.idx.msk @!p1 $0x1, v6  }
0xa5: {  	v9 =	vld @!p1 [tilespmem:$0xB400]  }
0xa6: {  	v10 =	vpop @!p1 (erf)  }
0xa7: {  	v8 =	vmul.f32 @!p1 v10, v8;
	_ =	sdelay $0x1  }
0xa8: {  	vm0 =	vgt.f32 @!p1 v8, $4.499999880e-01  }
0xa9: {  	v8 =	vsel @!p1 vm0, $0x3F800000, v9  }
0xaa: {  	v63 =	vpsel p1, v7, v8  }
0xab: {  	(v2sf) =	vpush v63, $0x1;
	_ =	sdelay $0xc  }
0xac: {  	p0 =	seq.f32 s13, $0.0e+00  }
0xad: {  	s13 =	simm.s32 $0x1  }
0xae: {  	s13 =	simm.s32 @!p0 $0x0;
	s15 =	spop (v2sf)  }
0xaf: {  	s12 =	sadd.s32 s13, s12;
	p6 =	seq.f32 s15, $0.0e+00  }
0xb0: {  	p2 =	slt.s32 s12, $0x12C  }
0xb1: {  	p0 =	por !p2, !p6  }
0xb2: {  	p0 =	por !p0, !p0  }
0xb3: {  	v9 =	vbroadcast @p0 v5, $0x1;
	v10 =	vbroadcast @p0 v1, $0x1  }
0xb4: {  	v11 =	vbroadcast @p0 v2, $0x1;
	v12 =	vbroadcast @p0 v3, $0x1  }
0xb5: {  	v9 =	vmax.f32 @p0 v9, v5  }
0xb6: {  	v10 =	vmax.f32 @p0 v10, v1;
	v11 =	vmin.f32 @p0 v11, v2;
	v12 =	vmin.f32 @p0 v12, v3  }
0xb7: {  	v9 =	vsub.f32 @p0 v11, v9;
	v10 =	vsub.f32 @p0 v12, v10  }
0xb8: {  	v11 =	vbroadcast @p0 v6, $0x1  }
0xb9: {  	v9 =	vmax.f32 @p0 v9, $0.0e+00;
	v10 =	vmax.f32 @p0 v10, $0.0e+00  }
0xba: {  	v12 =	vmov @p0 s12;
	v9 =	vmul.f32 @p0 v10, v9;
	v10 =	vadd.f32 @p0 v11, v6  }
0xbb: {  	v11 =	vand.u32 @p0 $0x7F, v12;
	v12 =	vshll.u32 @p0 v12, $0x3  }
0xbc: {  	vm0 =	vcmask @p0 $0x704;
	v12 =	vand.u32 @p0 $0xFFFFFC00, v12;
	v10 =	vsub.f32 @p0 v10, v9  }
0xbd: {  	v11 =	vor.u32 @p0 v11, v12  }
0xbe: {  	v12 =	vor.u32 @p0 $0x80, v11;
	v10 =	vadd.f32 @p0 $1.000000010e-07, v10  }
0xbf: {  	v13 =	vor.u32 @p0 $0x100, v11  }
0xc0: {  	(erf) = vrcp.f32 @p0 v10;
	v10 =	vor.u32 @p0 $0x180, v11  }
0xc1: {  	[tilespmem:$0xB400] =	vst @!p1 v8;
	s13 =	simm.s32 @p0 $0xB480;
	v8 =	vor.u32 @p0 $0x200, v11  }
0xc2: {  	[tilespmem:v11+s13+$0x0] =	vst.idx.msk @p0 vm0, v5;
	v11 =	vor.u32 @p0 $0x280, v11  }
0xc3: {  	[tilespmem:v12+s13+$0x0] =	vst.idx.msk @p0 vm0, v1  }
0xc4: {  	[tilespmem:v13+s13+$0x0] =	vst.idx.msk @p0 vm0, v2  }
0xc5: {  	[tilespmem:v10+s13+$0x0] =	vst.idx.msk @p0 vm0, v3  }
0xc6: {  	[tilespmem:v8+s13+$0x0] =	vst.idx.msk @p0 vm0, v4  }
0xc7: {  	[tilespmem:v11+s13+$0x0] =	vst.idx.msk @p0 vm0, v6  }
0xc8: {  	v8 =	vld @p0 [tilespmem:$0xB400]  }
0xc9: {  	v10 =	vpop @p0 (erf)  }
0xca: {  	v9 =	vmul.f32 @p0 v10, v9;
	_ =	sdelay $0x1  }
0xcb: {  	vm0 =	vgt.f32 @p0 v9, $4.499999880e-01  }
0xcc: {  	v8 =	vsel @p0 vm0, $0x3F800000, v8  }
0xcd: {  	v7 =	vpsel p0, v8, v63  }
0xce: {  	(v2sf) =	vpush v7, $0x2;
	_ =	sdelay $0xd  }
0xcf: {  	s13 =	simm.s32 $0x1  }
0xd0: {  	s13 =	simm.s32 @!p0 $0x0;
	s16 =	spop (v2sf)  }
0xd1: {  	s12 =	sadd.s32 s13, s12;
	p3 =	seq.f32 s16, $0.0e+00  }
0xd2: {  	p4 =	slt.s32 s12, $0x12C  }
0xd3: {  	p1 =	por !p4, !p3  }
0xd4: {  	p1 =	por !p1, !p1  }
0xd5: {  	v9 =	vbroadcast @p1 v5, $0x2;
	v10 =	vbroadcast @p1 v1, $0x2  }
0xd6: {  	v11 =	vbroadcast @p1 v2, $0x2;
	v12 =	vbroadcast @p1 v3, $0x2  }
0xd7: {  	v9 =	vmax.f32 @p1 v9, v5  }
0xd8: {  	v10 =	vmax.f32 @p1 v10, v1;
	v11 =	vmin.f32 @p1 v11, v2;
	v12 =	vmin.f32 @p1 v12, v3  }
0xd9: {  	v9 =	vsub.f32 @p1 v11, v9;
	v10 =	vsub.f32 @p1 v12, v10  }
0xda: {  	v11 =	vbroadcast @p1 v6, $0x2  }
0xdb: {  	v9 =	vmax.f32 @p1 v9, $0.0e+00;
	v10 =	vmax.f32 @p1 v10, $0.0e+00  }
0xdc: {  	v12 =	vmov @p1 s12;
	v9 =	vmul.f32 @p1 v10, v9;
	v10 =	vadd.f32 @p1 v11, v6  }
0xdd: {  	v11 =	vand.u32 @p1 $0x7F, v12;
	v12 =	vshll.u32 @p1 v12, $0x3  }
0xde: {  	vm0 =	vcmask @p1 $0xB08;
	v12 =	vand.u32 @p1 $0xFFFFFC00, v12;
	v10 =	vsub.f32 @p1 v10, v9  }
0xdf: {  	v11 =	vor.u32 @p1 v11, v12  }
0xe0: {  	v12 =	vor.u32 @p1 $0x80, v11;
	v10 =	vadd.f32 @p1 $1.000000010e-07, v10  }
0xe1: {  	v13 =	vor.u32 @p1 $0x100, v11  }
0xe2: {  	(erf) = vrcp.f32 @p1 v10;
	v10 =	vor.u32 @p1 $0x180, v11  }
0xe3: {  	[tilespmem:$0xB400] =	vst @p0 v8;
	s13 =	simm.s32 @p1 $0xB480;
	v8 =	vor.u32 @p1 $0x200, v11  }
0xe4: {  	[tilespmem:v11+s13+$0x0] =	vst.idx.msk @p1 vm0, v5;
	v11 =	vor.u32 @p1 $0x280, v11  }
0xe5: {  	[tilespmem:v12+s13+$0x0] =	vst.idx.msk @p1 vm0, v1  }
0xe6: {  	[tilespmem:v13+s13+$0x0] =	vst.idx.msk @p1 vm0, v2  }
0xe7: {  	[tilespmem:v10+s13+$0x0] =	vst.idx.msk @p1 vm0, v3  }
0xe8: {  	[tilespmem:v8+s13+$0x0] =	vst.idx.msk @p1 vm0, v4  }
0xe9: {  	[tilespmem:v11+s13+$0x0] =	vst.idx.msk @p1 vm0, v6  }
0xea: {  	v8 =	vld @p1 [tilespmem:$0xB400]  }
0xeb: {  	v10 =	vpop @p1 (erf)  }
0xec: {  	v9 =	vmul.f32 @p1 v10, v9;
	_ =	sdelay $0x1  }
0xed: {  	vm0 =	vgt.f32 @p1 v9, $4.499999880e-01  }
0xee: {  	v8 =	vsel @p1 vm0, $0x3F800000, v8  }
0xef: {  	v7 =	vpsel p1, v8, v7  }
0xf0: {  	(v2sf) =	vpush v7, $0x3;
	_ =	sdelay $0xd  }
0xf1: {  	s13 =	simm.s32 $0x1  }
0xf2: {  	s13 =	simm.s32 @!p1 $0x0;
	s17 =	spop (v2sf)  }
0xf3: {  	s12 =	sadd.s32 s13, s12;
	p5 =	seq.f32 s17, $0.0e+00  }
0xf4: {  	p6 =	slt.s32 s12, $0x12C  }
0xf5: {  	p0 =	por !p6, !p5  }
0xf6: {  	p0 =	por !p0, !p0  }
0xf7: {  	v9 =	vbroadcast @p0 v5, $0x3;
	v10 =	vbroadcast @p0 v1, $0x3  }
0xf8: {  	v11 =	vbroadcast @p0 v2, $0x3;
	v12 =	vbroadcast @p0 v3, $0x3  }
0xf9: {  	v9 =	vmax.f32 @p0 v9, v5  }
0xfa: {  	v10 =	vmax.f32 @p0 v10, v1;
	v11 =	vmin.f32 @p0 v11, v2;
	v12 =	vmin.f32 @p0 v12, v3  }
0xfb: {  	v9 =	vsub.f32 @p0 v11, v9;
	v10 =	vsub.f32 @p0 v12, v10  }
0xfc: {  	v11 =	vbroadcast @p0 v6, $0x3  }
0xfd: {  	v9 =	vmax.f32 @p0 v9, $0.0e+00;
	v10 =	vmax.f32 @p0 v10, $0.0e+00  }
0xfe: {  	v12 =	vmov @p0 s12;
	v9 =	vmul.f32 @p0 v10, v9;
	v10 =	vadd.f32 @p0 v11, v6  }
0xff: {  	v11 =	vand.u32 @p0 $0x7F, v12;
	v12 =	vshll.u32 @p0 v12, $0x3  }
0x100: {  	vm0 =	vcmask @p0 $0xF0C;
	v12 =	vand.u32 @p0 $0xFFFFFC00, v12;
	v10 =	vsub.f32 @p0 v10, v9  }
0x101: {  	v11 =	vor.u32 @p0 v11, v12  }
0x102: {  	v12 =	vor.u32 @p0 $0x80, v11;
	v10 =	vadd.f32 @p0 $1.000000010e-07, v10  }
0x103: {  	v13 =	vor.u32 @p0 $0x100, v11  }
0x104: {  	(erf) = vrcp.f32 @p0 v10;
	v10 =	vor.u32 @p0 $0x180, v11  }
0x105: {  	[tilespmem:$0xB400] =	vst @p1 v8;
	s13 =	simm.s32 @p0 $0xB480;
	v8 =	vor.u32 @p0 $0x200, v11  }
0x106: {  	[tilespmem:v11+s13+$0x0] =	vst.idx.msk @p0 vm0, v5;
	v11 =	vor.u32 @p0 $0x280, v11  }
0x107: {  	[tilespmem:v12+s13+$0x0] =	vst.idx.msk @p0 vm0, v1  }
0x108: {  	[tilespmem:v13+s13+$0x0] =	vst.idx.msk @p0 vm0, v2  }
0x109: {  	[tilespmem:v10+s13+$0x0] =	vst.idx.msk @p0 vm0, v3  }
0x10a: {  	[tilespmem:v8+s13+$0x0] =	vst.idx.msk @p0 vm0, v4  }
0x10b: {  	[tilespmem:v11+s13+$0x0] =	vst.idx.msk @p0 vm0, v6  }
0x10c: {  	v8 =	vld @p0 [tilespmem:$0xB400]  }
0x10d: {  	v10 =	vpop @p0 (erf)  }
0x10e: {  	v9 =	vmul.f32 @p0 v10, v9;
	_ =	sdelay $0x1  }
0x10f: {  	vm0 =	vgt.f32 @p0 v9, $4.499999880e-01  }
0x110: {  	v8 =	vsel @p0 vm0, $0x3F800000, v8  }
0x111: {  	v7 =	vpsel p0, v8, v7  }
0x112: {  	(v2sf) =	vpush v7, $0x4;
	_ =	sdelay $0xd  }
0x113: {  	s13 =	simm.s32 $0x1  }
0x114: {  	s13 =	simm.s32 @!p0 $0x0;
	s18 =	spop (v2sf)  }
0x115: {  	s12 =	sadd.s32 s13, s12;
	p3 =	seq.f32 s18, $0.0e+00  }
0x116: {  	p4 =	slt.s32 s12, $0x12C  }
0x117: {  	p1 =	por !p4, !p3  }
0x118: {  	p1 =	por !p1, !p1  }
0x119: {  	v9 =	vbroadcast @p1 v5, $0x4;
	v10 =	vbroadcast @p1 v1, $0x4  }
0x11a: {  	v11 =	vbroadcast @p1 v2, $0x4;
	v12 =	vbroadcast @p1 v3, $0x4  }
0x11b: {  	v9 =	vmax.f32 @p1 v9, v5  }
0x11c: {  	v10 =	vmax.f32 @p1 v10, v1;
	v11 =	vmin.f32 @p1 v11, v2;
	v12 =	vmin.f32 @p1 v12, v3  }
0x11d: {  	v9 =	vsub.f32 @p1 v11, v9;
	v10 =	vsub.f32 @p1 v12, v10  }
0x11e: {  	v11 =	vbroadcast @p1 v6, $0x4  }
0x11f: {  	v9 =	vmax.f32 @p1 v9, $0.0e+00;
	v10 =	vmax.f32 @p1 v10, $0.0e+00  }
0x120: {  	v12 =	vmov @p1 s12;
	v9 =	vmul.f32 @p1 v10, v9;
	v10 =	vadd.f32 @p1 v11, v6  }
0x121: {  	v11 =	vand.u32 @p1 $0x7F, v12;
	v12 =	vshll.u32 @p1 v12, $0x3  }
0x122: {  	vm0 =	vcmask @p1 $0x1310;
	v12 =	vand.u32 @p1 $0xFFFFFC00, v12;
	v10 =	vsub.f32 @p1 v10, v9  }
0x123: {  	v11 =	vor.u32 @p1 v11, v12  }
0x124: {  	v12 =	vor.u32 @p1 $0x80, v11;
	v10 =	vadd.f32 @p1 $1.000000010e-07, v10  }
0x125: {  	v13 =	vor.u32 @p1 $0x100, v11  }
0x126: {  	(erf) = vrcp.f32 @p1 v10;
	v10 =	vor.u32 @p1 $0x180, v11  }
0x127: {  	[tilespmem:$0xB400] =	vst @p0 v8;
	s13 =	simm.s32 @p1 $0xB480;
	v8 =	vor.u32 @p1 $0x200, v11  }
0x128: {  	[tilespmem:v11+s13+$0x0] =	vst.idx.msk @p1 vm0, v5;
	v11 =	vor.u32 @p1 $0x280, v11  }
0x129: {  	[tilespmem:v12+s13+$0x0] =	vst.idx.msk @p1 vm0, v1  }
0x12a: {  	[tilespmem:v13+s13+$0x0] =	vst.idx.msk @p1 vm0, v2  }
0x12b: {  	[tilespmem:v10+s13+$0x0] =	vst.idx.msk @p1 vm0, v3  }
0x12c: {  	[tilespmem:v8+s13+$0x0] =	vst.idx.msk @p1 vm0, v4  }
0x12d: {  	[tilespmem:v11+s13+$0x0] =	vst.idx.msk @p1 vm0, v6  }
0x12e: {  	v8 =	vld @p1 [tilespmem:$0xB400]  }
0x12f: {  	v10 =	vpop @p1 (erf)  }
0x130: {  	v9 =	vmul.f32 @p1 v10, v9;
	_ =	sdelay $0x1  }
0x131: {  	vm0 =	vgt.f32 @p1 v9, $4.499999880e-01  }
0x132: {  	v8 =	vsel @p1 vm0, $0x3F800000, v8  }
0x133: {  	v7 =	vpsel p1, v8, v7  }
0x134: {  	(v2sf) =	vpush v7, $0x5;
	_ =	sdelay $0xd  }
0x135: {  	s13 =	simm.s32 $0x1  }
0x136: {  	s13 =	simm.s32 @!p1 $0x0;
	s19 =	spop (v2sf)  }
0x137: {  	s12 =	sadd.s32 s13, s12;
	p5 =	seq.f32 s19, $0.0e+00  }
0x138: {  	p6 =	slt.s32 s12, $0x12C  }
0x139: {  	p0 =	por !p6, !p5  }
0x13a: {  	p0 =	por !p0, !p0  }
0x13b: {  	v9 =	vbroadcast @p0 v5, $0x5;
	v10 =	vbroadcast @p0 v1, $0x5  }
0x13c: {  	v11 =	vbroadcast @p0 v2, $0x5;
	v12 =	vbroadcast @p0 v3, $0x5  }
0x13d: {  	v9 =	vmax.f32 @p0 v9, v5  }
0x13e: {  	v10 =	vmax.f32 @p0 v10, v1;
	v11 =	vmin.f32 @p0 v11, v2;
	v12 =	vmin.f32 @p0 v12, v3  }
0x13f: {  	v9 =	vsub.f32 @p0 v11, v9;
	v10 =	vsub.f32 @p0 v12, v10  }
0x140: {  	v11 =	vbroadcast @p0 v6, $0x5  }
0x141: {  	v9 =	vmax.f32 @p0 v9, $0.0e+00;
	v10 =	vmax.f32 @p0 v10, $0.0e+00  }
0x142: {  	v12 =	vmov @p0 s12;
	v9 =	vmul.f32 @p0 v10, v9;
	v10 =	vadd.f32 @p0 v11, v6  }
0x143: {  	v11 =	vand.u32 @p0 $0x7F, v12;
	v12 =	vshll.u32 @p0 v12, $0x3  }
0x144: {  	vm0 =	vcmask @p0 $0x1714;
	v12 =	vand.u32 @p0 $0xFFFFFC00, v12;
	v10 =	vsub.f32 @p0 v10, v9  }
0x145: {  	v11 =	vor.u32 @p0 v11, v12  }
0x146: {  	v12 =	vor.u32 @p0 $0x80, v11;
	v10 =	vadd.f32 @p0 $1.000000010e-07, v10  }
0x147: {  	v13 =	vor.u32 @p0 $0x100, v11  }
0x148: {  	(erf) = vrcp.f32 @p0 v10;
	v10 =	vor.u32 @p0 $0x180, v11  }
0x149: {  	[tilespmem:$0xB400] =	vst @p1 v8;
	s13 =	simm.s32 @p0 $0xB480;
	v8 =	vor.u32 @p0 $0x200, v11  }
0x14a: {  	[tilespmem:v11+s13+$0x0] =	vst.idx.msk @p0 vm0, v5;
	v11 =	vor.u32 @p0 $0x280, v11  }
0x14b: {  	[tilespmem:v12+s13+$0x0] =	vst.idx.msk @p0 vm0, v1  }
0x14c: {  	[tilespmem:v13+s13+$0x0] =	vst.idx.msk @p0 vm0, v2  }
0x14d: {  	[tilespmem:v10+s13+$0x0] =	vst.idx.msk @p0 vm0, v3  }
0x14e: {  	[tilespmem:v8+s13+$0x0] =	vst.idx.msk @p0 vm0, v4  }
0x14f: {  	[tilespmem:v11+s13+$0x0] =	vst.idx.msk @p0 vm0, v6  }
0x150: {  	v8 =	vld @p0 [tilespmem:$0xB400]  }
0x151: {  	v10 =	vpop @p0 (erf)  }
0x152: {  	v9 =	vmul.f32 @p0 v10, v9;
	_ =	sdelay $0x1  }
0x153: {  	vm0 =	vgt.f32 @p0 v9, $4.499999880e-01  }
0x154: {  	v8 =	vsel @p0 vm0, $0x3F800000, v8  }
0x155: {  	v7 =	vpsel p0, v8, v7  }
0x156: {  	(v2sf) =	vpush v7, $0x6;
	_ =	sdelay $0xd  }
0x157: {  	s13 =	simm.s32 $0x1  }
0x158: {  	s13 =	simm.s32 @!p0 $0x0;
	s20 =	spop (v2sf)  }
0x159: {  	s12 =	sadd.s32 s13, s12;
	p3 =	seq.f32 s20, $0.0e+00  }
0x15a: {  	p4 =	slt.s32 s12, $0x12C  }
0x15b: {  	p1 =	por !p4, !p3  }
0x15c: {  	p1 =	por !p1, !p1  }
0x15d: {  	v9 =	vbroadcast @p1 v5, $0x6;
	v10 =	vbroadcast @p1 v1, $0x6  }
0x15e: {  	v11 =	vbroadcast @p1 v2, $0x6;
	v12 =	vbroadcast @p1 v3, $0x6  }
0x15f: {  	v9 =	vmax.f32 @p1 v9, v5  }
0x160: {  	v10 =	vmax.f32 @p1 v10, v1;
	v11 =	vmin.f32 @p1 v11, v2;
	v12 =	vmin.f32 @p1 v12, v3  }
0x161: {  	v9 =	vsub.f32 @p1 v11, v9;
	v10 =	vsub.f32 @p1 v12, v10  }
0x162: {  	v11 =	vbroadcast @p1 v6, $0x6  }
0x163: {  	v9 =	vmax.f32 @p1 v9, $0.0e+00;
	v10 =	vmax.f32 @p1 v10, $0.0e+00  }
0x164: {  	v12 =	vmov @p1 s12;
	v9 =	vmul.f32 @p1 v10, v9;
	v10 =	vadd.f32 @p1 v11, v6  }
0x165: {  	v11 =	vand.u32 @p1 $0x7F, v12;
	v12 =	vshll.u32 @p1 v12, $0x3  }
0x166: {  	vm0 =	vcmask @p1 $0x1B18;
	v12 =	vand.u32 @p1 $0xFFFFFC00, v12;
	v10 =	vsub.f32 @p1 v10, v9  }
0x167: {  	v11 =	vor.u32 @p1 v11, v12  }
0x168: {  	v12 =	vor.u32 @p1 $0x80, v11;
	v10 =	vadd.f32 @p1 $1.000000010e-07, v10  }
0x169: {  	v13 =	vor.u32 @p1 $0x100, v11  }
0x16a: {  	(erf) = vrcp.f32 @p1 v10;
	v10 =	vor.u32 @p1 $0x180, v11  }
0x16b: {  	[tilespmem:$0xB400] =	vst @p0 v8;
	s13 =	simm.s32 @p1 $0xB480;
	v8 =	vor.u32 @p1 $0x200, v11  }
0x16c: {  	[tilespmem:v11+s13+$0x0] =	vst.idx.msk @p1 vm0, v5;
	v11 =	vor.u32 @p1 $0x280, v11  }
0x16d: {  	[tilespmem:v12+s13+$0x0] =	vst.idx.msk @p1 vm0, v1  }
0x16e: {  	[tilespmem:v13+s13+$0x0] =	vst.idx.msk @p1 vm0, v2  }
0x16f: {  	[tilespmem:v10+s13+$0x0] =	vst.idx.msk @p1 vm0, v3  }
0x170: {  	[tilespmem:v8+s13+$0x0] =	vst.idx.msk @p1 vm0, v4  }
0x171: {  	[tilespmem:v11+s13+$0x0] =	vst.idx.msk @p1 vm0, v6  }
0x172: {  	v8 =	vld @p1 [tilespmem:$0xB400]  }
0x173: {  	v10 =	vpop @p1 (erf)  }
0x174: {  	v9 =	vmul.f32 @p1 v10, v9;
	_ =	sdelay $0x1  }
0x175: {  	vm0 =	vgt.f32 @p1 v9, $4.499999880e-01  }
0x176: {  	v8 =	vsel @p1 vm0, $0x3F800000, v8  }
0x177: {  	v7 =	vpsel p1, v8, v7  }
0x178: {  	(v2sf) =	vpush v7, $0x7;
	_ =	sdelay $0xd  }
0x179: {  	s13 =	simm.s32 $0x1  }
0x17a: {  	s13 =	simm.s32 @!p1 $0x0;
	s21 =	spop (v2sf)  }
0x17b: {  	s12 =	sadd.s32 s13, s12;
	p5 =	seq.f32 s21, $0.0e+00  }
0x17c: {  	p6 =	slt.s32 s12, $0x12C  }
0x17d: {  	p0 =	por !p6, !p5  }
0x17e: {  	p0 =	por !p0, !p0  }
0x17f: {  	v9 =	vbroadcast @p0 v5, $0x7;
	v10 =	vbroadcast @p0 v1, $0x7  }
0x180: {  	v11 =	vbroadcast @p0 v2, $0x7;
	v12 =	vbroadcast @p0 v3, $0x7  }
0x181: {  	v9 =	vmax.f32 @p0 v9, v5  }
0x182: {  	v10 =	vmax.f32 @p0 v10, v1;
	v11 =	vmin.f32 @p0 v11, v2;
	v12 =	vmin.f32 @p0 v12, v3  }
0x183: {  	v9 =	vsub.f32 @p0 v11, v9;
	v10 =	vsub.f32 @p0 v12, v10  }
0x184: {  	v11 =	vbroadcast @p0 v6, $0x7  }
0x185: {  	v9 =	vmax.f32 @p0 v9, $0.0e+00;
	v10 =	vmax.f32 @p0 v10, $0.0e+00  }
0x186: {  	v12 =	vmov @p0 s12;
	v9 =	vmul.f32 @p0 v10, v9;
	v10 =	vadd.f32 @p0 v11, v6  }
0x187: {  	v11 =	vand.u32 @p0 $0x7F, v12;
	v12 =	vshll.u32 @p0 v12, $0x3  }
0x188: {  	vm0 =	vcmask @p0 $0x1F1C;
	v12 =	vand.u32 @p0 $0xFFFFFC00, v12;
	v10 =	vsub.f32 @p0 v10, v9  }
0x189: {  	v11 =	vor.u32 @p0 v11, v12  }
0x18a: {  	v12 =	vor.u32 @p0 $0x80, v11;
	v10 =	vadd.f32 @p0 $1.000000010e-07, v10  }
0x18b: {  	v13 =	vor.u32 @p0 $0x100, v11  }
0x18c: {  	(erf) = vrcp.f32 @p0 v10;
	v10 =	vor.u32 @p0 $0x180, v11  }
0x18d: {  	[tilespmem:$0xB400] =	vst @p1 v8;
	s13 =	simm.s32 @p0 $0xB480;
	v8 =	vor.u32 @p0 $0x200, v11  }
0x18e: {  	[tilespmem:v11+s13+$0x0] =	vst.idx.msk @p0 vm0, v5;
	v11 =	vor.u32 @p0 $0x280, v11  }
0x18f: {  	[tilespmem:v12+s13+$0x0] =	vst.idx.msk @p0 vm0, v1  }
0x190: {  	[tilespmem:v13+s13+$0x0] =	vst.idx.msk @p0 vm0, v2  }
0x191: {  	[tilespmem:v10+s13+$0x0] =	vst.idx.msk @p0 vm0, v3  }
0x192: {  	[tilespmem:v8+s13+$0x0] =	vst.idx.msk @p0 vm0, v4  }
0x193: {  	[tilespmem:v11+s13+$0x0] =	vst.idx.msk @p0 vm0, v6  }
0x194: {  	v8 =	vld @p0 [tilespmem:$0xB400]  }
0x195: {  	v10 =	vpop @p0 (erf)  }
0x196: {  	v9 =	vmul.f32 @p0 v10, v9;
	_ =	sdelay $0x1  }
0x197: {  	vm0 =	vgt.f32 @p0 v9, $4.499999880e-01  }
0x198: {  	v8 =	vsel @p0 vm0, $0x3F800000, v8  }
0x199: {  	v7 =	vpsel p0, v8, v7  }
0x19a: {  	(v2sf) =	vpush v7, $0x8;
	_ =	sdelay $0xd  }
0x19b: {  	s13 =	simm.s32 $0x1  }
0x19c: {  	s13 =	simm.s32 @!p0 $0x0;
	s22 =	spop (v2sf)  }
0x19d: {  	s12 =	sadd.s32 s13, s12;
	p3 =	seq.f32 s22, $0.0e+00  }
0x19e: {  	p4 =	slt.s32 s12, $0x12C  }
0x19f: {  	p1 =	por !p4, !p3  }
0x1a0: {  	p1 =	por !p1, !p1  }
0x1a1: {  	v9 =	vbroadcast @p1 v5, $0x8;
	v10 =	vbroadcast @p1 v1, $0x8  }
0x1a2: {  	v11 =	vbroadcast @p1 v2, $0x8;
	v12 =	vbroadcast @p1 v3, $0x8  }
0x1a3: {  	v9 =	vmax.f32 @p1 v9, v5  }
0x1a4: {  	v10 =	vmax.f32 @p1 v10, v1;
	v11 =	vmin.f32 @p1 v11, v2;
	v12 =	vmin.f32 @p1 v12, v3  }
0x1a5: {  	v9 =	vsub.f32 @p1 v11, v9;
	v10 =	vsub.f32 @p1 v12, v10  }
0x1a6: {  	v11 =	vbroadcast @p1 v6, $0x8  }
0x1a7: {  	v9 =	vmax.f32 @p1 v9, $0.0e+00;
	v10 =	vmax.f32 @p1 v10, $0.0e+00  }
0x1a8: {  	v12 =	vmov @p1 s12;
	v9 =	vmul.f32 @p1 v10, v9;
	v10 =	vadd.f32 @p1 v11, v6  }
0x1a9: {  	v11 =	vand.u32 @p1 $0x7F, v12;
	v12 =	vshll.u32 @p1 v12, $0x3  }
0x1aa: {  	vm0 =	vcmask @p1 $0x2320;
	v12 =	vand.u32 @p1 $0xFFFFFC00, v12;
	v10 =	vsub.f32 @p1 v10, v9  }
0x1ab: {  	v11 =	vor.u32 @p1 v11, v12  }
0x1ac: {  	v12 =	vor.u32 @p1 $0x80, v11;
	v10 =	vadd.f32 @p1 $1.000000010e-07, v10  }
0x1ad: {  	v13 =	vor.u32 @p1 $0x100, v11  }
0x1ae: {  	(erf) = vrcp.f32 @p1 v10;
	v10 =	vor.u32 @p1 $0x180, v11  }
0x1af: {  	[tilespmem:$0xB400] =	vst @p0 v8;
	s13 =	simm.s32 @p1 $0xB480;
	v8 =	vor.u32 @p1 $0x200, v11  }
0x1b0: {  	[tilespmem:v11+s13+$0x0] =	vst.idx.msk @p1 vm0, v5;
	v11 =	vor.u32 @p1 $0x280, v11  }
0x1b1: {  	[tilespmem:v12+s13+$0x0] =	vst.idx.msk @p1 vm0, v1  }
0x1b2: {  	[tilespmem:v13+s13+$0x0] =	vst.idx.msk @p1 vm0, v2  }
0x1b3: {  	[tilespmem:v10+s13+$0x0] =	vst.idx.msk @p1 vm0, v3  }
0x1b4: {  	[tilespmem:v8+s13+$0x0] =	vst.idx.msk @p1 vm0, v4  }
0x1b5: {  	[tilespmem:v11+s13+$0x0] =	vst.idx.msk @p1 vm0, v6  }
0x1b6: {  	v8 =	vld @p1 [tilespmem:$0xB400]  }
0x1b7: {  	v10 =	vpop @p1 (erf)  }
0x1b8: {  	v9 =	vmul.f32 @p1 v10, v9;
	_ =	sdelay $0x1  }
0x1b9: {  	vm0 =	vgt.f32 @p1 v9, $4.499999880e-01  }
0x1ba: {  	v8 =	vsel @p1 vm0, $0x3F800000, v8  }
0x1bb: {  	v7 =	vpsel p1, v8, v7  }
0x1bc: {  	(v2sf) =	vpush v7, $0x9;
	_ =	sdelay $0xd  }
0x1bd: {  	s13 =	simm.s32 $0x1  }
0x1be: {  	s13 =	simm.s32 @!p1 $0x0;
	s23 =	spop (v2sf)  }
0x1bf: {  	s12 =	sadd.s32 s13, s12;
	p5 =	seq.f32 s23, $0.0e+00  }
0x1c0: {  	p6 =	slt.s32 s12, $0x12C  }
0x1c1: {  	p0 =	por !p6, !p5  }
0x1c2: {  	p0 =	por !p0, !p0  }
0x1c3: {  	v9 =	vbroadcast @p0 v5, $0x9;
	v10 =	vbroadcast @p0 v1, $0x9  }
0x1c4: {  	v11 =	vbroadcast @p0 v2, $0x9;
	v12 =	vbroadcast @p0 v3, $0x9  }
0x1c5: {  	v9 =	vmax.f32 @p0 v9, v5  }
0x1c6: {  	v10 =	vmax.f32 @p0 v10, v1;
	v11 =	vmin.f32 @p0 v11, v2;
	v12 =	vmin.f32 @p0 v12, v3  }
0x1c7: {  	v9 =	vsub.f32 @p0 v11, v9;
	v10 =	vsub.f32 @p0 v12, v10  }
0x1c8: {  	v11 =	vbroadcast @p0 v6, $0x9  }
0x1c9: {  	v9 =	vmax.f32 @p0 v9, $0.0e+00;
	v10 =	vmax.f32 @p0 v10, $0.0e+00  }
0x1ca: {  	v12 =	vmov @p0 s12;
	v9 =	vmul.f32 @p0 v10, v9;
	v10 =	vadd.f32 @p0 v11, v6  }
0x1cb: {  	v11 =	vand.u32 @p0 $0x7F, v12;
	v12 =	vshll.u32 @p0 v12, $0x3  }
0x1cc: {  	vm0 =	vcmask @p0 $0x2724;
	v12 =	vand.u32 @p0 $0xFFFFFC00, v12;
	v10 =	vsub.f32 @p0 v10, v9  }
0x1cd: {  	v11 =	vor.u32 @p0 v11, v12  }
0x1ce: {  	v12 =	vor.u32 @p0 $0x80, v11;
	v10 =	vadd.f32 @p0 $1.000000010e-07, v10  }
0x1cf: {  	v13 =	vor.u32 @p0 $0x100, v11  }
0x1d0: {  	(erf) = vrcp.f32 @p0 v10;
	v10 =	vor.u32 @p0 $0x180, v11  }
0x1d1: {  	[tilespmem:$0xB400] =	vst @p1 v8;
	s13 =	simm.s32 @p0 $0xB480;
	v8 =	vor.u32 @p0 $0x200, v11  }
0x1d2: {  	[tilespmem:v11+s13+$0x0] =	vst.idx.msk @p0 vm0, v5;
	v11 =	vor.u32 @p0 $0x280, v11  }
0x1d3: {  	[tilespmem:v12+s13+$0x0] =	vst.idx.msk @p0 vm0, v1  }
0x1d4: {  	[tilespmem:v13+s13+$0x0] =	vst.idx.msk @p0 vm0, v2  }
0x1d5: {  	[tilespmem:v10+s13+$0x0] =	vst.idx.msk @p0 vm0, v3  }
0x1d6: {  	[tilespmem:v8+s13+$0x0] =	vst.idx.msk @p0 vm0, v4  }
0x1d7: {  	[tilespmem:v11+s13+$0x0] =	vst.idx.msk @p0 vm0, v6  }
0x1d8: {  	v8 =	vld @p0 [tilespmem:$0xB400]  }
0x1d9: {  	v10 =	vpop @p0 (erf)  }
0x1da: {  	v9 =	vmul.f32 @p0 v10, v9;
	_ =	sdelay $0x1  }
0x1db: {  	vm0 =	vgt.f32 @p0 v9, $4.499999880e-01  }
0x1dc: {  	v8 =	vsel @p0 vm0, $0x3F800000, v8  }
0x1dd: {  	v7 =	vpsel p0, v8, v7  }
0x1de: {  	(v2sf) =	vpush v7, $0xA;
	_ =	sdelay $0xd  }
0x1df: {  	s13 =	simm.s32 $0x1  }
0x1e0: {  	s13 =	simm.s32 @!p0 $0x0;
	s24 =	spop (v2sf)  }
0x1e1: {  	s12 =	sadd.s32 s13, s12;
	p3 =	seq.f32 s24, $0.0e+00  }
0x1e2: {  	p4 =	slt.s32 s12, $0x12C  }
0x1e3: {  	p1 =	por !p4, !p3  }
0x1e4: {  	p1 =	por !p1, !p1  }
0x1e5: {  	v9 =	vbroadcast @p1 v5, $0xA;
	v10 =	vbroadcast @p1 v1, $0xA  }
0x1e6: {  	v11 =	vbroadcast @p1 v2, $0xA;
	v12 =	vbroadcast @p1 v3, $0xA  }
0x1e7: {  	v9 =	vmax.f32 @p1 v9, v5  }
0x1e8: {  	v10 =	vmax.f32 @p1 v10, v1;
	v11 =	vmin.f32 @p1 v11, v2;
	v12 =	vmin.f32 @p1 v12, v3  }
0x1e9: {  	v9 =	vsub.f32 @p1 v11, v9;
	v10 =	vsub.f32 @p1 v12, v10  }
0x1ea: {  	v11 =	vbroadcast @p1 v6, $0xA  }
0x1eb: {  	v9 =	vmax.f32 @p1 v9, $0.0e+00;
	v10 =	vmax.f32 @p1 v10, $0.0e+00  }
0x1ec: {  	v12 =	vmov @p1 s12;
	v9 =	vmul.f32 @p1 v10, v9;
	v10 =	vadd.f32 @p1 v11, v6  }
0x1ed: {  	v11 =	vand.u32 @p1 $0x7F, v12;
	v12 =	vshll.u32 @p1 v12, $0x3  }
0x1ee: {  	vm0 =	vcmask @p1 $0x2B28;
	v12 =	vand.u32 @p1 $0xFFFFFC00, v12;
	v10 =	vsub.f32 @p1 v10, v9  }
0x1ef: {  	v11 =	vor.u32 @p1 v11, v12  }
0x1f0: {  	v12 =	vor.u32 @p1 $0x80, v11;
	v10 =	vadd.f32 @p1 $1.000000010e-07, v10  }
0x1f1: {  	v13 =	vor.u32 @p1 $0x100, v11  }
0x1f2: {  	(erf) = vrcp.f32 @p1 v10;
	v10 =	vor.u32 @p1 $0x180, v11  }
0x1f3: {  	[tilespmem:$0xB400] =	vst @p0 v8;
	s13 =	simm.s32 @p1 $0xB480;
	v8 =	vor.u32 @p1 $0x200, v11  }
0x1f4: {  	[tilespmem:v11+s13+$0x0] =	vst.idx.msk @p1 vm0, v5;
	v11 =	vor.u32 @p1 $0x280, v11  }
0x1f5: {  	[tilespmem:v12+s13+$0x0] =	vst.idx.msk @p1 vm0, v1  }
0x1f6: {  	[tilespmem:v13+s13+$0x0] =	vst.idx.msk @p1 vm0, v2  }
0x1f7: {  	[tilespmem:v10+s13+$0x0] =	vst.idx.msk @p1 vm0, v3  }
0x1f8: {  	[tilespmem:v8+s13+$0x0] =	vst.idx.msk @p1 vm0, v4  }
0x1f9: {  	[tilespmem:v11+s13+$0x0] =	vst.idx.msk @p1 vm0, v6  }
0x1fa: {  	v8 =	vld @p1 [tilespmem:$0xB400]  }
0x1fb: {  	v10 =	vpop @p1 (erf)  }
0x1fc: {  	v9 =	vmul.f32 @p1 v10, v9;
	_ =	sdelay $0x1  }
0x1fd: {  	vm0 =	vgt.f32 @p1 v9, $4.499999880e-01  }
0x1fe: {  	v8 =	vsel @p1 vm0, $0x3F800000, v8  }
0x1ff: {  	v7 =	vpsel p1, v8, v7  }
0x200: {  	(v2sf) =	vpush v7, $0xB;
	_ =	sdelay $0xd  }
0x201: {  	s13 =	simm.s32 $0x1  }
0x202: {  	s13 =	simm.s32 @!p1 $0x0;
	s25 =	spop (v2sf)  }
0x203: {  	s12 =	sadd.s32 s13, s12;
	p5 =	seq.f32 s25, $0.0e+00  }
0x204: {  	p6 =	slt.s32 s12, $0x12C  }
0x205: {  	p0 =	por !p6, !p5  }
0x206: {  	p0 =	por !p0, !p0  }
0x207: {  	v9 =	vbroadcast @p0 v5, $0xB;
	v10 =	vbroadcast @p0 v1, $0xB  }
0x208: {  	v11 =	vbroadcast @p0 v2, $0xB;
	v12 =	vbroadcast @p0 v3, $0xB  }
0x209: {  	v9 =	vmax.f32 @p0 v9, v5  }
0x20a: {  	v10 =	vmax.f32 @p0 v10, v1;
	v11 =	vmin.f32 @p0 v11, v2;
	v12 =	vmin.f32 @p0 v12, v3  }
0x20b: {  	v9 =	vsub.f32 @p0 v11, v9;
	v10 =	vsub.f32 @p0 v12, v10  }
0x20c: {  	v11 =	vbroadcast @p0 v6, $0xB  }
0x20d: {  	v9 =	vmax.f32 @p0 v9, $0.0e+00;
	v10 =	vmax.f32 @p0 v10, $0.0e+00  }
0x20e: {  	v12 =	vmov @p0 s12;
	v9 =	vmul.f32 @p0 v10, v9;
	v10 =	vadd.f32 @p0 v11, v6  }
0x20f: {  	v11 =	vand.u32 @p0 $0x7F, v12;
	v12 =	vshll.u32 @p0 v12, $0x3  }
0x210: {  	vm0 =	vcmask @p0 $0x2F2C;
	v12 =	vand.u32 @p0 $0xFFFFFC00, v12;
	v10 =	vsub.f32 @p0 v10, v9  }
0x211: {  	v11 =	vor.u32 @p0 v11, v12  }
0x212: {  	v12 =	vor.u32 @p0 $0x80, v11;
	v10 =	vadd.f32 @p0 $1.000000010e-07, v10  }
0x213: {  	v13 =	vor.u32 @p0 $0x100, v11  }
0x214: {  	(erf) = vrcp.f32 @p0 v10;
	v10 =	vor.u32 @p0 $0x180, v11  }
0x215: {  	[tilespmem:$0xB400] =	vst @p1 v8;
	s13 =	simm.s32 @p0 $0xB480;
	v8 =	vor.u32 @p0 $0x200, v11  }
0x216: {  	[tilespmem:v11+s13+$0x0] =	vst.idx.msk @p0 vm0, v5;
	v11 =	vor.u32 @p0 $0x280, v11  }
0x217: {  	[tilespmem:v12+s13+$0x0] =	vst.idx.msk @p0 vm0, v1  }
0x218: {  	[tilespmem:v13+s13+$0x0] =	vst.idx.msk @p0 vm0, v2  }
0x219: {  	[tilespmem:v10+s13+$0x0] =	vst.idx.msk @p0 vm0, v3  }
0x21a: {  	[tilespmem:v8+s13+$0x0] =	vst.idx.msk @p0 vm0, v4  }
0x21b: {  	[tilespmem:v11+s13+$0x0] =	vst.idx.msk @p0 vm0, v6  }
0x21c: {  	v8 =	vld @p0 [tilespmem:$0xB400]  }
0x21d: {  	v10 =	vpop @p0 (erf)  }
0x21e: {  	v9 =	vmul.f32 @p0 v10, v9;
	_ =	sdelay $0x1  }
0x21f: {  	vm0 =	vgt.f32 @p0 v9, $4.499999880e-01  }
0x220: {  	v8 =	vsel @p0 vm0, $0x3F800000, v8  }
0x221: {  	v7 =	vpsel p0, v8, v7  }
0x222: {  	(v2sf) =	vpush v7, $0xC;
	_ =	sdelay $0xd  }
0x223: {  	s13 =	simm.s32 $0x1  }
0x224: {  	s13 =	simm.s32 @!p0 $0x0;
	s26 =	spop (v2sf)  }
0x225: {  	s12 =	sadd.s32 s13, s12;
	p3 =	seq.f32 s26, $0.0e+00  }
0x226: {  	p4 =	slt.s32 s12, $0x12C  }
0x227: {  	p1 =	por !p4, !p3  }
0x228: {  	p1 =	por !p1, !p1  }
0x229: {  	v9 =	vbroadcast @p1 v5, $0xC;
	v10 =	vbroadcast @p1 v1, $0xC  }
0x22a: {  	v11 =	vbroadcast @p1 v2, $0xC;
	v12 =	vbroadcast @p1 v3, $0xC  }
0x22b: {  	v9 =	vmax.f32 @p1 v9, v5  }
0x22c: {  	v10 =	vmax.f32 @p1 v10, v1;
	v11 =	vmin.f32 @p1 v11, v2;
	v12 =	vmin.f32 @p1 v12, v3  }
0x22d: {  	v9 =	vsub.f32 @p1 v11, v9;
	v10 =	vsub.f32 @p1 v12, v10  }
0x22e: {  	v11 =	vbroadcast @p1 v6, $0xC  }
0x22f: {  	v9 =	vmax.f32 @p1 v9, $0.0e+00;
	v10 =	vmax.f32 @p1 v10, $0.0e+00  }
0x230: {  	v12 =	vmov @p1 s12;
	v9 =	vmul.f32 @p1 v10, v9;
	v10 =	vadd.f32 @p1 v11, v6  }
0x231: {  	v11 =	vand.u32 @p1 $0x7F, v12;
	v12 =	vshll.u32 @p1 v12, $0x3  }
0x232: {  	vm0 =	vcmask @p1 $0x3330;
	v12 =	vand.u32 @p1 $0xFFFFFC00, v12;
	v10 =	vsub.f32 @p1 v10, v9  }
0x233: {  	v11 =	vor.u32 @p1 v11, v12  }
0x234: {  	v12 =	vor.u32 @p1 $0x80, v11;
	v10 =	vadd.f32 @p1 $1.000000010e-07, v10  }
0x235: {  	v13 =	vor.u32 @p1 $0x100, v11  }
0x236: {  	(erf) = vrcp.f32 @p1 v10;
	v10 =	vor.u32 @p1 $0x180, v11  }
0x237: {  	[tilespmem:$0xB400] =	vst @p0 v8;
	s13 =	simm.s32 @p1 $0xB480;
	v8 =	vor.u32 @p1 $0x200, v11  }
0x238: {  	[tilespmem:v11+s13+$0x0] =	vst.idx.msk @p1 vm0, v5;
	v11 =	vor.u32 @p1 $0x280, v11  }
0x239: {  	[tilespmem:v12+s13+$0x0] =	vst.idx.msk @p1 vm0, v1  }
0x23a: {  	[tilespmem:v13+s13+$0x0] =	vst.idx.msk @p1 vm0, v2  }
0x23b: {  	[tilespmem:v10+s13+$0x0] =	vst.idx.msk @p1 vm0, v3  }
0x23c: {  	[tilespmem:v8+s13+$0x0] =	vst.idx.msk @p1 vm0, v4  }
0x23d: {  	[tilespmem:v11+s13+$0x0] =	vst.idx.msk @p1 vm0, v6  }
0x23e: {  	v8 =	vld @p1 [tilespmem:$0xB400]  }
0x23f: {  	v10 =	vpop @p1 (erf)  }
0x240: {  	v9 =	vmul.f32 @p1 v10, v9;
	_ =	sdelay $0x1  }
0x241: {  	vm0 =	vgt.f32 @p1 v9, $4.499999880e-01  }
0x242: {  	v8 =	vsel @p1 vm0, $0x3F800000, v8  }
0x243: {  	v7 =	vpsel p1, v8, v7  }
0x244: {  	(v2sf) =	vpush v7, $0xD;
	_ =	sdelay $0xd  }
0x245: {  	s13 =	simm.s32 $0x1  }
0x246: {  	s13 =	simm.s32 @!p1 $0x0;
	s28 =	spop (v2sf)  }
0x247: {  	s12 =	sadd.s32 s13, s12;
	p5 =	seq.f32 s28, $0.0e+00  }
0x248: {  	p6 =	slt.s32 s12, $0x12C  }
0x249: {  	p0 =	por !p6, !p5  }
0x24a: {  	p2 =	por !p0, !p0  }
0x24b: {  	v9 =	vbroadcast @p2 v5, $0xD;
	v10 =	vbroadcast @p2 v1, $0xD  }
0x24c: {  	v11 =	vbroadcast @p2 v2, $0xD;
	v12 =	vbroadcast @p2 v3, $0xD  }
0x24d: {  	v9 =	vmax.f32 @p2 v9, v5  }
0x24e: {  	v10 =	vmax.f32 @p2 v10, v1;
	v11 =	vmin.f32 @p2 v11, v2;
	v12 =	vmin.f32 @p2 v12, v3  }
0x24f: {  	v9 =	vsub.f32 @p2 v11, v9;
	v10 =	vsub.f32 @p2 v12, v10  }
0x250: {  	v11 =	vbroadcast @p2 v6, $0xD  }
0x251: {  	v9 =	vmax.f32 @p2 v9, $0.0e+00;
	v10 =	vmax.f32 @p2 v10, $0.0e+00  }
0x252: {  	v12 =	vmov @p2 s12;
	v9 =	vmul.f32 @p2 v10, v9;
	v10 =	vadd.f32 @p2 v11, v6  }
0x253: {  	v11 =	vand.u32 @p2 $0x7F, v12;
	v12 =	vshll.u32 @p2 v12, $0x3  }
0x254: {  	vm0 =	vcmask @p2 $0x3734;
	v12 =	vand.u32 @p2 $0xFFFFFC00, v12;
	v10 =	vsub.f32 @p2 v10, v9  }
0x255: {  	v11 =	vor.u32 @p2 v11, v12  }
0x256: {  	v12 =	vor.u32 @p2 $0x80, v11;
	v10 =	vadd.f32 @p2 $1.000000010e-07, v10  }
0x257: {  	v13 =	vor.u32 @p2 $0x100, v11  }
0x258: {  	(erf) = vrcp.f32 @p2 v10;
	v10 =	vor.u32 @p2 $0x180, v11  }
0x259: {  	[tilespmem:$0xB400] =	vst @p1 v8;
	s13 =	simm.s32 @p2 $0xB480;
	v8 =	vor.u32 @p2 $0x200, v11  }
0x25a: {  	[tilespmem:v11+s13+$0x0] =	vst.idx.msk @p2 vm0, v5;
	v11 =	vor.u32 @p2 $0x280, v11  }
0x25b: {  	[tilespmem:v12+s13+$0x0] =	vst.idx.msk @p2 vm0, v1  }
0x25c: {  	[tilespmem:v13+s13+$0x0] =	vst.idx.msk @p2 vm0, v2  }
0x25d: {  	[tilespmem:v10+s13+$0x0] =	vst.idx.msk @p2 vm0, v3  }
0x25e: {  	[tilespmem:v8+s13+$0x0] =	vst.idx.msk @p2 vm0, v4  }
0x25f: {  	[tilespmem:v11+s13+$0x0] =	vst.idx.msk @p2 vm0, v6  }
0x260: {  	v8 =	vld @p2 [tilespmem:$0xB400]  }
0x261: {  	v10 =	vpop @p2 (erf)  }
0x262: {  	v9 =	vmul.f32 @p2 v10, v9;
	_ =	sdelay $0x1  }
0x263: {  	vm0 =	vgt.f32 @p2 v9, $4.499999880e-01  }
0x264: {  	v8 =	vsel @p2 vm0, $0x3F800000, v8  }
0x265: {  	v7 =	vpsel p2, v8, v7  }
0x266: {  	(v2sf) =	vpush v7, $0xE;
	_ =	sdelay $0xd  }
0x267: {  	s13 =	simm.s32 $0x1  }
0x268: {  	s13 =	simm.s32 @!p2 $0x0;
	s29 =	spop (v2sf)  }
0x269: {  	s12 =	sadd.s32 s13, s12;
	p3 =	seq.f32 s29, $0.0e+00  }
0x26a: {  	p4 =	slt.s32 s12, $0x12C  }
0x26b: {  	p0 =	por !p4, !p3  }
0x26c: {  	p0 =	por !p0, !p0  }
0x26d: {  	v9 =	vbroadcast @p0 v5, $0xE;
	v10 =	vbroadcast @p0 v1, $0xE  }
0x26e: {  	v11 =	vbroadcast @p0 v2, $0xE;
	v12 =	vbroadcast @p0 v3, $0xE  }
0x26f: {  	v9 =	vmax.f32 @p0 v9, v5  }
0x270: {  	v10 =	vmax.f32 @p0 v10, v1;
	v11 =	vmin.f32 @p0 v11, v2;
	v12 =	vmin.f32 @p0 v12, v3  }
0x271: {  	v9 =	vsub.f32 @p0 v11, v9;
	v10 =	vsub.f32 @p0 v12, v10  }
0x272: {  	v11 =	vbroadcast @p0 v6, $0xE  }
0x273: {  	v9 =	vmax.f32 @p0 v9, $0.0e+00;
	v10 =	vmax.f32 @p0 v10, $0.0e+00  }
0x274: {  	v12 =	vmov @p0 s12;
	v9 =	vmul.f32 @p0 v10, v9;
	v10 =	vadd.f32 @p0 v11, v6  }
0x275: {  	v11 =	vand.u32 @p0 $0x7F, v12;
	v12 =	vshll.u32 @p0 v12, $0x3  }
0x276: {  	vm0 =	vcmask @p0 $0x3B38;
	v12 =	vand.u32 @p0 $0xFFFFFC00, v12;
	v10 =	vsub.f32 @p0 v10, v9  }
0x277: {  	v11 =	vor.u32 @p0 v11, v12  }
0x278: {  	v12 =	vor.u32 @p0 $0x80, v11;
	v10 =	vadd.f32 @p0 $1.000000010e-07, v10  }
0x279: {  	v13 =	vor.u32 @p0 $0x100, v11  }
0x27a: {  	(erf) = vrcp.f32 @p0 v10;
	v10 =	vor.u32 @p0 $0x180, v11  }
0x27b: {  	[tilespmem:$0xB400] =	vst @p2 v8;
	s13 =	simm.s32 @p0 $0xB480;
	v8 =	vor.u32 @p0 $0x200, v11  }
0x27c: {  	[tilespmem:v11+s13+$0x0] =	vst.idx.msk @p0 vm0, v5;
	v11 =	vor.u32 @p0 $0x280, v11  }
0x27d: {  	[tilespmem:v12+s13+$0x0] =	vst.idx.msk @p0 vm0, v1  }
0x27e: {  	[tilespmem:v13+s13+$0x0] =	vst.idx.msk @p0 vm0, v2  }
0x27f: {  	[tilespmem:v10+s13+$0x0] =	vst.idx.msk @p0 vm0, v3  }
0x280: {  	[tilespmem:v8+s13+$0x0] =	vst.idx.msk @p0 vm0, v4  }
0x281: {  	[tilespmem:v11+s13+$0x0] =	vst.idx.msk @p0 vm0, v6  }
0x282: {  	v8 =	vld @p0 [tilespmem:$0xB400]  }
0x283: {  	v10 =	vpop @p0 (erf)  }
0x284: {  	v9 =	vmul.f32 @p0 v10, v9;
	_ =	sdelay $0x1  }
0x285: {  	vm0 =	vgt.f32 @p0 v9, $4.499999880e-01  }
0x286: {  	v8 =	vsel @p0 vm0, $0x3F800000, v8  }
0x287: {  	v7 =	vpsel p0, v8, v7  }
0x288: {  	(v2sf) =	vpush v7, $0xF;
	_ =	sdelay $0xd  }
0x289: {  	s13 =	simm.s32 $0x1  }
0x28a: {  	s13 =	simm.s32 @!p0 $0x0;
	s30 =	spop (v2sf)  }
0x28b: {  	s12 =	sadd.s32 s13, s12;
	p5 =	seq.f32 s30, $0.0e+00  }
0x28c: {  	p6 =	slt.s32 s12, $0x12C  }
0x28d: {  	p1 =	por !p6, !p5  }
0x28e: {  	p1 =	por !p1, !p1  }
0x28f: {  	v7 =	vbroadcast @p1 v5, $0xF;
	v9 =	vbroadcast @p1 v1, $0xF  }
0x290: {  	v10 =	vbroadcast @p1 v2, $0xF;
	v11 =	vbroadcast @p1 v3, $0xF  }
0x291: {  	v7 =	vmax.f32 @p1 v7, v5  }
0x292: {  	v9 =	vmax.f32 @p1 v9, v1;
	v10 =	vmin.f32 @p1 v10, v2;
	v11 =	vmin.f32 @p1 v11, v3  }
0x293: {  	v7 =	vsub.f32 @p1 v10, v7;
	v9 =	vsub.f32 @p1 v11, v9  }
0x294: {  	v10 =	vbroadcast @p1 v6, $0xF  }
0x295: {  	v7 =	vmax.f32 @p1 v7, $0.0e+00;
	v9 =	vmax.f32 @p1 v9, $0.0e+00  }
0x296: {  	v11 =	vmov @p1 s12;
	v7 =	vmul.f32 @p1 v9, v7;
	v9 =	vadd.f32 @p1 v10, v6  }
0x297: {  	(v2sf) =	vpush v4, $0x0;
	v10 =	vand.u32 @p1 $0x7F, v11;
	v11 =	vshll.u32 @p1 v11, $0x3  }
0x298: {  	vm0 =	vcmask @p1 $0x3F3C;
	v11 =	vand.u32 @p1 $0xFFFFFC00, v11;
	v9 =	vsub.f32 @p1 v9, v7  }
0x299: {  	v10 =	vor.u32 @p1 v10, v11  }
0x29a: {  	v11 =	vor.u32 @p1 $0x80, v10;
	v9 =	vadd.f32 @p1 $1.000000010e-07, v9  }
0x29b: {  	v12 =	vor.u32 @p1 $0x100, v10  }
0x29c: {  	(erf) = vrcp.f32 @p1 v9;
	v9 =	vor.u32 @p1 $0x180, v10  }
0x29d: {  	[tilespmem:$0xB400] =	vst @p0 v8;
	s13 =	simm.s32 @p1 $0xB480;
	v8 =	vor.u32 @p1 $0x200, v10  }
0x29e: {  	[tilespmem:v10+s13+$0x0] =	vst.idx.msk @p1 vm0, v5;
	v5 =	vor.u32 @p1 $0x280, v10  }
0x29f: {  	[tilespmem:v11+s13+$0x0] =	vst.idx.msk @p1 vm0, v1  }
0x2a0: {  	[tilespmem:v12+s13+$0x0] =	vst.idx.msk @p1 vm0, v2  }
0x2a1: {  	[tilespmem:v9+s13+$0x0] =	vst.idx.msk @p1 vm0, v3  }
0x2a2: {  	[tilespmem:v8+s13+$0x0] =	vst.idx.msk @p1 vm0, v4  }
0x2a3: {  	[tilespmem:v5+s13+$0x0] =	vst.idx.msk @p1 vm0, v6  }
0x2a4: {  	v1 =	vld @p1 [tilespmem:$0xB400]  }
0x2a5: {  	v2 =	vpop @p1 (erf)  }
0x2a6: {  	s31 =	spop (v2sf);
	s13 =	simm.s32 $0x1;
	v2 =	vmul.f32 @p1 v2, v7  }
0x2a7: {  	p0 =	sle.f32 s31, $2.500000000e-01;
	s13 =	simm.s32 @!p1 $0x0  }
0x2a8: {  	s12 =	sadd.s32 s13, s12;
	vm0 =	vgt.f32 @p1 v2, $4.499999880e-01  }
0x2a9: {  	s13 =	simm.s32 @p0 $0x12C;
	[smem:$0x0] =	sst s12;
	v1 =	vsel @p1 vm0, $0x3F800000, v1  }
0x2aa: {  	s12 =	simm.s32 @p0 $0x12C;
	[smem:$0x0] =	sst @p0 s13;
	[tilespmem:$0xB400] =	vst @p1 v1  }
.LBB2_27:
0x2ab: {  	s11 =	sadd.s32 $0x1, s11  }
0x2ac: {  	p0 =	sne.s32 s11, $0x139  }
.Ltmp11:
0x2ad: {  	_ = 	snop;
	(pc) =	sbr.rel @!p0 .LBB2_28-.Ltmp11, $1  }
0x2ae: {  	_ =	sdelay $0x3  }
.LBB2_17:
0x2af: {  	p0 =	sgt.s32 s12, $0x12B  }
.Ltmp12:
0x2b0: {  	_ = 	snop;
	(pc) =	sbr.rel @p0 .LBB2_27-.Ltmp12, $1  }
0x2b1: {  	_ =	sdelay $0x3  }
0x2b2: {  	s13 =	sshll.u32 s11, $0x4  }
0x2b3: {  	s13 =	sand.u32 $0x3FFFFFF0, s13  }
0x2b4: {  	v1 =	vld [tilespmem:s13+$0xA000];
	_ =	sdelay $0x4  }
0x2b5: {  	v2 =	vshll.u32 v1, $0x3  }
0x2b6: {  	v1 =	vand.u32 $0x7F, v1;
	v2 =	vand.u32 $0xFFFFFC00, v2  }
0x2b7: {  	v1 =	vor.u32 v1, v2  }
0x2b8: {  	v2 =	vor.u32 $0x80, v1  }
0x2b9: {  	v3 =	vor.u32 $0x100, v1  }
0x2ba: {  	v4 =	vor.u32 $0x180, v1  }
0x2bb: {  	v6 =	vor.u32 $0x200, v1  }
0x2bc: {  	v5 =	vld.idx.msk [tilespmem:v1+s6+$0x0], $0xffff  }
0x2bd: {  	v1 =	vld.idx.msk [tilespmem:v2+s6+$0x0], $0xffff  }
0x2be: {  	v2 =	vld.idx.msk [tilespmem:v3+s6+$0x0], $0xffff  }
0x2bf: {  	s31 =	sadd.s32 $0x3, s12;
	v3 =	vld.idx.msk [tilespmem:v4+s6+$0x0], $0xffff  }
0x2c0: {  	s13 =	sshrl.u32 s31, $0x2;
	v4 =	vld.idx.msk [tilespmem:v6+s6+$0x0], $0xffff  }
0x2c1: {  	p0 =	seq.s32 s13, $0x0  }
.Ltmp13:
0x2c2: {  	_ = 	snop;
	(pc) =	sbr.rel @p0 .LBB2_26-.Ltmp13, $4  }
0x2c3: {  	_ = 	snop  }
0x2c4: {  	v6 =	vsub.f32 v2, v5;
	v7 =	vsub.f32 v3, v1  }
0x2c5: {  	vm0 =	vle.f32 v4, $2.500000000e-01  }
0x2c6: {  	s14 =	simm.s32 $0x3;
	v6 =	vmul.f32 v7, v6;
	v7 =	vsel vm0, $0x3F800000, v0  }
0x2c7: {  	s15 =	simm.s32 $0x1  }
0x2c8: {  	s30 =	simm.s32 $0x2;
	v8 =	vmov s15  }
0x2c9: {  	v10 =	vmov s30;
	v9 =	vshll.u32 v8, $0x3  }
0x2ca: {  	v8 =	vand.u32 $0x7D, v8;
	v11 =	vshll.u32 v10, $0x3;
	v9 =	vand.u32 $0xFFFFFC00, v9  }
0x2cb: {  	v10 =	vand.u32 $0x7E, v10;
	v11 =	vand.u32 $0xFFFFFC00, v11;
	v8 =	vor.u32 v8, v9  }
0x2cc: {  	v10 =	vor.u32 v10, v11  }
0x2cd: {  	v9 =	vor.u32 $0x80, v8  }
0x2ce: {  	s31 =	simm.s32 $0x0;
	v12 =	vor.u32 $0x100, v8  }
0x2cf: {  	v13 =	vmov s31;
	v14 =	vor.u32 $0x180, v8  }
0x2d0: {  	v11 =	vshll.u32 v13, $0x3;
	v15 =	vor.u32 $0x180, v10;
	v8 =	vld.idx.msk [tilespmem:v8+s9+$0x0], $0xffff  }
0x2d1: {  	v13 =	vand.u32 $0x7C, v13;
	v11 =	vand.u32 $0xFFFFFC00, v11;
	v17 =	vor.u32 $0x80, v10;
	v16 =	vld.idx.msk [tilespmem:v10+s9+$0x0], $0xffff  }
0x2d2: {  	v11 =	vor.u32 v13, v11;
	v9 =	vld.idx.msk [tilespmem:v9+s9+$0x0], $0xffff  }
0x2d3: {  	v13 =	vor.u32 $0x100, v11;
	v12 =	vld.idx.msk [tilespmem:v12+s9+$0x0], $0xffff  }
0x2d4: {  	v18 =	vor.u32 $0x80, v11;
	v14 =	vld.idx.msk [tilespmem:v14+s9+$0x0], $0xffff  }
0x2d5: {  	v19 =	vor.u32 $0x180, v11;
	v15 =	vld.idx.msk [tilespmem:v15+s9+$0x0], $0xffff  }
0x2d6: {  	v10 =	vor.u32 $0x100, v10;
	v17 =	vld.idx.msk [tilespmem:v17+s9+$0x0], $0xffff  }
0x2d7: {  	v11 =	vld.idx.msk [tilespmem:v11+s9+$0x0], $0xffff  }
0x2d8: {  	v13 =	vld.idx.msk [tilespmem:v13+s9+$0x0], $0xffff  }
0x2d9: {  	v18 =	vld.idx.msk [tilespmem:v18+s9+$0x0], $0xffff;
	v20 =	vmax.f32 v8, v5  }
0x2da: {  	v21 =	vmin.f32 v12, v2;
	v8 =	vsub.f32 v12, v8;
	v12 =	vld.idx.msk [tilespmem:v19+s9+$0x0], $0xffff;
	v19 =	vmax.f32 v9, v1  }
0x2db: {  	v10 =	vld.idx.msk [tilespmem:v10+s9+$0x0], $0xffff;
	v9 =	vsub.f32 v14, v9;
	v14 =	vmin.f32 v14, v3;
	v22 =	vmin.f32 v15, v3  }
0x2dc: {  	v24 =	vmax.f32 v17, v1;
	v15 =	vsub.f32 v15, v17;
	v20 =	vsub.f32 v21, v20  }
0x2dd: {  	v21 =	vmax.f32 v16, v5;
	v14 =	vsub.f32 v14, v19;
	v23 =	vsub.f32 v13, v11  }
0x2de: {  	v13 =	vmin.f32 v13, v2;
	v11 =	vmax.f32 v11, v5;
	v20 =	vmax.f32 v20, $0.0e+00  }
0x2df: {  	v13 =	vsub.f32 v13, v11;
	v11 =	vmul.f32 v9, v8;
	v17 =	vsub.f32 v12, v18  }
0x2e0: {  	v14 =	vmax.f32 v14, $0.0e+00;
	v16 =	vsub.f32 v10, v16;
	v10 =	vmin.f32 v10, v2  }
0x2e1: {  	v18 =	vmax.f32 v18, v1;
	v12 =	vmin.f32 v12, v3;
	v17 =	vmul.f32 v17, v23  }
0x2e2: {  	p1 =	sne.s32 s13, $0x1;
	v8 =	vsub.f32 v10, v21;
	v10 =	vmax.f32 v13, $0.0e+00;
	v13 =	vmul.f32 v15, v16  }
.Ltmp14:
0x2e3: {  	v15 =	vsub.f32 v22, v24;
	v16 =	vmov s14;
	v9 =	vadd.f32 v17, v6;
	(pc) =	sbr.rel @!p1 .LBB2_20-.Ltmp14, $4  }
0x2e4: {  	v17 =	vmax.f32 v8, $0.0e+00;
	v8 =	vmul.f32 v14, v20;
	v14 =	vshll.u32 v16, $0x3  }
0x2e5: {  	v15 =	vmax.f32 v15, $0.0e+00;
	v16 =	vand.u32 $0x7F, v16;
	v14 =	vand.u32 $0xFFFFFC00, v14  }
0x2e6: {  	v20 =	vsub.f32 v12, v18;
	v15 =	vmul.f32 v15, v17;
	v21 =	vor.u32 v16, v14  }
0x2e7: {  	s13 =	sadd.s32 $0xFFFFFFFF, s13;
	p0 =	por $0x0, $0x0;
	s14 =	simm.s32 $0x7;
	v16 =	vadd.f32 v13, v6;
	v19 =	vor.u32 $0x80, v21;
	v22 =	vor.u32 $0x100, v21  }
0x2e8: {  	s15 =	simm.s32 $0x5  }
0x2e9: {  	v12 =	vor.u32 $0x180, v21;
	s31 =	simm.s32 $0x6;
	v17 =	vmax.f32 v20, $0.0e+00;
	v13 =	vmov s15  }
0x2ea: {  	v11 =	vadd.f32 v11, v6;
	v20 =	vmov s31;
	v14 =	vshll.u32 v13, $0x3  }
0x2eb: {  	v13 =	vand.u32 $0x7D, v13;
	v24 =	vshll.u32 v20, $0x3;
	v14 =	vand.u32 $0xFFFFFC00, v14  }
0x2ec: {  	s16 =	simm.s32 $0x4;
	v18 =	vld.idx.msk [tilespmem:v21+s9+$0x0], $0xffff;
	v20 =	vand.u32 $0x7E, v20;
	v24 =	vand.u32 $0xFFFFFC00, v24;
	v13 =	vor.u32 v13, v14  }
0x2ed: {  	v19 =	vld.idx.msk [tilespmem:v19+s9+$0x0], $0xffff;
	v21 =	vmov s16;
	v20 =	vor.u32 v20, v24  }
0x2ee: {  	v16 =	vsub.f32 v16, v15;
	v11 =	vsub.f32 v11, v8;
	v14 =	vld.idx.msk [tilespmem:v22+s9+$0x0], $0xffff;
	v23 =	vor.u32 $0x80, v13  }
0x2ef: {  	v22 =	vshll.u32 v21, $0x3;
	v21 =	vand.u32 $0x7C, v21;
	v12 =	vld.idx.msk [tilespmem:v12+s9+$0x0], $0xffff;
	v25 =	vor.u32 $0x100, v13  }
0x2f0: {  	v11 =	vadd.f32 $1.000000010e-07, v11;
	v22 =	vand.u32 $0xFFFFFC00, v22;
	v31 =	vor.u32 $0x80, v20  }
0x2f1: {  	v24 =	vor.u32 $0x180, v13;
	v21 =	vor.u32 v21, v22;
	v22 =	vor.u32 $0x180, v20;
	v13 =	vld.idx.msk [tilespmem:v13+s9+$0x0], $0xffff  }
0x2f2: {  	v16 =	vadd.f32 $1.000000010e-07, v16;
	v26 =	vmax.f32 v18, v5;
	v32 =	vld.idx.msk [tilespmem:v20+s9+$0x0], $0xffff  }
0x2f3: {  	(erf) = vrcp.f32 v11;
	v28 =	vor.u32 $0x100, v21;
	v18 =	vsub.f32 v14, v18;
	v23 =	vld.idx.msk [tilespmem:v23+s9+$0x0], $0xffff  }
0x2f4: {  	v14 =	vmin.f32 v14, v2;
	v20 =	vor.u32 $0x100, v20;
	v25 =	vld.idx.msk [tilespmem:v25+s9+$0x0], $0xffff;
	v30 =	vsub.f32 v12, v19  }
0x2f5: {  	v19 =	vmax.f32 v19, v1;
	v12 =	vmin.f32 v12, v3;
	v14 =	vsub.f32 v14, v26;
	v62 =	vld.idx.msk [tilespmem:v31+s9+$0x0], $0xffff  }
0x2f6: {  	v27 =	vor.u32 $0x80, v21;
	v12 =	vsub.f32 v12, v19;
	v19 =	vld.idx.msk [tilespmem:v22+s9+$0x0], $0xffff;
	v22 =	vmul.f32 v17, v10  }
0x2f7: {  	v29 =	vor.u32 $0x180, v21;
	v24 =	vld.idx.msk [tilespmem:v24+s9+$0x0], $0xffff;
	v18 =	vmul.f32 v30, v18;
	v10 =	vmax.f32 v14, $0.0e+00  }
0x2f8: {  	v17 =	vld.idx.msk [tilespmem:v21+s9+$0x0], $0xffff;
	v9 =	vsub.f32 v9, v22;
	v12 =	vmax.f32 v12, $0.0e+00;
	v26 =	vmax.f32 v13, v5  }
0x2f9: {  	v14 =	vadd.f32 v18, v6;
	v11 =	vld.idx.msk [tilespmem:v20+s9+$0x0], $0xffff;
	v18 =	vsub.f32 v25, v13;
	v13 =	vmin.f32 v25, v2  }
0x2fa: {  	v20 =	vmax.f32 v32, v5;
	v25 =	vld.idx.msk [tilespmem:v28+s9+$0x0], $0xffff;
	v26 =	vsub.f32 v13, v26;
	v13 =	vmul.f32 v12, v10  }
0x2fb: {  	v21 =	vmax.f32 v23, v1;
	v9 =	vadd.f32 $1.000000010e-07, v9;
	v63 =	vmax.f32 v62, v1;
	v10 =	vld.idx.msk [tilespmem:v27+s9+$0x0], $0xffff  }
0x2fc: {  	v12 =	vsub.f32 v24, v23;
	v23 =	vmax.f32 v26, $0.0e+00;
	v26 =	vld.idx.msk [tilespmem:v29+s9+$0x0], $0xffff;
	v14 =	vsub.f32 v14, v13  }
0x2fd: {  	v24 =	vmin.f32 v24, v3;
	v27 =	vmin.f32 v19, v3;
	(erf) = vrcp.f32 v9  }
0x2fe: {  	v19 =	vsub.f32 v19, v62;
	(erf) = vrcp.f32 v16;
	v14 =	vadd.f32 $1.000000010e-07, v14  }
0x2ff: {  	v16 =	vsub.f32 v24, v21;
	v24 =	vmin.f32 v11, v2;
	v9 =	vsub.f32 v25, v17  }
0x300: {  	v25 =	vmin.f32 v25, v2;
	v17 =	vmax.f32 v17, v5;
	(erf) = vrcp.f32 v14  }
0x301: {  	v16 =	vmax.f32 v16, $0.0e+00;
	v21 =	vmax.f32 v10, v1;
	v14 =	vsub.f32 v26, v10  }
0x302: {  	v10 =	vsub.f32 v25, v17;
	v17 =	vsub.f32 v11, v32;
	v11 =	vmul.f32 v12, v18  }
0x303: {  	v12 =	vsub.f32 v24, v20;
	v9 =	vmul.f32 v14, v9;
	v14 =	vsub.f32 v27, v63  }
0x304: {  	v26 =	vmin.f32 v26, v3;
	v24 =	vmul.f32 v16, v23  }
0x305: {  	p1 =	sne.s32 s13, $0x1;
	v16 =	vmov s14;
	v12 =	vmax.f32 v12, $0.0e+00;
	v14 =	vmax.f32 v14, $0.0e+00  }
.Ltmp15:
0x306: {  	v18 =	vmul.f32 v19, v17;
	v17 =	vpop (erf);
	v14 =	vmul.f32 v14, v12;
	v12 =	vshll.u32 v16, $0x3;
	(pc) =	sbr.rel @!p1 .LBB2_22-.Ltmp15, $4  }
0x307: {  	v20 =	vsub.f32 v26, v21;
	v10 =	vmax.f32 v10, $0.0e+00;
	v19 =	vpop (erf);
	v12 =	vand.u32 $0xFFFFFC00, v12  }
0x308: {  	v9 =	vadd.f32 v9, v6;
	v25 =	vmul.f32 v19, v22;
	v19 =	vand.u32 $0x7F, v16;
	v22 =	vpop (erf)  }
0x309: {  	v16 =	vadd.f32 v18, v6;
	v21 =	vor.u32 v19, v12;
	v18 =	vmul.f32 v22, v15;
	v23 =	vpop (erf)  }
0x30a: {  	s13 =	sadd.s32 $0xFFFFFFFF, s13;
	p0 =	por $0x1, $0x1;
	s14 =	simm.s32 $0xB;
	v19 =	vor.u32 $0x80, v21;
	v22 =	vor.u32 $0x100, v21;
	vm0 =	vgt.f32 v25, $4.499999880e-01;
	v12 =	vmovc v7  }
.LBB2_23:
0x30b: {  	s15 =	sadd.s32 $0xFFFFFFFE, s14;
	s16 =	sadd.s32 $0xFFFFFFFF, s14;
	p1 =	sne.s32 s13, $0x1;
	v15 =	vmax.f32 v20, $0.0e+00;
	v20 =	vor.u32 $0x180, v21;
	v13 =	vmul.f32 v23, v13  }
0x30c: {  	s13 =	sadd.s32 $0xFFFFFFFF, s13;
	v17 =	vmul.f32 v17, v8;
	v8 =	vmovc v24;
	v23 =	vmov s15;
	v25 =	vmov s16  }
0x30d: {  	s15 =	sadd.s32 $0xFFFFFFFD, s14;
	v24 =	vand.u32 $0x7D, v23;
	v23 =	vshll.u32 v23, $0x3;
	vm1 =	vgt.f32 v13, $4.499999880e-01  }
0x30e: {  	v13 =	vmov s15;
	vm2 =	vgt.f32 v17, $4.499999880e-01;
	v23 =	vand.u32 $0xFFFFFC00, v23;
	v21 =	vld.idx.msk [tilespmem:v21+s9+$0x0], $0xffff  }
0x30f: {  	vm3 =	vgt.f32 v18, $4.499999880e-01;
	v17 =	vshll.u32 v13, $0x3;
	v23 =	vor.u32 v24, v23;
	v22 =	vld.idx.msk [tilespmem:v22+s9+$0x0], $0xffff  }
0x310: {  	vm1 =	vmor vm1, vm3;
	v18 =	vor.u32 $0x80, v23;
	v24 =	vor.u32 $0x100, v23;
	v20 =	vld.idx.msk [tilespmem:v20+s9+$0x0], $0xffff  }
0x311: {  	v26 =	vand.u32 $0x7E, v25;
	v25 =	vshll.u32 v25, $0x3;
	vm1 =	vmor vm1, vm2;
	v19 =	vld.idx.msk [tilespmem:v19+s9+$0x0], $0xffff  }
0x312: {  	v25 =	vand.u32 $0xFFFFFC00, v25;
	v17 =	vand.u32 $0xFFFFFC00, v17;
	vm0 =	vmor vm1, vm0  }
0x313: {  	v13 =	vand.u32 $0x7C, v13;
	v25 =	vor.u32 v26, v25;
	v27 =	vor.u32 $0x180, v23  }
0x314: {  	v13 =	vor.u32 v13, v17;
	v26 =	vmax.f32 v21, v5;
	v17 =	vld.idx.msk [tilespmem:v23+s9+$0x0], $0xffff;
	v23 =	vor.u32 $0x180, v25  }
0x315: {  	v16 =	vsub.f32 v16, v14;
	v28 =	vor.u32 $0x80, v13;
	v29 =	vor.u32 $0x100, v13;
	v18 =	vld.idx.msk [tilespmem:v18+s9+$0x0], $0xffff  }
0x316: {  	v30 =	vor.u32 $0x180, v13;
	v12 =	vsel vm0, $0x3F800000, v12;
	v21 =	vsub.f32 v22, v21;
	v24 =	vld.idx.msk [tilespmem:v24+s9+$0x0], $0xffff  }
0x317: {  	v22 =	vmin.f32 v22, v2;
	v31 =	vsub.f32 v20, v19;
	v19 =	vmax.f32 v19, v1  }
0x318: {  	v11 =	vadd.f32 v11, v6;
	v33 =	vor.u32 $0x80, v25;
	v20 =	vmin.f32 v20, v3;
	v32 =	vld.idx.msk [tilespmem:v25+s9+$0x0], $0xffff  }
0x319: {  	v22 =	vsub.f32 v22, v26;
	v25 =	vor.u32 $0x100, v25;
	v21 =	vmul.f32 v31, v21;
	v27 =	vld.idx.msk [tilespmem:v27+s9+$0x0], $0xffff  }
0x31a: {  	v11 =	vsub.f32 v11, v8;
	v19 =	vsub.f32 v20, v19;
	v26 =	vmax.f32 v17, v5;
	v23 =	vld.idx.msk [tilespmem:v23+s9+$0x0], $0xffff  }
0x31b: {  	v15 =	vmul.f32 v15, v10;
	v10 =	vmax.f32 v22, $0.0e+00;
	v21 =	vadd.f32 v21, v6;
	v20 =	vld.idx.msk [tilespmem:v13+s9+$0x0], $0xffff  }
0x31c: {  	v17 =	vsub.f32 v24, v17;
	v13 =	vmin.f32 v24, v2;
	v22 =	vld.idx.msk [tilespmem:v29+s9+$0x0], $0xffff;
	v29 =	vmax.f32 v18, v1  }
0x31d: {  	v9 =	vsub.f32 v9, v15;
	v24 =	vsub.f32 v13, v26;
	v13 =	vmax.f32 v19, $0.0e+00;
	v26 =	vld.idx.msk [tilespmem:v33+s9+$0x0], $0xffff  }
0x31e: {  	v16 =	vadd.f32 $1.000000010e-07, v16;
	v11 =	vadd.f32 $1.000000010e-07, v11;
	v13 =	vmul.f32 v13, v10;
	v19 =	vld.idx.msk [tilespmem:v28+s9+$0x0], $0xffff  }
0x31f: {  	v9 =	vadd.f32 $1.000000010e-07, v9;
	v18 =	vsub.f32 v27, v18;
	v24 =	vmax.f32 v24, $0.0e+00;
	v10 =	vld.idx.msk [tilespmem:v30+s9+$0x0], $0xffff  }
0x320: {  	v27 =	vmin.f32 v27, v3;
	v21 =	vsub.f32 v21, v13;
	v25 =	vld.idx.msk [tilespmem:v25+s9+$0x0], $0xffff;
	(erf) = vrcp.f32 v11  }
0x321: {  	v28 =	vmax.f32 v32, v5;
	v30 =	vmin.f32 v23, v3;
	(erf) = vrcp.f32 v9  }
0x322: {  	v9 =	vsub.f32 v22, v20;
	v11 =	vmin.f32 v22, v2;
	v21 =	vadd.f32 $1.000000010e-07, v21  }
0x323: {  	v20 =	vmax.f32 v20, v5;
	v22 =	vmax.f32 v26, v1;
	(erf) = vrcp.f32 v16  }
0x324: {  	v23 =	vsub.f32 v23, v26;
	v16 =	vsub.f32 v27, v29;
	(erf) = vrcp.f32 v21  }
0x325: {  	v21 =	vsub.f32 v10, v19;
	v19 =	vmax.f32 v19, v1;
	v26 =	vmin.f32 v10, v3  }
0x326: {  	v10 =	vsub.f32 v11, v20;
	v20 =	vsub.f32 v25, v32;
	v25 =	vmin.f32 v25, v2  }
0x327: {  	v11 =	vmul.f32 v18, v17;
	v9 =	vmul.f32 v21, v9;
	v25 =	vsub.f32 v25, v28  }
0x328: {  	v10 =	vmax.f32 v10, $0.0e+00;
	v18 =	vmul.f32 v23, v20;
	v23 =	vsub.f32 v30, v22  }
0x329: {  	v16 =	vmax.f32 v16, $0.0e+00;
	v9 =	vadd.f32 v9, v6;
	v21 =	vmax.f32 v25, $0.0e+00;
	v17 =	vpop (erf)  }
.Ltmp16:
0x32a: {  	v24 =	vmul.f32 v16, v24;
	v16 =	vmax.f32 v23, $0.0e+00;
	v23 =	vmov s14;
	v20 =	vpop (erf);
	(pc) =	sbr.rel @p1 .LBB2_23-.Ltmp16, $4  }
0x32b: {  	v25 =	vmul.f32 v16, v21;
	v16 =	vshll.u32 v23, $0x3;
	v15 =	vmul.f32 v20, v15  }
0x32c: {  	v20 =	vsub.f32 v26, v19;
	v19 =	vand.u32 $0x7F, v23;
	v21 =	vand.u32 $0xFFFFFC00, v16;
	v22 =	vpop (erf)  }
0x32d: {  	v16 =	vadd.f32 v18, v6;
	v21 =	vor.u32 v19, v21;
	v18 =	vmul.f32 v22, v14;
	v23 =	vpop (erf)  }
0x32e: {  	s14 =	sadd.s32 $0x4, s14;
	v19 =	vor.u32 $0x80, v21;
	v22 =	vor.u32 $0x100, v21;
	vm0 =	vgt.f32 v15, $4.499999880e-01;
	v14 =	vmovc v25  }
.Ltmp17:
0x32f: {  	(pc) =	sbr.rel .LBB2_25-.Ltmp17, $2  }
0x330: {  	_ =	sdelay $0x2  }
0x331: {  	v25 =	vmov v8;
	v8 =	vmov v24;
	v15 =	vmov v14  }
.LBB2_22:
.Ltmp18:
0x332: {  	(pc) =	sbr.rel .LBB2_25-.Ltmp18, $2  }
0x333: {  	_ =	sdelay $0x2  }
0x334: {  	v25 =	vmovc v8;
	v8 =	vmov v24;
	v15 =	vmov v14;
	v12 =	vmov v7  }
.Lfunc_end2:
_tile_overlayer_lowered:
.L_overlay_start_2:
0x335: {  	(tag) =	ssettag $0x2  }
0x336: {  	s0 =	rddreg [dreg:$0x0];
	s2 =	stileid.u32  }
0x337: {  	s1 =	rddreg [dreg:$0x1];
	p0 =	sne.s32 s2, $0x0  }
0x338: {  	s3 =	rddreg [dreg:$0x2];
	[bflag:$0x3] =	sbarrier.arrive $0xFFFF;
	s2 =	simm.s32 @!p0 $0x1C01  }
0x339: {  	[timem:s3], [sflag:s2] =	dma.local @!p0 [hbm:s0], s1  }
0x33a: {  	s0 =	simm.s32 @!p0 $0x1  }
0x33b: {  	_ =	swait.ge @!p0 [sflag:s0], s1  }
0x33c: {  	s1 =	ssub.s32 @!p0 $0x0, s1;
	[sflag:s0] =	ssyncset.done @!p0 $0x0  }
0x33d: {  	[sflag:s0] =	ssyncadd.s32 @!p0 s1  }
0x33e: {  	[bflag:$0x3] =	sbarrier.arrive $0xFFFF  }
0x33f: {  	_ =	shalt  }

</sc_bundles>
